<compile_context>
chip_gen: v7x
topology: tpu7x:2x2x1
jax: 0.10.2.dev20260603
libtpu: 0.0.44.dev20260713+nightly
codegen_flags: <defaults>
</compile_context>

<pallas_src>
import dataclasses
import functools

import numpy as np

import jax
import jax.numpy as jnp
from jax import lax
from jax.experimental import pallas as pl
from jax.experimental.pallas import tpu as pltpu
from jax.experimental.pallas import tpu_sc as plsc

N = 524288
K = 512
NC = 2
NS = 16
NW = NC * NS
L = 16
CHUNK = N // NW
T_LEN = 2 * K
REG_LEVELS = 2
GATHER_LEVELS = 9 - REG_LEVELS


def _tree_index_maps():
    perm = np.zeros(K - 1, np.int32)
    for j in range(K - 1):
        lvl = (j + 1).bit_length() - 1
        pos = j - ((1 << lvl) - 1)
        span = K >> lvl
        perm[j] = pos * span + span // 2 - 1
    a = np.zeros(T_LEN, np.int32)
    b = np.zeros(T_LEN, np.int32)
    a[: K - 1] = perm
    b[: K - 1] = perm + 1
    a[K - 1 : T_LEN - 1] = b[K - 1 : T_LEN - 1] = np.arange(K)
    return a.reshape(1, T_LEN), b.reshape(1, T_LEN)


_A_MAP, _B_MAP = _tree_index_maps()


def _prep_body(cb_col_ref, cb_row_ref, a_ref, b_ref, t_ref):
    ci = cb_col_ref[...]
    cj = cb_row_ref[...]
    ii = lax.broadcasted_iota(jnp.int32, (K, K), 0)
    jj = lax.broadcasted_iota(jnp.int32, (K, K), 1)
    gt = (ci > cj) | ((ci == cj) & (ii > jj))
    rank = jnp.sum(gt.astype(jnp.int32), axis=1, keepdims=True)
    sel = (rank == a_ref[...]).astype(jnp.float32) + (
        rank == b_ref[...]
    ).astype(jnp.float32)
    t_ref[...] = 0.5 * jnp.sum(sel * ci, axis=0, keepdims=True)


_prep = pl.pallas_call(
    _prep_body,
    out_shape=jax.ShapeDtypeStruct((1, T_LEN), jnp.float32),
)


NQ = 4
QC = CHUNK // NQ


def _vq_body(param_hbm, t_hbm, out_hbm, t_v, x_v, o_v,
             in_s0, in_s1, in_s2, in_s3, out_sem):
    wid = lax.axis_index("s") * NC + lax.axis_index("c")
    base = wid * CHUNK
    in_sems = (in_s0, in_s1, in_s2, in_s3)

    in_copies = [
        pltpu.async_copy(
            param_hbm.at[pl.ds(base + q * QC, QC)],
            x_v.at[pl.ds(q * QC, QC)],
            in_sems[q],
        )
        for q in range(NQ)
    ]
    pltpu.sync_copy(t_hbm, t_v)

    sp = t_v[pl.ds(0, L)]
    splits = [jnp.full((L,), sp[t]) for t in range((1 << REG_LEVELS) - 1)]

    out_copies = []
    for q in range(NQ):
        in_copies[q].wait()

        @plsc.parallel_loop(q * QC, (q + 1) * QC, step=L, unroll=4)
        def _(i):
            x = x_v[pl.ds(i, L)]
            j = jnp.full((L,), (1 << REG_LEVELS) - 1, jnp.int32)
            for s in splits:
                j = jnp.where(s <= x, j + 1, j)
            for _lvl in range(GATHER_LEVELS):
                m = plsc.load_gather(t_v, [j])
                j = j + j + jnp.where(m <= x, 2, 1)
            o_v[pl.ds(i, L)] = plsc.load_gather(t_v, [j])

        out_copies.append(
            pltpu.async_copy(
                o_v.at[pl.ds(q * QC, QC)],
                out_hbm.at[pl.ds(base + q * QC, QC)],
                out_sem,
            )
        )

    for c in out_copies:
        c.wait()


@functools.cache
def _make_vq():
    cp = pltpu.CompilerParams()
    if "needs_layout_passes" in pltpu.CompilerParams.__dataclass_fields__:
        cp = dataclasses.replace(cp, needs_layout_passes=False)
    return pl.kernel(
        _vq_body,
        compiler_params=cp,
        out_type=jax.ShapeDtypeStruct((N,), jnp.float32),
        mesh=plsc.VectorSubcoreMesh(core_axis_name="c", subcore_axis_name="s"),
        scratch_types=[
            pltpu.VMEM((T_LEN,), jnp.float32),
            pltpu.VMEM((CHUNK,), jnp.float32),
            pltpu.VMEM((CHUNK,), jnp.float32),
            pltpu.SemaphoreType.DMA,
            pltpu.SemaphoreType.DMA,
            pltpu.SemaphoreType.DMA,
            pltpu.SemaphoreType.DMA,
            pltpu.SemaphoreType.DMA,
        ],
    )


@jax.jit
def kernel(param, y, codebook):
    cb_col = codebook.reshape(K, 1)
    cb_row = codebook.reshape(1, K)
    tree = _prep(cb_col, cb_row, jnp.asarray(_A_MAP), jnp.asarray(_B_MAP))
    quantized = _make_vq()(param, tree.reshape(T_LEN))
    return (quantized, y)

# --- scband reference (transcript-rebuilt; emitter-appended) ---
"""Pipeline reference for scband-quantize-transform-16982300688838 (READ-ONLY COPY).

The authoritative reference and input builder live on the scoring server;
editing this copy changes nothing except your own understanding.
"""

import jax, jax.numpy as jnp
import numpy as np

N = 524288
K = 512
DIM = 1

def setup_inputs(seed: int = 0) -> dict:
    key = jax.random.key(seed)
    k1, k2, k3 = jax.random.split(key, 3)
    param = jax.random.normal(k1, (N,), dtype=jnp.float32)
    y = jax.random.normal(k2, (1024,), dtype=jnp.float32)
    # learned VQ codebook: K codes of dim 1 (scalar quantization of weights)
    codebook = jax.random.normal(k3, (K, DIM), dtype=jnp.float32)
    return {"param": param, "y": y, "codebook": codebook}

def reference(param, y, codebook):
    # QuantizeTransform.forward: flatten each model parameter, unsqueeze(-1) -> [N, 1],
    # run VectorQuantize (nearest codebook entry, straight-through estimator),
    # write quantized values back, return (quantized_model_weights, y).
    x = param[:, None]  # [N, 1]
    # squared L2 distances to every codebook entry: [N, K]
    x_sq = jnp.sum(x * x, axis=1, keepdims=True)            # [N, 1]
    cb_sq = jnp.sum(codebook * codebook, axis=1)[None, :]   # [1, K]
    dists = x_sq - 2.0 * (x @ codebook.T) + cb_sq           # [N, K]
    idx = jnp.argmin(dists, axis=1)                          # [N]
    q = jnp.take(codebook, idx, axis=0)                      # [N, 1]
    # straight-through estimator as in vector-quantize-pytorch
    q = x + jax.lax.stop_gradient(q - x)
    quantized_param = q[:, 0]                                # [N]
    return (quantized_param, y)

if __name__ == "__main__":
    import jax
    _d = setup_inputs()
    print(jax.jit(kernel)(*tuple(_d.values())))

</pallas_src>

<mosaic_0001>
#map = affine_map<(d0, d1) -> (0)>
module attributes {stable_mosaic.version = 14 : i64} {
  func.func @_vq_body(%arg0: i32, %arg1: i32, %arg2: memref<524288xf32, #tpu.memory_space<hbm>>, %arg3: memref<1024xf32, #tpu.memory_space<hbm>>, %arg4: memref<524288xf32, #tpu.memory_space<hbm>>, %arg5: memref<1024xf32, #tpu.memory_space<vmem>>, %arg6: memref<16384xf32, #tpu.memory_space<vmem>>, %arg7: memref<16384xf32, #tpu.memory_space<vmem>>, %arg8: memref<!tpu.dma_semaphore, #tpu.memory_space<semaphore_mem>>, %arg9: memref<!tpu.dma_semaphore, #tpu.memory_space<semaphore_mem>>, %arg10: memref<!tpu.dma_semaphore, #tpu.memory_space<semaphore_mem>>, %arg11: memref<!tpu.dma_semaphore, #tpu.memory_space<semaphore_mem>>, %arg12: memref<!tpu.dma_semaphore, #tpu.memory_space<semaphore_mem>>) attributes {dimension_semantics = [#tpu.dimension_semantics<core_parallel>, #tpu.dimension_semantics<subcore_parallel>], iteration_bounds = array<i64: 2, 16>, scalar_prefetch = 0 : i64, scratch_operands = 8 : i64, tpu.core_type = #tpu.core_type<sc_vector_subcore>, window_params = [{transform_indices = #map}, {transform_indices = #map}, {transform_indices = #map}]} {
    %mul3A = arith.constant 2 : i32
    %mul3A_0 = arith.muli %arg1, %mul3A : i32
    %add3A = arith.addi %mul3A_0, %arg0 : i32
    %mul3A_1 = arith.constant 16384 : i32
    %mul3A_2 = arith.muli %add3A, %mul3A_1 : i32
    %add3A_3 = arith.constant 0 : i32
    %add3A_4 = arith.addi %mul3A_2, %add3A_3 : i32
    %dma_start3A = arith.constant 0 : i32
    %dma_start3A_5 = tpu.memref_slice %arg6[%dma_start3A] : memref<16384xf32, #tpu.memory_space<vmem>> -> memref<4096xf32, #tpu.memory_space<vmem>>
    %dma_start3A_6 = tpu.memref_slice %arg2[%add3A_4] : memref<524288xf32, #tpu.memory_space<hbm>> -> memref<4096xf32, #tpu.memory_space<hbm>>
    %dma_start3A_7 = arith.constant 0 : i32
    %dma_start3A_8 = tpu.memref_slice %arg6[%dma_start3A_7] : memref<16384xf32, #tpu.memory_space<vmem>> -> memref<4096xf32, #tpu.memory_space<vmem>>
    %dma_start3A_9 = tpu.memref_slice %arg2[%add3A_4] : memref<524288xf32, #tpu.memory_space<hbm>> -> memref<4096xf32, #tpu.memory_space<hbm>>
    tpu.enqueue_dma source(%dma_start3A_9 : memref<4096xf32, #tpu.memory_space<hbm>>) target(%dma_start3A_8 : memref<4096xf32, #tpu.memory_space<vmem>>) target_semaphore(%arg8 : memref<!tpu.dma_semaphore, #tpu.memory_space<semaphore_mem>>)
    %add3A_10 = arith.constant 4096 : i32
    %add3A_11 = arith.addi %mul3A_2, %add3A_10 : i32
    %dma_start3A_12 = arith.constant 4096 : i32
    %dma_start3A_13 = tpu.memref_slice %arg6[%dma_start3A_12] : memref<16384xf32, #tpu.memory_space<vmem>> -> memref<4096xf32, #tpu.memory_space<vmem>>
    %dma_start3A_14 = tpu.memref_slice %arg2[%add3A_11] : memref<524288xf32, #tpu.memory_space<hbm>> -> memref<4096xf32, #tpu.memory_space<hbm>>
    %dma_start3A_15 = arith.constant 4096 : i32
    %dma_start3A_16 = tpu.memref_slice %arg6[%dma_start3A_15] : memref<16384xf32, #tpu.memory_space<vmem>> -> memref<4096xf32, #tpu.memory_space<vmem>>
    %dma_start3A_17 = tpu.memref_slice %arg2[%add3A_11] : memref<524288xf32, #tpu.memory_space<hbm>> -> memref<4096xf32, #tpu.memory_space<hbm>>
    tpu.enqueue_dma source(%dma_start3A_17 : memref<4096xf32, #tpu.memory_space<hbm>>) target(%dma_start3A_16 : memref<4096xf32, #tpu.memory_space<vmem>>) target_semaphore(%arg9 : memref<!tpu.dma_semaphore, #tpu.memory_space<semaphore_mem>>)
    %add3A_18 = arith.constant 8192 : i32
    %add3A_19 = arith.addi %mul3A_2, %add3A_18 : i32
    %dma_start3A_20 = arith.constant 8192 : i32
    %dma_start3A_21 = tpu.memref_slice %arg6[%dma_start3A_20] : memref<16384xf32, #tpu.memory_space<vmem>> -> memref<4096xf32, #tpu.memory_space<vmem>>
    %dma_start3A_22 = tpu.memref_slice %arg2[%add3A_19] : memref<524288xf32, #tpu.memory_space<hbm>> -> memref<4096xf32, #tpu.memory_space<hbm>>
    %dma_start3A_23 = arith.constant 8192 : i32
    %dma_start3A_24 = tpu.memref_slice %arg6[%dma_start3A_23] : memref<16384xf32, #tpu.memory_space<vmem>> -> memref<4096xf32, #tpu.memory_space<vmem>>
    %dma_start3A_25 = tpu.memref_slice %arg2[%add3A_19] : memref<524288xf32, #tpu.memory_space<hbm>> -> memref<4096xf32, #tpu.memory_space<hbm>>
    tpu.enqueue_dma source(%dma_start3A_25 : memref<4096xf32, #tpu.memory_space<hbm>>) target(%dma_start3A_24 : memref<4096xf32, #tpu.memory_space<vmem>>) target_semaphore(%arg10 : memref<!tpu.dma_semaphore, #tpu.memory_space<semaphore_mem>>)
    %add3A_26 = arith.constant 12288 : i32
    %add3A_27 = arith.addi %mul3A_2, %add3A_26 : i32
    %dma_start3A_28 = arith.constant 12288 : i32
    %dma_start3A_29 = tpu.memref_slice %arg6[%dma_start3A_28] : memref<16384xf32, #tpu.memory_space<vmem>> -> memref<4096xf32, #tpu.memory_space<vmem>>
    %dma_start3A_30 = tpu.memref_slice %arg2[%add3A_27] : memref<524288xf32, #tpu.memory_space<hbm>> -> memref<4096xf32, #tpu.memory_space<hbm>>
    %dma_start3A_31 = arith.constant 12288 : i32
    %dma_start3A_32 = tpu.memref_slice %arg6[%dma_start3A_31] : memref<16384xf32, #tpu.memory_space<vmem>> -> memref<4096xf32, #tpu.memory_space<vmem>>
    %dma_start3A_33 = tpu.memref_slice %arg2[%add3A_27] : memref<524288xf32, #tpu.memory_space<hbm>> -> memref<4096xf32, #tpu.memory_space<hbm>>
    tpu.enqueue_dma source(%dma_start3A_33 : memref<4096xf32, #tpu.memory_space<hbm>>) target(%dma_start3A_32 : memref<4096xf32, #tpu.memory_space<vmem>>) target_semaphore(%arg11 : memref<!tpu.dma_semaphore, #tpu.memory_space<semaphore_mem>>)
    "tpu.region"() ({
      %run_scoped3A = tpu.sem_alloc : memref<!tpu.dma_semaphore, #tpu.memory_space<semaphore_mem>>
      tpu.enqueue_dma source(%arg3 : memref<1024xf32, #tpu.memory_space<hbm>>) target(%arg5 : memref<1024xf32, #tpu.memory_space<vmem>>) target_semaphore(%run_scoped3A : memref<!tpu.dma_semaphore, #tpu.memory_space<semaphore_mem>>)
      tpu.wait_dma2 semaphore(%run_scoped3A : memref<!tpu.dma_semaphore, #tpu.memory_space<semaphore_mem>>) src(%arg3 : memref<1024xf32, #tpu.memory_space<hbm>>) dst(%arg5 : memref<1024xf32, #tpu.memory_space<vmem>>)
      tpu.yield
    }) : () -> ()
    %get3A = arith.constant 0 : index
    %get3A_34 = tpu.vector_load %arg5[%get3A] {strides = array<i32>} : memref<1024xf32, #tpu.memory_space<vmem>>, vector<16xf32>,
    %slice3A = vector.extract_strided_slice %get3A_34 {offsets = [0], sizes = [1], strides = [1]} : vector<16xf32> to vector<1xf32>
    %squeeze3A = vector.extract %slice3A[0] : f32 from vector<1xf32>
    %broadcast_in_dim3A = vector.broadcast %squeeze3A : f32 to vector<16xf32>
    %slice3A_35 = vector.extract_strided_slice %get3A_34 {offsets = [1], sizes = [1], strides = [1]} : vector<16xf32> to vector<1xf32>
    %squeeze3A_36 = vector.extract %slice3A_35[0] : f32 from vector<1xf32>
    %broadcast_in_dim3A_37 = vector.broadcast %squeeze3A_36 : f32 to vector<16xf32>
    %slice3A_38 = vector.extract_strided_slice %get3A_34 {offsets = [2], sizes = [1], strides = [1]} : vector<16xf32> to vector<1xf32>
    %squeeze3A_39 = vector.extract %slice3A_38[0] : f32 from vector<1xf32>
    %broadcast_in_dim3A_40 = vector.broadcast %squeeze3A_39 : f32 to vector<16xf32>
    %dma_wait3A = arith.constant 0 : i32
    %dma_wait3A_41 = tpu.memref_slice %arg6[%dma_wait3A] : memref<16384xf32, #tpu.memory_space<vmem>> -> memref<4096xf32, #tpu.memory_space<vmem>>
    %dma_wait3A_42 = tpu.memref_slice %arg2[%add3A_4] : memref<524288xf32, #tpu.memory_space<hbm>> -> memref<4096xf32, #tpu.memory_space<hbm>>
    %dma_wait3A_43 = arith.constant 0 : i32
    %dma_wait3A_44 = tpu.memref_slice %arg6[%dma_wait3A_43] : memref<16384xf32, #tpu.memory_space<vmem>> -> memref<4096xf32, #tpu.memory_space<vmem>>
    %dma_wait3A_45 = tpu.memref_slice %arg2[%add3A_4] : memref<524288xf32, #tpu.memory_space<hbm>> -> memref<4096xf32, #tpu.memory_space<hbm>>
    tpu.wait_dma2 semaphore(%arg8 : memref<!tpu.dma_semaphore, #tpu.memory_space<semaphore_mem>>) src(%dma_wait3A_45 : memref<4096xf32, #tpu.memory_space<hbm>>) dst(%dma_wait3A_44 : memref<4096xf32, #tpu.memory_space<vmem>>)
    %parallel_loop3A = arith.constant 0 : i32
    %parallel_loop3A_46 = arith.constant 4096 : i32
    %parallel_loop3A_47 = arith.constant 16 : i32
    scf.for %parallel_loop3A_131 = %parallel_loop3A to %parallel_loop3A_46 step %parallel_loop3A_47  : i32 {
      %parallel_loop3A_132 = arith.index_cast %parallel_loop3A_131 : i32 to index
      %parallel_loop3A_133 = tpu.vector_load %arg6[%parallel_loop3A_132] {strides = array<i32>} : memref<16384xf32, #tpu.memory_space<vmem>>, vector<16xf32>,
      %parallel_loop3A_134 = arith.constant 3 : i32
      %parallel_loop3A_135 = vector.broadcast %parallel_loop3A_134 : i32 to vector<16xi32>
      %parallel_loop3A_136 = arith.cmpf ole, %broadcast_in_dim3A, %parallel_loop3A_133 : vector<16xf32>
      %parallel_loop3A_137 = arith.constant 1 : i32
      %parallel_loop3A_138 = vector.broadcast %parallel_loop3A_137 : i32 to vector<16xi32>
      %parallel_loop3A_139 = arith.addi %parallel_loop3A_135, %parallel_loop3A_138 : vector<16xi32>
      %parallel_loop3A_140 = arith.select %parallel_loop3A_136, %parallel_loop3A_139, %parallel_loop3A_135 : vector<16xi1>, vector<16xi32>
      %parallel_loop3A_141 = arith.cmpf ole, %broadcast_in_dim3A_37, %parallel_loop3A_133 : vector<16xf32>
      %parallel_loop3A_142 = arith.constant 1 : i32
      %parallel_loop3A_143 = vector.broadcast %parallel_loop3A_142 : i32 to vector<16xi32>
      %parallel_loop3A_144 = arith.addi %parallel_loop3A_140, %parallel_loop3A_143 : vector<16xi32>
      %parallel_loop3A_145 = arith.select %parallel_loop3A_141, %parallel_loop3A_144, %parallel_loop3A_140 : vector<16xi1>, vector<16xi32>
      %parallel_loop3A_146 = arith.cmpf ole, %broadcast_in_dim3A_40, %parallel_loop3A_133 : vector<16xf32>
      %parallel_loop3A_147 = arith.constant 1 : i32
      %parallel_loop3A_148 = vector.broadcast %parallel_loop3A_147 : i32 to vector<16xi32>
      %parallel_loop3A_149 = arith.addi %parallel_loop3A_145, %parallel_loop3A_148 : vector<16xi32>
      %parallel_loop3A_150 = arith.select %parallel_loop3A_146, %parallel_loop3A_149, %parallel_loop3A_145 : vector<16xi1>, vector<16xi32>
      %parallel_loop3A_151 = tpu.vector_load_idx %arg5[%parallel_loop3A_150] : memref<1024xf32, #tpu.memory_space<vmem>>[vector<16xi32>], vector<16xf32>,
      %parallel_loop3A_152 = arith.addi %parallel_loop3A_150, %parallel_loop3A_150 : vector<16xi32>
      %parallel_loop3A_153 = arith.cmpf ole, %parallel_loop3A_151, %parallel_loop3A_133 : vector<16xf32>
      %parallel_loop3A_154 = arith.constant 2 : i32
      %parallel_loop3A_155 = arith.constant 1 : i32
      %parallel_loop3A_156 = vector.broadcast %parallel_loop3A_154 : i32 to vector<16xi32>
      %parallel_loop3A_157 = vector.broadcast %parallel_loop3A_155 : i32 to vector<16xi32>
      %parallel_loop3A_158 = arith.select %parallel_loop3A_153, %parallel_loop3A_156, %parallel_loop3A_157 : vector<16xi1>, vector<16xi32>
      %parallel_loop3A_159 = arith.addi %parallel_loop3A_152, %parallel_loop3A_158 : vector<16xi32>
      %parallel_loop3A_160 = tpu.vector_load_idx %arg5[%parallel_loop3A_159] : memref<1024xf32, #tpu.memory_space<vmem>>[vector<16xi32>], vector<16xf32>,
      %parallel_loop3A_161 = arith.addi %parallel_loop3A_159, %parallel_loop3A_159 : vector<16xi32>
      %parallel_loop3A_162 = arith.cmpf ole, %parallel_loop3A_160, %parallel_loop3A_133 : vector<16xf32>
      %parallel_loop3A_163 = arith.constant 2 : i32
      %parallel_loop3A_164 = arith.constant 1 : i32
      %parallel_loop3A_165 = vector.broadcast %parallel_loop3A_163 : i32 to vector<16xi32>
      %parallel_loop3A_166 = vector.broadcast %parallel_loop3A_164 : i32 to vector<16xi32>
      %parallel_loop3A_167 = arith.select %parallel_loop3A_162, %parallel_loop3A_165, %parallel_loop3A_166 : vector<16xi1>, vector<16xi32>
      %parallel_loop3A_168 = arith.addi %parallel_loop3A_161, %parallel_loop3A_167 : vector<16xi32>
      %parallel_loop3A_169 = tpu.vector_load_idx %arg5[%parallel_loop3A_168] : memref<1024xf32, #tpu.memory_space<vmem>>[vector<16xi32>], vector<16xf32>,
      %parallel_loop3A_170 = arith.addi %parallel_loop3A_168, %parallel_loop3A_168 : vector<16xi32>
      %parallel_loop3A_171 = arith.cmpf ole, %parallel_loop3A_169, %parallel_loop3A_133 : vector<16xf32>
      %parallel_loop3A_172 = arith.constant 2 : i32
      %parallel_loop3A_173 = arith.constant 1 : i32
      %parallel_loop3A_174 = vector.broadcast %parallel_loop3A_172 : i32 to vector<16xi32>
      %parallel_loop3A_175 = vector.broadcast %parallel_loop3A_173 : i32 to vector<16xi32>
      %parallel_loop3A_176 = arith.select %parallel_loop3A_171, %parallel_loop3A_174, %parallel_loop3A_175 : vector<16xi1>, vector<16xi32>
      %parallel_loop3A_177 = arith.addi %parallel_loop3A_170, %parallel_loop3A_176 : vector<16xi32>
      %parallel_loop3A_178 = tpu.vector_load_idx %arg5[%parallel_loop3A_177] : memref<1024xf32, #tpu.memory_space<vmem>>[vector<16xi32>], vector<16xf32>,
      %parallel_loop3A_179 = arith.addi %parallel_loop3A_177, %parallel_loop3A_177 : vector<16xi32>
      %parallel_loop3A_180 = arith.cmpf ole, %parallel_loop3A_178, %parallel_loop3A_133 : vector<16xf32>
      %parallel_loop3A_181 = arith.constant 2 : i32
      %parallel_loop3A_182 = arith.constant 1 : i32
      %parallel_loop3A_183 = vector.broadcast %parallel_loop3A_181 : i32 to vector<16xi32>
      %parallel_loop3A_184 = vector.broadcast %parallel_loop3A_182 : i32 to vector<16xi32>
      %parallel_loop3A_185 = arith.select %parallel_loop3A_180, %parallel_loop3A_183, %parallel_loop3A_184 : vector<16xi1>, vector<16xi32>
      %parallel_loop3A_186 = arith.addi %parallel_loop3A_179, %parallel_loop3A_185 : vector<16xi32>
      %parallel_loop3A_187 = tpu.vector_load_idx %arg5[%parallel_loop3A_186] : memref<1024xf32, #tpu.memory_space<vmem>>[vector<16xi32>], vector<16xf32>,
      %parallel_loop3A_188 = arith.addi %parallel_loop3A_186, %parallel_loop3A_186 : vector<16xi32>
      %parallel_loop3A_189 = arith.cmpf ole, %parallel_loop3A_187, %parallel_loop3A_133 : vector<16xf32>
      %parallel_loop3A_190 = arith.constant 2 : i32
      %parallel_loop3A_191 = arith.constant 1 : i32
      %parallel_loop3A_192 = vector.broadcast %parallel_loop3A_190 : i32 to vector<16xi32>
      %parallel_loop3A_193 = vector.broadcast %parallel_loop3A_191 : i32 to vector<16xi32>
      %parallel_loop3A_194 = arith.select %parallel_loop3A_189, %parallel_loop3A_192, %parallel_loop3A_193 : vector<16xi1>, vector<16xi32>
      %parallel_loop3A_195 = arith.addi %parallel_loop3A_188, %parallel_loop3A_194 : vector<16xi32>
      %parallel_loop3A_196 = tpu.vector_load_idx %arg5[%parallel_loop3A_195] : memref<1024xf32, #tpu.memory_space<vmem>>[vector<16xi32>], vector<16xf32>,
      %parallel_loop3A_197 = arith.addi %parallel_loop3A_195, %parallel_loop3A_195 : vector<16xi32>
      %parallel_loop3A_198 = arith.cmpf ole, %parallel_loop3A_196, %parallel_loop3A_133 : vector<16xf32>
      %parallel_loop3A_199 = arith.constant 2 : i32
      %parallel_loop3A_200 = arith.constant 1 : i32
      %parallel_loop3A_201 = vector.broadcast %parallel_loop3A_199 : i32 to vector<16xi32>
      %parallel_loop3A_202 = vector.broadcast %parallel_loop3A_200 : i32 to vector<16xi32>
      %parallel_loop3A_203 = arith.select %parallel_loop3A_198, %parallel_loop3A_201, %parallel_loop3A_202 : vector<16xi1>, vector<16xi32>
      %parallel_loop3A_204 = arith.addi %parallel_loop3A_197, %parallel_loop3A_203 : vector<16xi32>
      %parallel_loop3A_205 = tpu.vector_load_idx %arg5[%parallel_loop3A_204] : memref<1024xf32, #tpu.memory_space<vmem>>[vector<16xi32>], vector<16xf32>,
      %parallel_loop3A_206 = arith.addi %parallel_loop3A_204, %parallel_loop3A_204 : vector<16xi32>
      %parallel_loop3A_207 = arith.cmpf ole, %parallel_loop3A_205, %parallel_loop3A_133 : vector<16xf32>
      %parallel_loop3A_208 = arith.constant 2 : i32
      %parallel_loop3A_209 = arith.constant 1 : i32
      %parallel_loop3A_210 = vector.broadcast %parallel_loop3A_208 : i32 to vector<16xi32>
      %parallel_loop3A_211 = vector.broadcast %parallel_loop3A_209 : i32 to vector<16xi32>
      %parallel_loop3A_212 = arith.select %parallel_loop3A_207, %parallel_loop3A_210, %parallel_loop3A_211 : vector<16xi1>, vector<16xi32>
      %parallel_loop3A_213 = arith.addi %parallel_loop3A_206, %parallel_loop3A_212 : vector<16xi32>
      %parallel_loop3A_214 = tpu.vector_load_idx %arg5[%parallel_loop3A_213] : memref<1024xf32, #tpu.memory_space<vmem>>[vector<16xi32>], vector<16xf32>,
      %parallel_loop3A_215 = arith.index_cast %parallel_loop3A_131 : i32 to index
      %parallel_loop3A_216 = tpu.vector_load %arg7[%parallel_loop3A_215] {strides = array<i32>} : memref<16384xf32, #tpu.memory_space<vmem>>, vector<16xf32>,
      tpu.vector_store %arg7[%parallel_loop3A_215], %parallel_loop3A_214 {strides = array<i32>} : memref<16384xf32, #tpu.memory_space<vmem>>, vector<16xf32>,
    } {sc.loop_unroll_factor = 4 : i64, sc.parallel_access}
    %add3A_48 = arith.constant 0 : i32
    %add3A_49 = arith.addi %mul3A_2, %add3A_48 : i32
    %dma_start3A_50 = arith.constant 0 : i32
    %dma_start3A_51 = tpu.memref_slice %arg7[%dma_start3A_50] : memref<16384xf32, #tpu.memory_space<vmem>> -> memref<4096xf32, #tpu.memory_space<vmem>>
    %dma_start3A_52 = tpu.memref_slice %arg4[%add3A_49] : memref<524288xf32, #tpu.memory_space<hbm>> -> memref<4096xf32, #tpu.memory_space<hbm>>
    %dma_start3A_53 = tpu.memref_slice %arg4[%add3A_49] : memref<524288xf32, #tpu.memory_space<hbm>> -> memref<4096xf32, #tpu.memory_space<hbm>>
    %dma_start3A_54 = arith.constant 0 : i32
    %dma_start3A_55 = tpu.memref_slice %arg7[%dma_start3A_54] : memref<16384xf32, #tpu.memory_space<vmem>> -> memref<4096xf32, #tpu.memory_space<vmem>>
    tpu.enqueue_dma source(%dma_start3A_55 : memref<4096xf32, #tpu.memory_space<vmem>>) target(%dma_start3A_53 : memref<4096xf32, #tpu.memory_space<hbm>>) target_semaphore(%arg12 : memref<!tpu.dma_semaphore, #tpu.memory_space<semaphore_mem>>)
    %dma_wait3A_56 = arith.constant 4096 : i32
    %dma_wait3A_57 = tpu.memref_slice %arg6[%dma_wait3A_56] : memref<16384xf32, #tpu.memory_space<vmem>> -> memref<4096xf32, #tpu.memory_space<vmem>>
    %dma_wait3A_58 = tpu.memref_slice %arg2[%add3A_11] : memref<524288xf32, #tpu.memory_space<hbm>> -> memref<4096xf32, #tpu.memory_space<hbm>>
    %dma_wait3A_59 = arith.constant 4096 : i32
    %dma_wait3A_60 = tpu.memref_slice %arg6[%dma_wait3A_59] : memref<16384xf32, #tpu.memory_space<vmem>> -> memref<4096xf32, #tpu.memory_space<vmem>>
    %dma_wait3A_61 = tpu.memref_slice %arg2[%add3A_11] : memref<524288xf32, #tpu.memory_space<hbm>> -> memref<4096xf32, #tpu.memory_space<hbm>>
    tpu.wait_dma2 semaphore(%arg9 : memref<!tpu.dma_semaphore, #tpu.memory_space<semaphore_mem>>) src(%dma_wait3A_61 : memref<4096xf32, #tpu.memory_space<hbm>>) dst(%dma_wait3A_60 : memref<4096xf32, #tpu.memory_space<vmem>>)
    %parallel_loop3A_62 = arith.constant 4096 : i32
    %parallel_loop3A_63 = arith.constant 8192 : i32
    %parallel_loop3A_64 = arith.constant 16 : i32
    scf.for %parallel_loop3A_131 = %parallel_loop3A_62 to %parallel_loop3A_63 step %parallel_loop3A_64  : i32 {
      %parallel_loop3A_132 = arith.index_cast %parallel_loop3A_131 : i32 to index
      %parallel_loop3A_133 = tpu.vector_load %arg6[%parallel_loop3A_132] {strides = array<i32>} : memref<16384xf32, #tpu.memory_space<vmem>>, vector<16xf32>,
      %parallel_loop3A_134 = arith.constant 3 : i32
      %parallel_loop3A_135 = vector.broadcast %parallel_loop3A_134 : i32 to vector<16xi32>
      %parallel_loop3A_136 = arith.cmpf ole, %broadcast_in_dim3A, %parallel_loop3A_133 : vector<16xf32>
      %parallel_loop3A_137 = arith.constant 1 : i32
      %parallel_loop3A_138 = vector.broadcast %parallel_loop3A_137 : i32 to vector<16xi32>
      %parallel_loop3A_139 = arith.addi %parallel_loop3A_135, %parallel_loop3A_138 : vector<16xi32>
      %parallel_loop3A_140 = arith.select %parallel_loop3A_136, %parallel_loop3A_139, %parallel_loop3A_135 : vector<16xi1>, vector<16xi32>
      %parallel_loop3A_141 = arith.cmpf ole, %broadcast_in_dim3A_37, %parallel_loop3A_133 : vector<16xf32>
      %parallel_loop3A_142 = arith.constant 1 : i32
      %parallel_loop3A_143 = vector.broadcast %parallel_loop3A_142 : i32 to vector<16xi32>
      %parallel_loop3A_144 = arith.addi %parallel_loop3A_140, %parallel_loop3A_143 : vector<16xi32>
      %parallel_loop3A_145 = arith.select %parallel_loop3A_141, %parallel_loop3A_144, %parallel_loop3A_140 : vector<16xi1>, vector<16xi32>
      %parallel_loop3A_146 = arith.cmpf ole, %broadcast_in_dim3A_40, %parallel_loop3A_133 : vector<16xf32>
      %parallel_loop3A_147 = arith.constant 1 : i32
      %parallel_loop3A_148 = vector.broadcast %parallel_loop3A_147 : i32 to vector<16xi32>
      %parallel_loop3A_149 = arith.addi %parallel_loop3A_145, %parallel_loop3A_148 : vector<16xi32>
      %parallel_loop3A_150 = arith.select %parallel_loop3A_146, %parallel_loop3A_149, %parallel_loop3A_145 : vector<16xi1>, vector<16xi32>
      %parallel_loop3A_151 = tpu.vector_load_idx %arg5[%parallel_loop3A_150] : memref<1024xf32, #tpu.memory_space<vmem>>[vector<16xi32>], vector<16xf32>,
      %parallel_loop3A_152 = arith.addi %parallel_loop3A_150, %parallel_loop3A_150 : vector<16xi32>
      %parallel_loop3A_153 = arith.cmpf ole, %parallel_loop3A_151, %parallel_loop3A_133 : vector<16xf32>
      %parallel_loop3A_154 = arith.constant 2 : i32
      %parallel_loop3A_155 = arith.constant 1 : i32
      %parallel_loop3A_156 = vector.broadcast %parallel_loop3A_154 : i32 to vector<16xi32>
      %parallel_loop3A_157 = vector.broadcast %parallel_loop3A_155 : i32 to vector<16xi32>
      %parallel_loop3A_158 = arith.select %parallel_loop3A_153, %parallel_loop3A_156, %parallel_loop3A_157 : vector<16xi1>, vector<16xi32>
      %parallel_loop3A_159 = arith.addi %parallel_loop3A_152, %parallel_loop3A_158 : vector<16xi32>
      %parallel_loop3A_160 = tpu.vector_load_idx %arg5[%parallel_loop3A_159] : memref<1024xf32, #tpu.memory_space<vmem>>[vector<16xi32>], vector<16xf32>,
      %parallel_loop3A_161 = arith.addi %parallel_loop3A_159, %parallel_loop3A_159 : vector<16xi32>
      %parallel_loop3A_162 = arith.cmpf ole, %parallel_loop3A_160, %parallel_loop3A_133 : vector<16xf32>
      %parallel_loop3A_163 = arith.constant 2 : i32
      %parallel_loop3A_164 = arith.constant 1 : i32
      %parallel_loop3A_165 = vector.broadcast %parallel_loop3A_163 : i32 to vector<16xi32>
      %parallel_loop3A_166 = vector.broadcast %parallel_loop3A_164 : i32 to vector<16xi32>
      %parallel_loop3A_167 = arith.select %parallel_loop3A_162, %parallel_loop3A_165, %parallel_loop3A_166 : vector<16xi1>, vector<16xi32>
      %parallel_loop3A_168 = arith.addi %parallel_loop3A_161, %parallel_loop3A_167 : vector<16xi32>
      %parallel_loop3A_169 = tpu.vector_load_idx %arg5[%parallel_loop3A_168] : memref<1024xf32, #tpu.memory_space<vmem>>[vector<16xi32>], vector<16xf32>,
      %parallel_loop3A_170 = arith.addi %parallel_loop3A_168, %parallel_loop3A_168 : vector<16xi32>
      %parallel_loop3A_171 = arith.cmpf ole, %parallel_loop3A_169, %parallel_loop3A_133 : vector<16xf32>
      %parallel_loop3A_172 = arith.constant 2 : i32
      %parallel_loop3A_173 = arith.constant 1 : i32
      %parallel_loop3A_174 = vector.broadcast %parallel_loop3A_172 : i32 to vector<16xi32>
      %parallel_loop3A_175 = vector.broadcast %parallel_loop3A_173 : i32 to vector<16xi32>
      %parallel_loop3A_176 = arith.select %parallel_loop3A_171, %parallel_loop3A_174, %parallel_loop3A_175 : vector<16xi1>, vector<16xi32>
      %parallel_loop3A_177 = arith.addi %parallel_loop3A_170, %parallel_loop3A_176 : vector<16xi32>
      %parallel_loop3A_178 = tpu.vector_load_idx %arg5[%parallel_loop3A_177] : memref<1024xf32, #tpu.memory_space<vmem>>[vector<16xi32>], vector<16xf32>,
      %parallel_loop3A_179 = arith.addi %parallel_loop3A_177, %parallel_loop3A_177 : vector<16xi32>
      %parallel_loop3A_180 = arith.cmpf ole, %parallel_loop3A_178, %parallel_loop3A_133 : vector<16xf32>
      %parallel_loop3A_181 = arith.constant 2 : i32
      %parallel_loop3A_182 = arith.constant 1 : i32
      %parallel_loop3A_183 = vector.broadcast %parallel_loop3A_181 : i32 to vector<16xi32>
      %parallel_loop3A_184 = vector.broadcast %parallel_loop3A_182 : i32 to vector<16xi32>
      %parallel_loop3A_185 = arith.select %parallel_loop3A_180, %parallel_loop3A_183, %parallel_loop3A_184 : vector<16xi1>, vector<16xi32>
      %parallel_loop3A_186 = arith.addi %parallel_loop3A_179, %parallel_loop3A_185 : vector<16xi32>
      %parallel_loop3A_187 = tpu.vector_load_idx %arg5[%parallel_loop3A_186] : memref<1024xf32, #tpu.memory_space<vmem>>[vector<16xi32>], vector<16xf32>,
      %parallel_loop3A_188 = arith.addi %parallel_loop3A_186, %parallel_loop3A_186 : vector<16xi32>
      %parallel_loop3A_189 = arith.cmpf ole, %parallel_loop3A_187, %parallel_loop3A_133 : vector<16xf32>
      %parallel_loop3A_190 = arith.constant 2 : i32
      %parallel_loop3A_191 = arith.constant 1 : i32
      %parallel_loop3A_192 = vector.broadcast %parallel_loop3A_190 : i32 to vector<16xi32>
      %parallel_loop3A_193 = vector.broadcast %parallel_loop3A_191 : i32 to vector<16xi32>
      %parallel_loop3A_194 = arith.select %parallel_loop3A_189, %parallel_loop3A_192, %parallel_loop3A_193 : vector<16xi1>, vector<16xi32>
      %parallel_loop3A_195 = arith.addi %parallel_loop3A_188, %parallel_loop3A_194 : vector<16xi32>
      %parallel_loop3A_196 = tpu.vector_load_idx %arg5[%parallel_loop3A_195] : memref<1024xf32, #tpu.memory_space<vmem>>[vector<16xi32>], vector<16xf32>,
      %parallel_loop3A_197 = arith.addi %parallel_loop3A_195, %parallel_loop3A_195 : vector<16xi32>
      %parallel_loop3A_198 = arith.cmpf ole, %parallel_loop3A_196, %parallel_loop3A_133 : vector<16xf32>
      %parallel_loop3A_199 = arith.constant 2 : i32
      %parallel_loop3A_200 = arith.constant 1 : i32
      %parallel_loop3A_201 = vector.broadcast %parallel_loop3A_199 : i32 to vector<16xi32>
      %parallel_loop3A_202 = vector.broadcast %parallel_loop3A_200 : i32 to vector<16xi32>
      %parallel_loop3A_203 = arith.select %parallel_loop3A_198, %parallel_loop3A_201, %parallel_loop3A_202 : vector<16xi1>, vector<16xi32>
      %parallel_loop3A_204 = arith.addi %parallel_loop3A_197, %parallel_loop3A_203 : vector<16xi32>
      %parallel_loop3A_205 = tpu.vector_load_idx %arg5[%parallel_loop3A_204] : memref<1024xf32, #tpu.memory_space<vmem>>[vector<16xi32>], vector<16xf32>,
      %parallel_loop3A_206 = arith.addi %parallel_loop3A_204, %parallel_loop3A_204 : vector<16xi32>
      %parallel_loop3A_207 = arith.cmpf ole, %parallel_loop3A_205, %parallel_loop3A_133 : vector<16xf32>
      %parallel_loop3A_208 = arith.constant 2 : i32
      %parallel_loop3A_209 = arith.constant 1 : i32
      %parallel_loop3A_210 = vector.broadcast %parallel_loop3A_208 : i32 to vector<16xi32>
      %parallel_loop3A_211 = vector.broadcast %parallel_loop3A_209 : i32 to vector<16xi32>
      %parallel_loop3A_212 = arith.select %parallel_loop3A_207, %parallel_loop3A_210, %parallel_loop3A_211 : vector<16xi1>, vector<16xi32>
      %parallel_loop3A_213 = arith.addi %parallel_loop3A_206, %parallel_loop3A_212 : vector<16xi32>
      %parallel_loop3A_214 = tpu.vector_load_idx %arg5[%parallel_loop3A_213] : memref<1024xf32, #tpu.memory_space<vmem>>[vector<16xi32>], vector<16xf32>,
      %parallel_loop3A_215 = arith.index_cast %parallel_loop3A_131 : i32 to index
      %parallel_loop3A_216 = tpu.vector_load %arg7[%parallel_loop3A_215] {strides = array<i32>} : memref<16384xf32, #tpu.memory_space<vmem>>, vector<16xf32>,
      tpu.vector_store %arg7[%parallel_loop3A_215], %parallel_loop3A_214 {strides = array<i32>} : memref<16384xf32, #tpu.memory_space<vmem>>, vector<16xf32>,
    } {sc.loop_unroll_factor = 4 : i64, sc.parallel_access}
    %add3A_65 = arith.constant 4096 : i32
    %add3A_66 = arith.addi %mul3A_2, %add3A_65 : i32
    %dma_start3A_67 = arith.constant 4096 : i32
    %dma_start3A_68 = tpu.memref_slice %arg7[%dma_start3A_67] : memref<16384xf32, #tpu.memory_space<vmem>> -> memref<4096xf32, #tpu.memory_space<vmem>>
    %dma_start3A_69 = tpu.memref_slice %arg4[%add3A_66] : memref<524288xf32, #tpu.memory_space<hbm>> -> memref<4096xf32, #tpu.memory_space<hbm>>
    %dma_start3A_70 = tpu.memref_slice %arg4[%add3A_66] : memref<524288xf32, #tpu.memory_space<hbm>> -> memref<4096xf32, #tpu.memory_space<hbm>>
    %dma_start3A_71 = arith.constant 4096 : i32
    %dma_start3A_72 = tpu.memref_slice %arg7[%dma_start3A_71] : memref<16384xf32, #tpu.memory_space<vmem>> -> memref<4096xf32, #tpu.memory_space<vmem>>
    tpu.enqueue_dma source(%dma_start3A_72 : memref<4096xf32, #tpu.memory_space<vmem>>) target(%dma_start3A_70 : memref<4096xf32, #tpu.memory_space<hbm>>) target_semaphore(%arg12 : memref<!tpu.dma_semaphore, #tpu.memory_space<semaphore_mem>>)
    %dma_wait3A_73 = arith.constant 8192 : i32
    %dma_wait3A_74 = tpu.memref_slice %arg6[%dma_wait3A_73] : memref<16384xf32, #tpu.memory_space<vmem>> -> memref<4096xf32, #tpu.memory_space<vmem>>
    %dma_wait3A_75 = tpu.memref_slice %arg2[%add3A_19] : memref<524288xf32, #tpu.memory_space<hbm>> -> memref<4096xf32, #tpu.memory_space<hbm>>
    %dma_wait3A_76 = arith.constant 8192 : i32
    %dma_wait3A_77 = tpu.memref_slice %arg6[%dma_wait3A_76] : memref<16384xf32, #tpu.memory_space<vmem>> -> memref<4096xf32, #tpu.memory_space<vmem>>
    %dma_wait3A_78 = tpu.memref_slice %arg2[%add3A_19] : memref<524288xf32, #tpu.memory_space<hbm>> -> memref<4096xf32, #tpu.memory_space<hbm>>
    tpu.wait_dma2 semaphore(%arg10 : memref<!tpu.dma_semaphore, #tpu.memory_space<semaphore_mem>>) src(%dma_wait3A_78 : memref<4096xf32, #tpu.memory_space<hbm>>) dst(%dma_wait3A_77 : memref<4096xf32, #tpu.memory_space<vmem>>)
    %parallel_loop3A_79 = arith.constant 8192 : i32
    %parallel_loop3A_80 = arith.constant 12288 : i32
    %parallel_loop3A_81 = arith.constant 16 : i32
    scf.for %parallel_loop3A_131 = %parallel_loop3A_79 to %parallel_loop3A_80 step %parallel_loop3A_81  : i32 {
      %parallel_loop3A_132 = arith.index_cast %parallel_loop3A_131 : i32 to index
      %parallel_loop3A_133 = tpu.vector_load %arg6[%parallel_loop3A_132] {strides = array<i32>} : memref<16384xf32, #tpu.memory_space<vmem>>, vector<16xf32>,
      %parallel_loop3A_134 = arith.constant 3 : i32
      %parallel_loop3A_135 = vector.broadcast %parallel_loop3A_134 : i32 to vector<16xi32>
      %parallel_loop3A_136 = arith.cmpf ole, %broadcast_in_dim3A, %parallel_loop3A_133 : vector<16xf32>
      %parallel_loop3A_137 = arith.constant 1 : i32
      %parallel_loop3A_138 = vector.broadcast %parallel_loop3A_137 : i32 to vector<16xi32>
      %parallel_loop3A_139 = arith.addi %parallel_loop3A_135, %parallel_loop3A_138 : vector<16xi32>
      %parallel_loop3A_140 = arith.select %parallel_loop3A_136, %parallel_loop3A_139, %parallel_loop3A_135 : vector<16xi1>, vector<16xi32>
      %parallel_loop3A_141 = arith.cmpf ole, %broadcast_in_dim3A_37, %parallel_loop3A_133 : vector<16xf32>
      %parallel_loop3A_142 = arith.constant 1 : i32
      %parallel_loop3A_143 = vector.broadcast %parallel_loop3A_142 : i32 to vector<16xi32>
      %parallel_loop3A_144 = arith.addi %parallel_loop3A_140, %parallel_loop3A_143 : vector<16xi32>
      %parallel_loop3A_145 = arith.select %parallel_loop3A_141, %parallel_loop3A_144, %parallel_loop3A_140 : vector<16xi1>, vector<16xi32>
      %parallel_loop3A_146 = arith.cmpf ole, %broadcast_in_dim3A_40, %parallel_loop3A_133 : vector<16xf32>
      %parallel_loop3A_147 = arith.constant 1 : i32
      %parallel_loop3A_148 = vector.broadcast %parallel_loop3A_147 : i32 to vector<16xi32>
      %parallel_loop3A_149 = arith.addi %parallel_loop3A_145, %parallel_loop3A_148 : vector<16xi32>
      %parallel_loop3A_150 = arith.select %parallel_loop3A_146, %parallel_loop3A_149, %parallel_loop3A_145 : vector<16xi1>, vector<16xi32>
      %parallel_loop3A_151 = tpu.vector_load_idx %arg5[%parallel_loop3A_150] : memref<1024xf32, #tpu.memory_space<vmem>>[vector<16xi32>], vector<16xf32>,
      %parallel_loop3A_152 = arith.addi %parallel_loop3A_150, %parallel_loop3A_150 : vector<16xi32>
      %parallel_loop3A_153 = arith.cmpf ole, %parallel_loop3A_151, %parallel_loop3A_133 : vector<16xf32>
      %parallel_loop3A_154 = arith.constant 2 : i32
      %parallel_loop3A_155 = arith.constant 1 : i32
      %parallel_loop3A_156 = vector.broadcast %parallel_loop3A_154 : i32 to vector<16xi32>
      %parallel_loop3A_157 = vector.broadcast %parallel_loop3A_155 : i32 to vector<16xi32>
      %parallel_loop3A_158 = arith.select %parallel_loop3A_153, %parallel_loop3A_156, %parallel_loop3A_157 : vector<16xi1>, vector<16xi32>
      %parallel_loop3A_159 = arith.addi %parallel_loop3A_152, %parallel_loop3A_158 : vector<16xi32>
      %parallel_loop3A_160 = tpu.vector_load_idx %arg5[%parallel_loop3A_159] : memref<1024xf32, #tpu.memory_space<vmem>>[vector<16xi32>], vector<16xf32>,
      %parallel_loop3A_161 = arith.addi %parallel_loop3A_159, %parallel_loop3A_159 : vector<16xi32>
      %parallel_loop3A_162 = arith.cmpf ole, %parallel_loop3A_160, %parallel_loop3A_133 : vector<16xf32>
      %parallel_loop3A_163 = arith.constant 2 : i32
      %parallel_loop3A_164 = arith.constant 1 : i32
      %parallel_loop3A_165 = vector.broadcast %parallel_loop3A_163 : i32 to vector<16xi32>
      %parallel_loop3A_166 = vector.broadcast %parallel_loop3A_164 : i32 to vector<16xi32>
      %parallel_loop3A_167 = arith.select %parallel_loop3A_162, %parallel_loop3A_165, %parallel_loop3A_166 : vector<16xi1>, vector<16xi32>
      %parallel_loop3A_168 = arith.addi %parallel_loop3A_161, %parallel_loop3A_167 : vector<16xi32>
      %parallel_loop3A_169 = tpu.vector_load_idx %arg5[%parallel_loop3A_168] : memref<1024xf32, #tpu.memory_space<vmem>>[vector<16xi32>], vector<16xf32>,
      %parallel_loop3A_170 = arith.addi %parallel_loop3A_168, %parallel_loop3A_168 : vector<16xi32>
      %parallel_loop3A_171 = arith.cmpf ole, %parallel_loop3A_169, %parallel_loop3A_133 : vector<16xf32>
      %parallel_loop3A_172 = arith.constant 2 : i32
      %parallel_loop3A_173 = arith.constant 1 : i32
      %parallel_loop3A_174 = vector.broadcast %parallel_loop3A_172 : i32 to vector<16xi32>
      %parallel_loop3A_175 = vector.broadcast %parallel_loop3A_173 : i32 to vector<16xi32>
      %parallel_loop3A_176 = arith.select %parallel_loop3A_171, %parallel_loop3A_174, %parallel_loop3A_175 : vector<16xi1>, vector<16xi32>
      %parallel_loop3A_177 = arith.addi %parallel_loop3A_170, %parallel_loop3A_176 : vector<16xi32>
      %parallel_loop3A_178 = tpu.vector_load_idx %arg5[%parallel_loop3A_177] : memref<1024xf32, #tpu.memory_space<vmem>>[vector<16xi32>], vector<16xf32>,
      %parallel_loop3A_179 = arith.addi %parallel_loop3A_177, %parallel_loop3A_177 : vector<16xi32>
      %parallel_loop3A_180 = arith.cmpf ole, %parallel_loop3A_178, %parallel_loop3A_133 : vector<16xf32>
      %parallel_loop3A_181 = arith.constant 2 : i32
      %parallel_loop3A_182 = arith.constant 1 : i32
      %parallel_loop3A_183 = vector.broadcast %parallel_loop3A_181 : i32 to vector<16xi32>
      %parallel_loop3A_184 = vector.broadcast %parallel_loop3A_182 : i32 to vector<16xi32>
      %parallel_loop3A_185 = arith.select %parallel_loop3A_180, %parallel_loop3A_183, %parallel_loop3A_184 : vector<16xi1>, vector<16xi32>
      %parallel_loop3A_186 = arith.addi %parallel_loop3A_179, %parallel_loop3A_185 : vector<16xi32>
      %parallel_loop3A_187 = tpu.vector_load_idx %arg5[%parallel_loop3A_186] : memref<1024xf32, #tpu.memory_space<vmem>>[vector<16xi32>], vector<16xf32>,
      %parallel_loop3A_188 = arith.addi %parallel_loop3A_186, %parallel_loop3A_186 : vector<16xi32>
      %parallel_loop3A_189 = arith.cmpf ole, %parallel_loop3A_187, %parallel_loop3A_133 : vector<16xf32>
      %parallel_loop3A_190 = arith.constant 2 : i32
      %parallel_loop3A_191 = arith.constant 1 : i32
      %parallel_loop3A_192 = vector.broadcast %parallel_loop3A_190 : i32 to vector<16xi32>
      %parallel_loop3A_193 = vector.broadcast %parallel_loop3A_191 : i32 to vector<16xi32>
      %parallel_loop3A_194 = arith.select %parallel_loop3A_189, %parallel_loop3A_192, %parallel_loop3A_193 : vector<16xi1>, vector<16xi32>
      %parallel_loop3A_195 = arith.addi %parallel_loop3A_188, %parallel_loop3A_194 : vector<16xi32>
      %parallel_loop3A_196 = tpu.vector_load_idx %arg5[%parallel_loop3A_195] : memref<1024xf32, #tpu.memory_space<vmem>>[vector<16xi32>], vector<16xf32>,
      %parallel_loop3A_197 = arith.addi %parallel_loop3A_195, %parallel_loop3A_195 : vector<16xi32>
      %parallel_loop3A_198 = arith.cmpf ole, %parallel_loop3A_196, %parallel_loop3A_133 : vector<16xf32>
      %parallel_loop3A_199 = arith.constant 2 : i32
      %parallel_loop3A_200 = arith.constant 1 : i32
      %parallel_loop3A_201 = vector.broadcast %parallel_loop3A_199 : i32 to vector<16xi32>
      %parallel_loop3A_202 = vector.broadcast %parallel_loop3A_200 : i32 to vector<16xi32>
      %parallel_loop3A_203 = arith.select %parallel_loop3A_198, %parallel_loop3A_201, %parallel_loop3A_202 : vector<16xi1>, vector<16xi32>
      %parallel_loop3A_204 = arith.addi %parallel_loop3A_197, %parallel_loop3A_203 : vector<16xi32>
      %parallel_loop3A_205 = tpu.vector_load_idx %arg5[%parallel_loop3A_204] : memref<1024xf32, #tpu.memory_space<vmem>>[vector<16xi32>], vector<16xf32>,
      %parallel_loop3A_206 = arith.addi %parallel_loop3A_204, %parallel_loop3A_204 : vector<16xi32>
      %parallel_loop3A_207 = arith.cmpf ole, %parallel_loop3A_205, %parallel_loop3A_133 : vector<16xf32>
      %parallel_loop3A_208 = arith.constant 2 : i32
      %parallel_loop3A_209 = arith.constant 1 : i32
      %parallel_loop3A_210 = vector.broadcast %parallel_loop3A_208 : i32 to vector<16xi32>
      %parallel_loop3A_211 = vector.broadcast %parallel_loop3A_209 : i32 to vector<16xi32>
      %parallel_loop3A_212 = arith.select %parallel_loop3A_207, %parallel_loop3A_210, %parallel_loop3A_211 : vector<16xi1>, vector<16xi32>
      %parallel_loop3A_213 = arith.addi %parallel_loop3A_206, %parallel_loop3A_212 : vector<16xi32>
      %parallel_loop3A_214 = tpu.vector_load_idx %arg5[%parallel_loop3A_213] : memref<1024xf32, #tpu.memory_space<vmem>>[vector<16xi32>], vector<16xf32>,
      %parallel_loop3A_215 = arith.index_cast %parallel_loop3A_131 : i32 to index
      %parallel_loop3A_216 = tpu.vector_load %arg7[%parallel_loop3A_215] {strides = array<i32>} : memref<16384xf32, #tpu.memory_space<vmem>>, vector<16xf32>,
      tpu.vector_store %arg7[%parallel_loop3A_215], %parallel_loop3A_214 {strides = array<i32>} : memref<16384xf32, #tpu.memory_space<vmem>>, vector<16xf32>,
    } {sc.loop_unroll_factor = 4 : i64, sc.parallel_access}
    %add3A_82 = arith.constant 8192 : i32
    %add3A_83 = arith.addi %mul3A_2, %add3A_82 : i32
    %dma_start3A_84 = arith.constant 8192 : i32
    %dma_start3A_85 = tpu.memref_slice %arg7[%dma_start3A_84] : memref<16384xf32, #tpu.memory_space<vmem>> -> memref<4096xf32, #tpu.memory_space<vmem>>
    %dma_start3A_86 = tpu.memref_slice %arg4[%add3A_83] : memref<524288xf32, #tpu.memory_space<hbm>> -> memref<4096xf32, #tpu.memory_space<hbm>>
    %dma_start3A_87 = tpu.memref_slice %arg4[%add3A_83] : memref<524288xf32, #tpu.memory_space<hbm>> -> memref<4096xf32, #tpu.memory_space<hbm>>
    %dma_start3A_88 = arith.constant 8192 : i32
    %dma_start3A_89 = tpu.memref_slice %arg7[%dma_start3A_88] : memref<16384xf32, #tpu.memory_space<vmem>> -> memref<4096xf32, #tpu.memory_space<vmem>>
    tpu.enqueue_dma source(%dma_start3A_89 : memref<4096xf32, #tpu.memory_space<vmem>>) target(%dma_start3A_87 : memref<4096xf32, #tpu.memory_space<hbm>>) target_semaphore(%arg12 : memref<!tpu.dma_semaphore, #tpu.memory_space<semaphore_mem>>)
    %dma_wait3A_90 = arith.constant 12288 : i32
    %dma_wait3A_91 = tpu.memref_slice %arg6[%dma_wait3A_90] : memref<16384xf32, #tpu.memory_space<vmem>> -> memref<4096xf32, #tpu.memory_space<vmem>>
    %dma_wait3A_92 = tpu.memref_slice %arg2[%add3A_27] : memref<524288xf32, #tpu.memory_space<hbm>> -> memref<4096xf32, #tpu.memory_space<hbm>>
    %dma_wait3A_93 = arith.constant 12288 : i32
    %dma_wait3A_94 = tpu.memref_slice %arg6[%dma_wait3A_93] : memref<16384xf32, #tpu.memory_space<vmem>> -> memref<4096xf32, #tpu.memory_space<vmem>>
    %dma_wait3A_95 = tpu.memref_slice %arg2[%add3A_27] : memref<524288xf32, #tpu.memory_space<hbm>> -> memref<4096xf32, #tpu.memory_space<hbm>>
    tpu.wait_dma2 semaphore(%arg11 : memref<!tpu.dma_semaphore, #tpu.memory_space<semaphore_mem>>) src(%dma_wait3A_95 : memref<4096xf32, #tpu.memory_space<hbm>>) dst(%dma_wait3A_94 : memref<4096xf32, #tpu.memory_space<vmem>>)
    %parallel_loop3A_96 = arith.constant 12288 : i32
    %parallel_loop3A_97 = arith.constant 16384 : i32
    %parallel_loop3A_98 = arith.constant 16 : i32
    scf.for %parallel_loop3A_131 = %parallel_loop3A_96 to %parallel_loop3A_97 step %parallel_loop3A_98  : i32 {
      %parallel_loop3A_132 = arith.index_cast %parallel_loop3A_131 : i32 to index
      %parallel_loop3A_133 = tpu.vector_load %arg6[%parallel_loop3A_132] {strides = array<i32>} : memref<16384xf32, #tpu.memory_space<vmem>>, vector<16xf32>,
      %parallel_loop3A_134 = arith.constant 3 : i32
      %parallel_loop3A_135 = vector.broadcast %parallel_loop3A_134 : i32 to vector<16xi32>
      %parallel_loop3A_136 = arith.cmpf ole, %broadcast_in_dim3A, %parallel_loop3A_133 : vector<16xf32>
      %parallel_loop3A_137 = arith.constant 1 : i32
      %parallel_loop3A_138 = vector.broadcast %parallel_loop3A_137 : i32 to vector<16xi32>
      %parallel_loop3A_139 = arith.addi %parallel_loop3A_135, %parallel_loop3A_138 : vector<16xi32>
      %parallel_loop3A_140 = arith.select %parallel_loop3A_136, %parallel_loop3A_139, %parallel_loop3A_135 : vector<16xi1>, vector<16xi32>
      %parallel_loop3A_141 = arith.cmpf ole, %broadcast_in_dim3A_37, %parallel_loop3A_133 : vector<16xf32>
      %parallel_loop3A_142 = arith.constant 1 : i32
      %parallel_loop3A_143 = vector.broadcast %parallel_loop3A_142 : i32 to vector<16xi32>
      %parallel_loop3A_144 = arith.addi %parallel_loop3A_140, %parallel_loop3A_143 : vector<16xi32>
      %parallel_loop3A_145 = arith.select %parallel_loop3A_141, %parallel_loop3A_144, %parallel_loop3A_140 : vector<16xi1>, vector<16xi32>
      %parallel_loop3A_146 = arith.cmpf ole, %broadcast_in_dim3A_40, %parallel_loop3A_133 : vector<16xf32>
      %parallel_loop3A_147 = arith.constant 1 : i32
      %parallel_loop3A_148 = vector.broadcast %parallel_loop3A_147 : i32 to vector<16xi32>
      %parallel_loop3A_149 = arith.addi %parallel_loop3A_145, %parallel_loop3A_148 : vector<16xi32>
      %parallel_loop3A_150 = arith.select %parallel_loop3A_146, %parallel_loop3A_149, %parallel_loop3A_145 : vector<16xi1>, vector<16xi32>
      %parallel_loop3A_151 = tpu.vector_load_idx %arg5[%parallel_loop3A_150] : memref<1024xf32, #tpu.memory_space<vmem>>[vector<16xi32>], vector<16xf32>,
      %parallel_loop3A_152 = arith.addi %parallel_loop3A_150, %parallel_loop3A_150 : vector<16xi32>
      %parallel_loop3A_153 = arith.cmpf ole, %parallel_loop3A_151, %parallel_loop3A_133 : vector<16xf32>
      %parallel_loop3A_154 = arith.constant 2 : i32
      %parallel_loop3A_155 = arith.constant 1 : i32
      %parallel_loop3A_156 = vector.broadcast %parallel_loop3A_154 : i32 to vector<16xi32>
      %parallel_loop3A_157 = vector.broadcast %parallel_loop3A_155 : i32 to vector<16xi32>
      %parallel_loop3A_158 = arith.select %parallel_loop3A_153, %parallel_loop3A_156, %parallel_loop3A_157 : vector<16xi1>, vector<16xi32>
      %parallel_loop3A_159 = arith.addi %parallel_loop3A_152, %parallel_loop3A_158 : vector<16xi32>
      %parallel_loop3A_160 = tpu.vector_load_idx %arg5[%parallel_loop3A_159] : memref<1024xf32, #tpu.memory_space<vmem>>[vector<16xi32>], vector<16xf32>,
      %parallel_loop3A_161 = arith.addi %parallel_loop3A_159, %parallel_loop3A_159 : vector<16xi32>
      %parallel_loop3A_162 = arith.cmpf ole, %parallel_loop3A_160, %parallel_loop3A_133 : vector<16xf32>
      %parallel_loop3A_163 = arith.constant 2 : i32
      %parallel_loop3A_164 = arith.constant 1 : i32
      %parallel_loop3A_165 = vector.broadcast %parallel_loop3A_163 : i32 to vector<16xi32>
      %parallel_loop3A_166 = vector.broadcast %parallel_loop3A_164 : i32 to vector<16xi32>
      %parallel_loop3A_167 = arith.select %parallel_loop3A_162, %parallel_loop3A_165, %parallel_loop3A_166 : vector<16xi1>, vector<16xi32>
      %parallel_loop3A_168 = arith.addi %parallel_loop3A_161, %parallel_loop3A_167 : vector<16xi32>
      %parallel_loop3A_169 = tpu.vector_load_idx %arg5[%parallel_loop3A_168] : memref<1024xf32, #tpu.memory_space<vmem>>[vector<16xi32>], vector<16xf32>,
      %parallel_loop3A_170 = arith.addi %parallel_loop3A_168, %parallel_loop3A_168 : vector<16xi32>
      %parallel_loop3A_171 = arith.cmpf ole, %parallel_loop3A_169, %parallel_loop3A_133 : vector<16xf32>
      %parallel_loop3A_172 = arith.constant 2 : i32
      %parallel_loop3A_173 = arith.constant 1 : i32
      %parallel_loop3A_174 = vector.broadcast %parallel_loop3A_172 : i32 to vector<16xi32>
      %parallel_loop3A_175 = vector.broadcast %parallel_loop3A_173 : i32 to vector<16xi32>
      %parallel_loop3A_176 = arith.select %parallel_loop3A_171, %parallel_loop3A_174, %parallel_loop3A_175 : vector<16xi1>, vector<16xi32>
      %parallel_loop3A_177 = arith.addi %parallel_loop3A_170, %parallel_loop3A_176 : vector<16xi32>
      %parallel_loop3A_178 = tpu.vector_load_idx %arg5[%parallel_loop3A_177] : memref<1024xf32, #tpu.memory_space<vmem>>[vector<16xi32>], vector<16xf32>,
      %parallel_loop3A_179 = arith.addi %parallel_loop3A_177, %parallel_loop3A_177 : vector<16xi32>
      %parallel_loop3A_180 = arith.cmpf ole, %parallel_loop3A_178, %parallel_loop3A_133 : vector<16xf32>
      %parallel_loop3A_181 = arith.constant 2 : i32
      %parallel_loop3A_182 = arith.constant 1 : i32
      %parallel_loop3A_183 = vector.broadcast %parallel_loop3A_181 : i32 to vector<16xi32>
      %parallel_loop3A_184 = vector.broadcast %parallel_loop3A_182 : i32 to vector<16xi32>
      %parallel_loop3A_185 = arith.select %parallel_loop3A_180, %parallel_loop3A_183, %parallel_loop3A_184 : vector<16xi1>, vector<16xi32>
      %parallel_loop3A_186 = arith.addi %parallel_loop3A_179, %parallel_loop3A_185 : vector<16xi32>
      %parallel_loop3A_187 = tpu.vector_load_idx %arg5[%parallel_loop3A_186] : memref<1024xf32, #tpu.memory_space<vmem>>[vector<16xi32>], vector<16xf32>,
      %parallel_loop3A_188 = arith.addi %parallel_loop3A_186, %parallel_loop3A_186 : vector<16xi32>
      %parallel_loop3A_189 = arith.cmpf ole, %parallel_loop3A_187, %parallel_loop3A_133 : vector<16xf32>
      %parallel_loop3A_190 = arith.constant 2 : i32
      %parallel_loop3A_191 = arith.constant 1 : i32
      %parallel_loop3A_192 = vector.broadcast %parallel_loop3A_190 : i32 to vector<16xi32>
      %parallel_loop3A_193 = vector.broadcast %parallel_loop3A_191 : i32 to vector<16xi32>
      %parallel_loop3A_194 = arith.select %parallel_loop3A_189, %parallel_loop3A_192, %parallel_loop3A_193 : vector<16xi1>, vector<16xi32>
      %parallel_loop3A_195 = arith.addi %parallel_loop3A_188, %parallel_loop3A_194 : vector<16xi32>
      %parallel_loop3A_196 = tpu.vector_load_idx %arg5[%parallel_loop3A_195] : memref<1024xf32, #tpu.memory_space<vmem>>[vector<16xi32>], vector<16xf32>,
      %parallel_loop3A_197 = arith.addi %parallel_loop3A_195, %parallel_loop3A_195 : vector<16xi32>
      %parallel_loop3A_198 = arith.cmpf ole, %parallel_loop3A_196, %parallel_loop3A_133 : vector<16xf32>
      %parallel_loop3A_199 = arith.constant 2 : i32
      %parallel_loop3A_200 = arith.constant 1 : i32
      %parallel_loop3A_201 = vector.broadcast %parallel_loop3A_199 : i32 to vector<16xi32>
      %parallel_loop3A_202 = vector.broadcast %parallel_loop3A_200 : i32 to vector<16xi32>
      %parallel_loop3A_203 = arith.select %parallel_loop3A_198, %parallel_loop3A_201, %parallel_loop3A_202 : vector<16xi1>, vector<16xi32>
      %parallel_loop3A_204 = arith.addi %parallel_loop3A_197, %parallel_loop3A_203 : vector<16xi32>
      %parallel_loop3A_205 = tpu.vector_load_idx %arg5[%parallel_loop3A_204] : memref<1024xf32, #tpu.memory_space<vmem>>[vector<16xi32>], vector<16xf32>,
      %parallel_loop3A_206 = arith.addi %parallel_loop3A_204, %parallel_loop3A_204 : vector<16xi32>
      %parallel_loop3A_207 = arith.cmpf ole, %parallel_loop3A_205, %parallel_loop3A_133 : vector<16xf32>
      %parallel_loop3A_208 = arith.constant 2 : i32
      %parallel_loop3A_209 = arith.constant 1 : i32
      %parallel_loop3A_210 = vector.broadcast %parallel_loop3A_208 : i32 to vector<16xi32>
      %parallel_loop3A_211 = vector.broadcast %parallel_loop3A_209 : i32 to vector<16xi32>
      %parallel_loop3A_212 = arith.select %parallel_loop3A_207, %parallel_loop3A_210, %parallel_loop3A_211 : vector<16xi1>, vector<16xi32>
      %parallel_loop3A_213 = arith.addi %parallel_loop3A_206, %parallel_loop3A_212 : vector<16xi32>
      %parallel_loop3A_214 = tpu.vector_load_idx %arg5[%parallel_loop3A_213] : memref<1024xf32, #tpu.memory_space<vmem>>[vector<16xi32>], vector<16xf32>,
      %parallel_loop3A_215 = arith.index_cast %parallel_loop3A_131 : i32 to index
      %parallel_loop3A_216 = tpu.vector_load %arg7[%parallel_loop3A_215] {strides = array<i32>} : memref<16384xf32, #tpu.memory_space<vmem>>, vector<16xf32>,
      tpu.vector_store %arg7[%parallel_loop3A_215], %parallel_loop3A_214 {strides = array<i32>} : memref<16384xf32, #tpu.memory_space<vmem>>, vector<16xf32>,
    } {sc.loop_unroll_factor = 4 : i64, sc.parallel_access}
    %add3A_99 = arith.constant 12288 : i32
    %add3A_100 = arith.addi %mul3A_2, %add3A_99 : i32
    %dma_start3A_101 = arith.constant 12288 : i32
    %dma_start3A_102 = tpu.memref_slice %arg7[%dma_start3A_101] : memref<16384xf32, #tpu.memory_space<vmem>> -> memref<4096xf32, #tpu.memory_space<vmem>>
    %dma_start3A_103 = tpu.memref_slice %arg4[%add3A_100] : memref<524288xf32, #tpu.memory_space<hbm>> -> memref<4096xf32, #tpu.memory_space<hbm>>
    %dma_start3A_104 = tpu.memref_slice %arg4[%add3A_100] : memref<524288xf32, #tpu.memory_space<hbm>> -> memref<4096xf32, #tpu.memory_space<hbm>>
    %dma_start3A_105 = arith.constant 12288 : i32
    %dma_start3A_106 = tpu.memref_slice %arg7[%dma_start3A_105] : memref<16384xf32, #tpu.memory_space<vmem>> -> memref<4096xf32, #tpu.memory_space<vmem>>
    tpu.enqueue_dma source(%dma_start3A_106 : memref<4096xf32, #tpu.memory_space<vmem>>) target(%dma_start3A_104 : memref<4096xf32, #tpu.memory_space<hbm>>) target_semaphore(%arg12 : memref<!tpu.dma_semaphore, #tpu.memory_space<semaphore_mem>>)
    %dma_wait3A_107 = arith.constant 0 : i32
    %dma_wait3A_108 = tpu.memref_slice %arg7[%dma_wait3A_107] : memref<16384xf32, #tpu.memory_space<vmem>> -> memref<4096xf32, #tpu.memory_space<vmem>>
    %dma_wait3A_109 = tpu.memref_slice %arg4[%add3A_49] : memref<524288xf32, #tpu.memory_space<hbm>> -> memref<4096xf32, #tpu.memory_space<hbm>>
    %dma_wait3A_110 = tpu.memref_slice %arg4[%add3A_49] : memref<524288xf32, #tpu.memory_space<hbm>> -> memref<4096xf32, #tpu.memory_space<hbm>>
    %dma_wait3A_111 = arith.constant 0 : i32
    %dma_wait3A_112 = tpu.memref_slice %arg7[%dma_wait3A_111] : memref<16384xf32, #tpu.memory_space<vmem>> -> memref<4096xf32, #tpu.memory_space<vmem>>
    tpu.wait_dma2 semaphore(%arg12 : memref<!tpu.dma_semaphore, #tpu.memory_space<semaphore_mem>>) src(%dma_wait3A_112 : memref<4096xf32, #tpu.memory_space<vmem>>) dst(%dma_wait3A_110 : memref<4096xf32, #tpu.memory_space<hbm>>)
    %dma_wait3A_113 = arith.constant 4096 : i32
    %dma_wait3A_114 = tpu.memref_slice %arg7[%dma_wait3A_113] : memref<16384xf32, #tpu.memory_space<vmem>> -> memref<4096xf32, #tpu.memory_space<vmem>>
    %dma_wait3A_115 = tpu.memref_slice %arg4[%add3A_66] : memref<524288xf32, #tpu.memory_space<hbm>> -> memref<4096xf32, #tpu.memory_space<hbm>>
    %dma_wait3A_116 = tpu.memref_slice %arg4[%add3A_66] : memref<524288xf32, #tpu.memory_space<hbm>> -> memref<4096xf32, #tpu.memory_space<hbm>>
    %dma_wait3A_117 = arith.constant 4096 : i32
    %dma_wait3A_118 = tpu.memref_slice %arg7[%dma_wait3A_117] : memref<16384xf32, #tpu.memory_space<vmem>> -> memref<4096xf32, #tpu.memory_space<vmem>>
    tpu.wait_dma2 semaphore(%arg12 : memref<!tpu.dma_semaphore, #tpu.memory_space<semaphore_mem>>) src(%dma_wait3A_118 : memref<4096xf32, #tpu.memory_space<vmem>>) dst(%dma_wait3A_116 : memref<4096xf32, #tpu.memory_space<hbm>>)
    %dma_wait3A_119 = arith.constant 8192 : i32
    %dma_wait3A_120 = tpu.memref_slice %arg7[%dma_wait3A_119] : memref<16384xf32, #tpu.memory_space<vmem>> -> memref<4096xf32, #tpu.memory_space<vmem>>
    %dma_wait3A_121 = tpu.memref_slice %arg4[%add3A_83] : memref<524288xf32, #tpu.memory_space<hbm>> -> memref<4096xf32, #tpu.memory_space<hbm>>
    %dma_wait3A_122 = tpu.memref_slice %arg4[%add3A_83] : memref<524288xf32, #tpu.memory_space<hbm>> -> memref<4096xf32, #tpu.memory_space<hbm>>
    %dma_wait3A_123 = arith.constant 8192 : i32
    %dma_wait3A_124 = tpu.memref_slice %arg7[%dma_wait3A_123] : memref<16384xf32, #tpu.memory_space<vmem>> -> memref<4096xf32, #tpu.memory_space<vmem>>
    tpu.wait_dma2 semaphore(%arg12 : memref<!tpu.dma_semaphore, #tpu.memory_space<semaphore_mem>>) src(%dma_wait3A_124 : memref<4096xf32, #tpu.memory_space<vmem>>) dst(%dma_wait3A_122 : memref<4096xf32, #tpu.memory_space<hbm>>)
    %dma_wait3A_125 = arith.constant 12288 : i32
    %dma_wait3A_126 = tpu.memref_slice %arg7[%dma_wait3A_125] : memref<16384xf32, #tpu.memory_space<vmem>> -> memref<4096xf32, #tpu.memory_space<vmem>>
    %dma_wait3A_127 = tpu.memref_slice %arg4[%add3A_100] : memref<524288xf32, #tpu.memory_space<hbm>> -> memref<4096xf32, #tpu.memory_space<hbm>>
    %dma_wait3A_128 = tpu.memref_slice %arg4[%add3A_100] : memref<524288xf32, #tpu.memory_space<hbm>> -> memref<4096xf32, #tpu.memory_space<hbm>>
    %dma_wait3A_129 = arith.constant 12288 : i32
    %dma_wait3A_130 = tpu.memref_slice %arg7[%dma_wait3A_129] : memref<16384xf32, #tpu.memory_space<vmem>> -> memref<4096xf32, #tpu.memory_space<vmem>>
    tpu.wait_dma2 semaphore(%arg12 : memref<!tpu.dma_semaphore, #tpu.memory_space<semaphore_mem>>) src(%dma_wait3A_130 : memref<4096xf32, #tpu.memory_space<vmem>>) dst(%dma_wait3A_128 : memref<4096xf32, #tpu.memory_space<hbm>>)
    return
  }
}

module attributes {stable_mosaic.version = 14 : i64} {
  func.func @_prep_body(%arg0: memref<512x1xf32, #tpu.memory_space<vmem>>, %arg1: memref<1x512xf32, #tpu.memory_space<vmem>>, %arg2: memref<1x1024xi32, #tpu.memory_space<vmem>>, %arg3: memref<1x1024xi32, #tpu.memory_space<vmem>>, %arg4: memref<1x1024xf32, #tpu.memory_space<vmem>>) attributes {dimension_semantics = [], scalar_prefetch = 0 : i64, scratch_operands = 0 : i64, tpu.core_type = #tpu.core_type<tc>} {
    %get3A = arith.constant 0 : index
    %get3A_0 = arith.constant 0 : index
    %get3A_1 = vector.load %arg0[%get3A, %get3A_0] : memref<512x1xf32, #tpu.memory_space<vmem>>, vector<512x1xf32>
    %get3A_2 = arith.constant 0 : index
    %get3A_3 = arith.constant 0 : index
    %get3A_4 = vector.load %arg1[%get3A_2, %get3A_3] : memref<1x512xf32, #tpu.memory_space<vmem>>, vector<1x512xf32>
    %iota3A = tpu.iota {dimensions = array<i32: 0>} : vector<512x512xi32>
    %iota3A_5 = tpu.iota {dimensions = array<i32: 1>} : vector<512x512xi32>
    %gt3A = vector.broadcast %get3A_1 : vector<512x1xf32> to vector<512x512xf32>
    %gt3A_6 = vector.broadcast %get3A_4 : vector<1x512xf32> to vector<512x512xf32>
    %gt3A_7 = arith.cmpf ogt, %gt3A, %gt3A_6 : vector<512x512xf32>
    %eq3A = vector.broadcast %get3A_1 : vector<512x1xf32> to vector<512x512xf32>
    %eq3A_8 = vector.broadcast %get3A_4 : vector<1x512xf32> to vector<512x512xf32>
    %eq3A_9 = arith.cmpf oeq, %eq3A, %eq3A_8 : vector<512x512xf32>
    %gt3A_10 = arith.cmpi sgt, %iota3A, %iota3A_5 : vector<512x512xi32>
    %and3A = arith.andi %eq3A_9, %gt3A_10 : vector<512x512xi1>
    %or3A = arith.ori %gt3A_7, %and3A : vector<512x512xi1>
    %convert_element_type3A = arith.extui %or3A : vector<512x512xi1> to vector<512x512xi32>
    %reduce_sum3A = arith.constant dense<0> : vector<512xi32>
    %reduce_sum3A_11 = vector.multi_reduction <add>, %convert_element_type3A, %reduce_sum3A [1] : vector<512x512xi32> to vector<512xi32>
    %broadcast_in_dim3A = vector.shape_cast %reduce_sum3A_11 : vector<512xi32> to vector<512x1xi32>
    %get3A_12 = arith.constant 0 : index
    %get3A_13 = arith.constant 0 : index
    %get3A_14 = vector.load %arg2[%get3A_12, %get3A_13] : memref<1x1024xi32, #tpu.memory_space<vmem>>, vector<1x1024xi32>
    %eq3A_15 = vector.broadcast %broadcast_in_dim3A : vector<512x1xi32> to vector<512x1024xi32>
    %eq3A_16 = vector.broadcast %get3A_14 : vector<1x1024xi32> to vector<512x1024xi32>
    %eq3A_17 = arith.cmpi eq, %eq3A_15, %eq3A_16 : vector<512x1024xi32>
    %convert_element_type3A_18 = arith.extui %eq3A_17 : vector<512x1024xi1> to vector<512x1024xi32>
    %convert_element_type3A_19 = arith.sitofp %convert_element_type3A_18 : vector<512x1024xi32> to vector<512x1024xf32>
    %get3A_20 = arith.constant 0 : index
    %get3A_21 = arith.constant 0 : index
    %get3A_22 = vector.load %arg3[%get3A_20, %get3A_21] : memref<1x1024xi32, #tpu.memory_space<vmem>>, vector<1x1024xi32>
    %eq3A_23 = vector.broadcast %broadcast_in_dim3A : vector<512x1xi32> to vector<512x1024xi32>
    %eq3A_24 = vector.broadcast %get3A_22 : vector<1x1024xi32> to vector<512x1024xi32>
    %eq3A_25 = arith.cmpi eq, %eq3A_23, %eq3A_24 : vector<512x1024xi32>
    %convert_element_type3A_26 = arith.extui %eq3A_25 : vector<512x1024xi1> to vector<512x1024xi32>
    %convert_element_type3A_27 = arith.sitofp %convert_element_type3A_26 : vector<512x1024xi32> to vector<512x1024xf32>
    %add3A = arith.addf %convert_element_type3A_19, %convert_element_type3A_27 : vector<512x1024xf32>
    %mul3A = vector.broadcast %get3A_1 : vector<512x1xf32> to vector<512x1024xf32>
    %mul3A_28 = arith.mulf %add3A, %mul3A : vector<512x1024xf32>
    %reduce_sum3A_29 = arith.constant dense<0.000000e+00> : vector<1024xf32>
    %reduce_sum3A_30 = vector.multi_reduction <add>, %mul3A_28, %reduce_sum3A_29 [0] : vector<512x1024xf32> to vector<1024xf32>
    %broadcast_in_dim3A_31 = vector.shape_cast %reduce_sum3A_30 : vector<1024xf32> to vector<1x1024xf32>
    %mul3A_32 = arith.constant 5.000000e-01 : f32
    %mul3A_33 = vector.broadcast %mul3A_32 : f32 to vector<1x1024xf32>
    %mul3A_34 = arith.mulf %mul3A_33, %broadcast_in_dim3A_31 : vector<1x1024xf32>
    %swap3A = arith.constant 0 : index
    %swap3A_35 = arith.constant 0 : index
    %swap3A_36 = vector.load %arg4[%swap3A, %swap3A_35] : memref<1x1024xf32, #tpu.memory_space<vmem>>, vector<1x1024xf32>
    tpu.vector_store %arg4[%swap3A, %swap3A_35], %mul3A_34 {strides = array<i32>} : memref<1x1024xf32, #tpu.memory_space<vmem>>, vector<1x1024xf32>,
    return
  }
}

</mosaic_0001>

<sc_bundles>
// kernel: kernel.4.cloned.1.call-start
scs
__scs_entry_jumppad:
0x0: {  	(pc) =	sbr.rel $0x88, $3  }
0x1: {  	(tag) =	ssettag $0x0;
	lr =	simm.s32 $0x1  }
0x2: {  	[smem:$0x3F9E] =	sst lr;
	_ =	strace $0xD0000000  }
0x3: {  	_ = 	snop  }
0x4: {  	_ = 	snop  }
0x5: {  	_ = 	snop  }
0x6: {  	_ = 	snop  }
0x7: {  	_ = 	snop  }
__scs_overlays_trampoline_lowered:
0x8: {  	[smem:$0x3FAD] =	sst s0  }
0x9: {  	[smem:$0x3FAE] =	sst s1  }
0xa: {  	[smem:$0x3FAF] =	sst s2  }
0xb: {  	[smem:$0x3FB0] =	sst s3  }
0xc: {  	[smem:$0x3FB1] =	sst s4  }
0xd: {  	[smem:$0x3FB2] =	sst s5  }
0xe: {  	[smem:$0x3FB3] =	sst s6  }
0xf: {  	[smem:$0x3FB4] =	sst s7  }
0x10: {  	[smem:$0x3FB5] =	sst s8  }
0x11: {  	[smem:$0x3FB6] =	sst s9;
	s0 =	simm.s32 @!p0 $0x0  }
0x12: {  	s1 =	sld [smem:$0x3F9C];
	s0 =	simm.s32 @p0 $0x1  }
0x13: {  	[smem:$0x3FB7] =	sst s0;
	s0 =	simm.s32 @!p1 $0x0  }
0x14: {  	s2 =	sld [smem:$0x3F9B];
	s0 =	simm.s32 @p1 $0x1  }
0x15: {  	[smem:$0x3FB8] =	sst s0;
	s0 =	simm.s32 @!p2 $0x0  }
0x16: {  	s3 =	sld [smem:$0x3FDB];
	s0 =	simm.s32 @p2 $0x1  }
0x17: {  	s4 =	simm.s32 $0x1BF5;
	[smem:$0x3FBA] =	sst s0  }
0x18: {  	s0 =	sld [smem:$0x3F9D];
	_ =	swait.ge [sflag:s4], $0x0  }
0x19: {  	s7 =	sld [smem:$0x3F9E]  }
0x1a: {  	s8 =	sadd.s32 $0xFFFFE003, lr  }
0x1b: {  	s9 =	sadd.s32 $0xFFFFFEF7, lr;
	s5 =	simm.s32 $0xFFFFFFFF;
	p2 =	slt.u32 s8, $0xFFFFF086  }
0x1c: {  	p1 =	slt.u32 s9, $0xF7A;
	s5 =	simm.s32 @!p2 $0x0  }
0x1d: {  	s5 =	simm.s32 @p1 $0x1;
	p0 =	seq.s32 s7, s2  }
0x1e: {  	s7 =	smul.u32 @!p0 $0xF7A, s2;
	p2 =	seq.s32 @!p0 s5, $0x0  }
0x1f: {  	s9 =	smul.u32 $0xF7A, s1;
	s8 =	simm.s32 @!p0 $0x1BF5;
	p2 =	por !p2, p0  }
0x20: {  	[sflag:s8] =	ssyncset.s32 @!p0 $0xFFFFF086;
	s6 =	sadd.s32 @!p0 s3, s7;
	s7 =	simm.s32 @!p0 $0x108  }
0x21: {  	s3 =	sadd.s32 s3, s9;
	s6 =	sadd.s32 @!p0 $0x88, s6;
	s7 =	simm.s32 @p2 $0x1082  }
0x22: {  	[simem:s7], [sflag:s8] =	dma.local @!p0 [hbm:s6], $0xF7A  }
0x23: {  	s9 =	sor.u32 $0xD0000000, s2;
	s6 =	simm.s32 $0x108;
	_ =	swait.ge @!p0 [sflag:s8], $0x0  }
0x24: {  	s3 =	sadd.s32 $0x88, s3;
	s6 =	simm.s32 @!p1 $0x1082;
	[sflag:s4] =	ssyncset.s32 $0xFFFFF086  }
0x25: {  	[simem:s6], [sflag:s4] =	dma.local [hbm:s3], $0xF7A  }
0x26: {  	[smem:$0x3F9E] =	sst s1;
	(tag) =	ssettag s2;
	_ =	strace s9  }
0x27: {  	s1 =	sld [smem:$0x3FAE]  }
0x28: {  	s2 =	sld [smem:$0x3FAF]  }
0x29: {  	s4 =	sld [smem:$0x3FB1]  }
0x2a: {  	p0 =	seq.s32 s5, $0x0;
	s5 =	sld [smem:$0x3FB2]  }
0x2b: {  	s6 =	sld [smem:$0x3FB3]  }
0x2c: {  	s7 =	sld [smem:$0x3FB4]  }
0x2d: {  	s3 =	simm.s32 $0x108;
	s8 =	sld [smem:$0x3FB5]  }
0x2e: {  	s3 =	simm.s32 @!p0 $0x1082;
	s9 =	sld [smem:$0x3FB6]  }
0x2f: {  	lr =	sadd.s32 s0, s3;
	s0 =	sld [smem:$0x3FAD]  }
0x30: {  	s3 =	sld [smem:$0x3FB0]  }
0x31: {  	[smem:$0x3FB9] =	sst s10  }
0x32: {  	s10 =	sld [smem:$0x3FB7];
	_ =	sdelay $0x3  }
0x33: {  	p0 =	seq.s32 s10, $0x1;
	s10 =	sld [smem:$0x3FB9];
	_ =	sdelay $0x3  }
0x34: {  	[smem:$0x3FB9] =	sst s10  }
0x35: {  	s10 =	sld [smem:$0x3FB8];
	_ =	sdelay $0x3  }
0x36: {  	p1 =	seq.s32 s10, $0x1;
	s10 =	sld [smem:$0x3FB9];
	_ =	sdelay $0x3  }
0x37: {  	[smem:$0x3FB9] =	sst s10  }
0x38: {  	s10 =	sld [smem:$0x3FBA]  }
0x39: {  	_ = 	snop;
	(pc) =	sbr.ind lr, $3  }
0x3a: {  	_ = 	snop  }
0x3b: {  	_ = 	snop  }
0x3c: {  	p2 =	seq.s32 s10, $0x1;
	s10 =	sld [smem:$0x3FB9]  }
0x3d: {  	_ =	shalt  }
0x3e: {  	_ =	shalt  }
0x3f: {  	_ =	shalt  }
0x40: {  	_ =	shalt  }
0x41: {  	_ =	shalt  }
0x42: {  	_ =	shalt  }
0x43: {  	_ =	shalt  }
0x44: {  	_ =	shalt  }
0x45: {  	_ =	shalt  }
0x46: {  	_ =	shalt  }
0x47: {  	_ =	shalt  }
0x48: {  	_ =	shalt  }
0x49: {  	_ =	shalt  }
0x4a: {  	_ =	shalt  }
0x4b: {  	_ =	shalt  }
0x4c: {  	_ =	shalt  }
0x4d: {  	_ =	shalt  }
0x4e: {  	_ =	shalt  }
0x4f: {  	_ =	shalt  }
0x50: {  	_ =	shalt  }
0x51: {  	_ =	shalt  }
0x52: {  	_ =	shalt  }
0x53: {  	_ =	shalt  }
0x54: {  	_ =	shalt  }
0x55: {  	_ =	shalt  }
0x56: {  	_ =	shalt  }
0x57: {  	_ =	shalt  }
0x58: {  	_ =	shalt  }
0x59: {  	_ =	shalt  }
0x5a: {  	_ =	shalt  }
0x5b: {  	_ =	shalt  }
0x5c: {  	_ =	shalt  }
0x5d: {  	_ =	shalt  }
0x5e: {  	_ =	shalt  }
0x5f: {  	_ =	shalt  }
0x60: {  	_ =	shalt  }
0x61: {  	_ =	shalt  }
0x62: {  	_ =	shalt  }
0x63: {  	_ =	shalt  }
0x64: {  	_ =	shalt  }
0x65: {  	_ =	shalt  }
0x66: {  	_ =	shalt  }
0x67: {  	_ =	shalt  }
0x68: {  	_ =	shalt  }
0x69: {  	_ =	shalt  }
0x6a: {  	_ =	shalt  }
0x6b: {  	_ =	shalt  }
0x6c: {  	_ =	shalt  }
0x6d: {  	_ =	shalt  }
0x6e: {  	_ =	shalt  }
0x6f: {  	_ =	shalt  }
0x70: {  	_ =	shalt  }
0x71: {  	_ =	shalt  }
0x72: {  	_ =	shalt  }
0x73: {  	_ =	shalt  }
0x74: {  	_ =	shalt  }
0x75: {  	_ =	shalt  }
0x76: {  	_ =	shalt  }
0x77: {  	_ =	shalt  }
0x78: {  	_ =	shalt  }
0x79: {  	_ =	shalt  }
0x7a: {  	_ =	shalt  }
0x7b: {  	_ =	shalt  }
0x7c: {  	_ =	shalt  }
0x7d: {  	_ =	shalt  }
0x7e: {  	_ =	shalt  }
0x7f: {  	_ =	shalt  }
0x80: {  	_ =	shalt  }
0x81: {  	_ =	shalt  }
0x82: {  	_ =	shalt  }
0x83: {  	_ =	shalt  }
0x84: {  	_ =	shalt  }
0x85: {  	_ =	shalt  }
0x86: {  	_ =	shalt  }
0x87: {  	_ =	shalt  }
.Lfunc_end0:
.L_simem_size_0:
called_computation_lowered:
.L_overlay_start_0:
0x88: {  	s2 =	sld [smem:$0x3FD9]  }
0x89: {  	s3 =	sld [smem:$0x3FFE];
	_ =	sdelay $0x1  }
0x8a: {  	s1 =	srdreg.scid  }
0x8b: {  	s0 =	sand.u32 $0x1, s1  }
0x8c: {  	s15 =	sshll.u32 s0, $0xA;
	s2 =	sadd.s32 s3, s2  }
0x8d: {  	s2 =	sadd.s32 s2, s15  }
0x8e: {  	[smem:$0x3FC5] =	sst s2  }
0x8f: {  	_ = 	snop  }
0x90: {  	s2 =	sld [smem:$0x3FD0];
	_ =	sdelay $0x2  }
0x91: {  	s4 =	simm.s32 $0xA;
	s5 =	simm.s32 $0x10;
	s16 =	sld [smem:$0x3FC9]  }
0x92: {  	[smem:s5], [sflag:s4] =	dma.local [hbm:s2], $0x1  }
0x93: {  	_ =	swait.eq [sflag:s4], $0x1  }
0x94: {  	[sflag:s4] =	ssyncset.done $0x0  }
0x95: {  	s17 =	sld [smem:$0x10];
	[sflag:s4] =	ssyncadd.s32 $0xFFFFFFFF  }
0x96: {  	s18 =	sld [smem:$0x11];
	(tm) =	ssettm $0x1  }
0x97: {  	s19 =	sld [smem:$0x3FFB];
	_ =	sdelay $0x3  }
0x98: {  	_ =	strace s19  }
0x99: {  	s5 =	sld [smem:$0x3FFC];
	_ =	sdelay $0x3  }
0x9a: {  	_ =	strace s5  }
0x9b: {  	s5 =	sld [smem:$0x3FFD];
	_ =	sdelay $0x3  }
0x9c: {  	_ =	strace s5  }
0x9d: {  	_ =	strace $0x8FFFFFFF  }
0x9e: {  	s20 =	sld [smem:$0x3FDB];
	_ =	sdelay $0x1  }
0x9f: {  	s6 =	simm.s32 $_scs_section_size  }
0xa0: {  	s7 =	simm.s32 $_size__tile_overlayer_lowered;
	s8 =	simm.s32 $_tile_overlayer_lowered  }
0xa1: {  	s23 =	simm.s32 $0x1BFF;
	s22 =	sshll.u32 s8, $0x1;
	s5 =	sadd.s32 s6, s20  }
0xa2: {  	s9 =	simm.s32 $0x0;
	s21 =	sshll.u32 s7, $0x1;
	s7 =	sadd.s32 s22, s5  }
0xa3: {  	[timem:s9], [sflag:s23] =	dma.local [hbm:s7], s21  }
0xa4: {  	_ =	swait.ge [sflag:s23], s21  }
0xa5: {  	s6 =	ssub.s32 $0x0, s21;
	[sflag:s23] =	ssyncset.done $0x0  }
0xa6: {  	[sflag:s23] =	ssyncadd.s32 s6;
	_ =	sdelay $0x1  }
0xa7: {  	s24 =	simm.s32 $0x1B8B  }
0xa8: {  	_ =	swait.ge [sflag:s24], $0x1  }
0xa9: {  	[sflag:s24] =	ssyncset.done $0x0  }
0xaa: {  	s25 =	simm.s32 $0x1B8E;
	[sflag:s24] =	ssyncadd.s32 $0xFFFFFFFF  }
0xab: {  	s26 =	simm.s32 $execute0_lowered;
	[smem:$0x3FD2] =	sst s25  }
0xac: {  	s6 =	sshll.u32 s26, $0x1;
	_ =	strace $0x80000046;
	[dreg:$0x1] =	wrdreg $0xFFFFFFFF  }
0xad: {  	s28 =	simm.s32 $_size_execute0_lowered;
	s5 =	sadd.s32 s5, s6;
	[dreg:$0x0] =	wrdreg $0x0  }
0xae: {  	s6 =	sshll.u32 s28, $0x1;
	[dreg:$0x2] =	wrdreg s5  }
0xaf: {  	[dreg:$0x3] =	wrdreg s6  }
0xb0: {  	[dreg:$0x4] =	wrdreg $0xC0  }
0xb1: {  	_ =	task [dreg:s9], $0x5FFFF  }
0xb2: {  	[dreg:$0x1] =	wrdreg $0xFFFFFFFF  }
0xb3: {  	[dreg:$0x0] =	wrdreg $0x60  }
0xb4: {  	[dreg:$0x2] =	wrdreg s16  }
0xb5: {  	[dreg:$0x3] =	wrdreg s18  }
0xb6: {  	[dreg:$0x4] =	wrdreg s17  }
0xb7: {  	[dreg:$0x5] =	wrdreg $0x9  }
0xb8: {  	_ =	task.clear_ibuf [dreg:s9], $0x6FFFF;
	_ =	strace $0x90000046  }
0xb9: {  	s29 =	simm.s32 $0x9;
	_ =	strace $0x80000048  }
0xba: {  	_ =	swait.ge [sflag:s29], $0x1  }
0xbb: {  	[sflag:s29] =	ssyncadd.s32 $0xFFFFFFFF  }
0xbc: {  	_ =	strace $0x90000048  }
0xbd: {  	_ =	sfence  }
0xbe: {  	s30 =	sld [smem:$0x0];
	_ =	sdelay $0x2  }
0xbf: {  	s31 =	sshll.u32 s1, $0xD;
	s1 =	sshrl.u32 s1, $0x2  }
0xc0: {  	s3 =	sand.u32 $0x4000, s31;
	s1 =	sadd.s32 s1, s30  }
0xc1: {  	s0 =	sor.u32 s3, s0;
	s1 =	sshll.u32 s1, $0x11  }
0xc2: {  	s0 =	sor.u32 s1, s0  }
0xc3: {  	s0 =	sadd.s32 $0x8F2B, s0  }
0xc4: {  	[sflag:s0] =	ssyncadd.remote.s32 $0x1  }
0xc5: {  	_ =	sfence.sel $0xFFFF  }
0xc6: {  	[dreg:$0x0] =	wrdreg $0xFFFFFFFF;
	(pc) =	sbr.abs _section_cstart, $3  }
0xc7: {  	[dreg:$0x1] =	wrdreg $0xFFFFFFFF  }
0xc8: {  	_ =	task.clear_ibuf [dreg:s9], $0x2FFFF;
	_ =	strace $0x9FFFFFFF  }
0xc9: {  	(tm) =	ssettm $0x7FFFFFFF  }
tec
execute0_lowered:
.L_overlay_start_1:
0x0: {  	(tag) =	ssettag $0x1  }
0x1: {  	s0 =	rddreg [dreg:$0x0]  }
0x2: {  	s1 =	rddreg [dreg:$0x1]  }
0x3: {  	s11 =	rddreg [dreg:$0x2]  }
0x4: {  	s2 =	srdreg.scid;
	s3 =	simm.s32 $0x0;
	s14 =	simm.s32 $0x1400  }
0x5: {  	s15 =	simm.s32 $0x2400;
	s16 =	simm.s32 $0x3400;
	s17 =	simm.s32 $0x6  }
0x6: {  	s18 =	simm.s32 $0x1;
	s19 =	simm.s32 $0x4400;
	s20 =	simm.s32 $0x2  }
0x7: {  	s21 =	simm.s32 $0x5400;
	s22 =	simm.s32 $0x3;
	s23 =	simm.s32 $0x6400  }
0x8: {  	s24 =	simm.s32 $0x4;
	s25 =	simm.s32 $0x7400;
	s26 =	simm.s32 $0x5  }
0x9: {  	s28 =	simm.s32 $0x0;
	s4 =	sand.u32 $0x1, s2;
	s2 =	stileid.u32  }
0xa: {  	s5 =	ssub.s32 $0x2, s4;
	s7 =	sshll.u32 s2, $0xC;
	s4 =	sshll.u32 s4, $0xB  }
0xb: {  	[smem:$0x7FF] =	sst s3;
	s6 =	sshrl.u32 s5, $0x1;
	s8 =	sor.u32 s4, s7  }
0xc: {  	_ =	strace $0x80000047;
	s12 =	ssub.s32 s5, s6;
	s4 =	sadd.s32 s0, s8  }
0xd: {  	s9 =	sor.u32 $0x200, s8;
	s10 =	sor.u32 $0x400, s8;
	s13 =	sor.u32 $0x600, s8  }
0xe: {  	s8 =	sadd.s32 s11, s8;
	s5 =	sadd.s32 s0, s9;
	s6 =	sadd.s32 s0, s10  }
0xf: {  	s7 =	sadd.s32 s0, s13;
	s9 =	sadd.s32 s11, s9;
	s10 =	sadd.s32 s11, s10  }
0x10: {  	v0 =	vimm.s32 $0x3;
	v1 =	vimm.s32 $0x0;
	v2 =	vimm.s32 $0x1;
	s11 =	sadd.s32 s11, s13;
	s12 =	smax.u32 s12, $0x1;
	s13 =	simm.s32 $0x400  }
.LBB2_1:
0x11: {  	[tilespmem:s13], [sflag:$0x1] =	stream.linear.gather [hbm4b:s4+s3], $0x1000, $0x38;
	[tilespmem:$0x8400] =	vst v63  }
0x12: {  	_ = 	snop  }
0x13: {  	[tilespmem:s14], [sflag:$0x2] =	stream.linear.gather [hbm4b:s5+s3], $0x1000, $0x38;
	[tilespmem:$0x8400] =	vst v63  }
0x14: {  	_ = 	snop  }
0x15: {  	[tilespmem:s15], [sflag:$0x3] =	stream.linear.gather [hbm4b:s6+s3], $0x1000, $0x38;
	[tilespmem:$0x8400] =	vst v63  }
0x16: {  	_ = 	snop  }
0x17: {  	[tilespmem:s16], [sflag:$0x4] =	stream.linear.gather [hbm4b:s7+s3], $0x1000, $0x38;
	[tilespmem:$0x8400] =	vst v63  }
0x18: {  	_ = 	snop  }
0x19: {  	[tilespmem:s3], [sflag:$0x6] =	stream.linear.gather [hbm4b:s1+s3], $0x400, $0x38;
	[tilespmem:$0x8400] =	vst v63  }
0x1a: {  	_ =	swait.ge [sflag:s17], $0x400  }
0x1b: {  	[sflag:s17] =	ssyncset.done $0x0  }
0x1c: {  	[sflag:s17] =	ssyncadd.s32 $0xFFFFFC00  }
0x1d: {  	v5 =	vld [tilespmem:$0x0];
	_ =	swait.ge [sflag:s18], $0x1000  }
0x1e: {  	[sflag:s18] =	ssyncset.done $0x0  }
0x1f: {  	s0 =	simm.s32 $0x420;
	[sflag:s18] =	ssyncadd.s32 $0xFFFFF000  }
0x20: {  	v11 =	vld [tilespmem:s0+$0x10];
	_ =	sdelay $0x2  }
0x21: {  	v3 =	vbroadcast v5, $0x0;
	v4 =	vbroadcast v5, $0x1  }
0x22: {  	v5 =	vbroadcast v5, $0x2  }
0x23: {  	vm0 =	vle.f32 v3, v11;
	vm1 =	vle.f32 v4, v11  }
0x24: {  	v6 =	vsel vm0, $0x4, v0;
	v7 =	vsel vm1, $0x1, v1;
	vm0 =	vle.f32 v5, v11  }
0x25: {  	v6 =	vadd.s32 v7, v6;
	v7 =	vsel vm0, $0x1, v1  }
0x26: {  	v6 =	vadd.s32 v7, v6  }
0x27: {  	v15 =	vld [tilespmem:s0+$0xFFFFFFF0]  }
0x28: {  	v16 =	vld [tilespmem:s0+$0xFFFFFFE0]  }
0x29: {  	v14 =	vld [tilespmem:s0+$0x0];
	_ =	sdelay $0x1  }
0x2a: {  	v7 =	vld.idx.msk [tilespmem:v6+s3+$0x0], $0xffff;
	_ =	sdelay $0x2  }
0x2b: {  	vm2 =	vle.f32 v4, v16;
	vm3 =	vle.f32 v4, v15;
	vm4 =	vle.f32 v3, v14  }
0x2c: {  	vm5 =	vle.f32 v4, v14;
	vm1 =	vle.f32 v3, v16;
	v9 =	vsel vm2, $0x1, v1  }
0x2d: {  	v12 =	vsel vm3, $0x1, v1;
	v8 =	vsel vm1, $0x4, v0;
	vm1 =	vle.f32 v7, v11  }
0x2e: {  	v13 =	vsel vm4, $0x4, v0;
	v6 =	vshll.u32 v6, $0x1;
	v10 =	vsel vm1, $0x2, v2  }
0x2f: {  	vm0 =	vle.f32 v3, v15;
	v8 =	vadd.s32 v9, v8;
	v6 =	vadd.s32 v10, v6  }
0x30: {  	v7 =	vsel vm0, $0x4, v0;
	vm0 =	vle.f32 v5, v16;
	vm1 =	vle.f32 v5, v15  }
0x31: {  	v7 =	vadd.s32 v12, v7;
	v9 =	vsel vm0, $0x1, v1;
	vm0 =	vle.f32 v5, v14  }
0x32: {  	v10 =	vsel vm5, $0x1, v1;
	v12 =	vsel vm1, $0x1, v1;
	v8 =	vadd.s32 v9, v8  }
0x33: {  	v9 =	vadd.s32 v10, v13;
	v7 =	vadd.s32 v12, v7;
	v10 =	vsel vm0, $0x1, v1  }
0x34: {  	v9 =	vadd.s32 v10, v9;
	v10 =	vld.idx.msk [tilespmem:v6+s3+$0x0], $0xffff;
	_ =	sdelay $0x2  }
0x35: {  	v12 =	vld.idx.msk [tilespmem:v8+s3+$0x0], $0xffff  }
0x36: {  	v13 =	vld.idx.msk [tilespmem:v7+s3+$0x0], $0xffff  }
0x37: {  	v17 =	vld.idx.msk [tilespmem:v9+s3+$0x0], $0xffff;
	vm0 =	vle.f32 v10, v11  }
0x38: {  	v6 =	vshll.u32 v6, $0x1;
	v10 =	vsel vm0, $0x2, v2  }
0x39: {  	v6 =	vadd.s32 v10, v6  }
0x3a: {  	v8 =	vshll.u32 v8, $0x1;
	vm0 =	vle.f32 v12, v16  }
0x3b: {  	v7 =	vshll.u32 v7, $0x1;
	v10 =	vsel vm0, $0x2, v2;
	vm0 =	vle.f32 v13, v15  }
0x3c: {  	v10 =	vadd.s32 v10, v8;
	v8 =	vsel vm0, $0x2, v2;
	vm0 =	vle.f32 v17, v14  }
0x3d: {  	v9 =	vshll.u32 v9, $0x1;
	v7 =	vadd.s32 v8, v7;
	v8 =	vsel vm0, $0x2, v2  }
0x3e: {  	v9 =	vadd.s32 v8, v9;
	v8 =	vld.idx.msk [tilespmem:v6+s3+$0x0], $0xffff;
	_ =	sdelay $0x2  }
0x3f: {  	v12 =	vld.idx.msk [tilespmem:v10+s3+$0x0], $0xffff  }
0x40: {  	v13 =	vld.idx.msk [tilespmem:v7+s3+$0x0], $0xffff  }
0x41: {  	v17 =	vld.idx.msk [tilespmem:v9+s3+$0x0], $0xffff;
	vm0 =	vle.f32 v8, v11  }
0x42: {  	s0 =	simm.s32 $0x460;
	v6 =	vshll.u32 v6, $0x1;
	v18 =	vsel vm0, $0x2, v2  }
0x43: {  	v8 =	vld [tilespmem:s0+$0x10];
	v18 =	vadd.s32 v18, v6  }
0x44: {  	v19 =	vshll.u32 v7, $0x1;
	v10 =	vshll.u32 v10, $0x1;
	vm0 =	vle.f32 v12, v16  }
0x45: {  	v12 =	vshll.u32 v9, $0x1;
	v9 =	vld [tilespmem:s0+$0xFFFFFFE0];
	v7 =	vsel vm0, $0x2, v2;
	vm0 =	vle.f32 v13, v15  }
0x46: {  	v6 =	vld [tilespmem:s0+$0xFFFFFFF0];
	v10 =	vadd.s32 v7, v10;
	v13 =	vsel vm0, $0x2, v2;
	vm0 =	vle.f32 v17, v14  }
0x47: {  	v7 =	vld [tilespmem:s0+$0x0];
	v17 =	vshll.u32 v10, $0x1;
	v23 =	vsel vm0, $0x2, v2;
	v13 =	vadd.s32 v13, v19  }
0x48: {  	vm1 =	vle.f32 v3, v8;
	vm2 =	vle.f32 v4, v8;
	v12 =	vadd.s32 v23, v12;
	v20 =	vld.idx.msk [tilespmem:v18+s3+$0x0], $0xffff  }
0x49: {  	v21 =	vsel vm1, $0x4, v0;
	v22 =	vsel vm2, $0x1, v1;
	vm1 =	vle.f32 v5, v8  }
0x4a: {  	vm2 =	vle.f32 v4, v9;
	v21 =	vadd.s32 v22, v21;
	v22 =	vsel vm1, $0x1, v1  }
0x4b: {  	vm0 =	vle.f32 v3, v6;
	vm1 =	vle.f32 v3, v9;
	v19 =	vadd.s32 v22, v21  }
0x4c: {  	vm3 =	vle.f32 v4, v6;
	v18 =	vshll.u32 v18, $0x1;
	vm12 =	vle.f32 v3, v7  }
0x4d: {  	vm13 =	vle.f32 v4, v7;
	v21 =	vsel vm1, $0x4, v0;
	vm1 =	vle.f32 v20, v11  }
0x4e: {  	v22 =	vsel vm2, $0x1, v1;
	v24 =	vsel vm3, $0x1, v1;
	v23 =	vsel vm1, $0x2, v2  }
0x4f: {  	v10 =	vld.idx.msk [tilespmem:v10+s3+$0x0], $0xffff;
	v20 =	vsel vm0, $0x4, v0;
	vm0 =	vle.f32 v5, v9;
	v18 =	vadd.s32 v23, v18  }
0x50: {  	v25 =	vsel vm12, $0x4, v0;
	v21 =	vadd.s32 v22, v21;
	v22 =	vsel vm0, $0x1, v1;
	v23 =	vld.idx.msk [tilespmem:v19+s3+$0x0], $0xffff  }
0x51: {  	v26 =	vld.idx.msk [tilespmem:v13+s3+$0x0], $0xffff;
	v27 =	vsel vm13, $0x1, v1;
	vm0 =	vle.f32 v5, v6;
	v21 =	vadd.s32 v22, v21  }
0x52: {  	v20 =	vadd.s32 v24, v20;
	vm1 =	vle.f32 v5, v7;
	v24 =	vsel vm0, $0x1, v1  }
0x53: {  	v25 =	vadd.s32 v27, v25;
	v22 =	vld.idx.msk [tilespmem:v12+s3+$0x0], $0xffff;
	v20 =	vadd.s32 v24, v20;
	v24 =	vsel vm1, $0x1, v1  }
0x54: {  	v24 =	vadd.s32 v24, v25;
	v25 =	vld.idx.msk [tilespmem:v18+s3+$0x0], $0xffff  }
0x55: {  	v13 =	vshll.u32 v13, $0x1;
	vm1 =	vle.f32 v10, v16;
	vm0 =	vle.f32 v23, v8  }
0x56: {  	v10 =	vshll.u32 v19, $0x1;
	v19 =	vsel vm0, $0x2, v2;
	vm0 =	vle.f32 v26, v15;
	v26 =	vld.idx.msk [tilespmem:v21+s3+$0x0], $0xffff  }
0x57: {  	v23 =	vsel vm1, $0x2, v2;
	v10 =	vadd.s32 v19, v10;
	v19 =	vsel vm0, $0x2, v2  }
0x58: {  	vm1 =	vle.f32 v22, v14;
	v17 =	vadd.s32 v23, v17;
	v13 =	vadd.s32 v19, v13;
	v19 =	vld.idx.msk [tilespmem:v20+s3+$0x0], $0xffff  }
0x59: {  	v12 =	vshll.u32 v12, $0x1;
	v22 =	vsel vm1, $0x2, v2;
	vm0 =	vle.f32 v25, v11  }
0x5a: {  	v18 =	vshll.u32 v18, $0x1;
	v12 =	vadd.s32 v22, v12;
	v22 =	vld.idx.msk [tilespmem:v24+s3+$0x0], $0xffff;
	v23 =	vsel vm0, $0x2, v2  }
0x5b: {  	vm0 =	vle.f32 v26, v9;
	v18 =	vadd.s32 v23, v18  }
0x5c: {  	v21 =	vshll.u32 v21, $0x1;
	v23 =	vld.idx.msk [tilespmem:v10+s3+$0x0], $0xffff;
	v26 =	vsel vm0, $0x2, v2  }
0x5d: {  	v25 =	vld.idx.msk [tilespmem:v17+s3+$0x0], $0xffff;
	vm0 =	vle.f32 v19, v6;
	v21 =	vadd.s32 v26, v21  }
0x5e: {  	v20 =	vshll.u32 v20, $0x1;
	v19 =	vld.idx.msk [tilespmem:v13+s3+$0x0], $0xffff;
	v26 =	vsel vm0, $0x2, v2  }
0x5f: {  	v24 =	vshll.u32 v24, $0x1;
	vm0 =	vle.f32 v22, v7;
	v22 =	vld.idx.msk [tilespmem:v12+s3+$0x0], $0xffff;
	v20 =	vadd.s32 v26, v20  }
0x60: {  	v17 =	vshll.u32 v17, $0x1;
	v10 =	vshll.u32 v10, $0x1;
	v26 =	vsel vm0, $0x2, v2;
	v27 =	vld.idx.msk [tilespmem:v18+s3+$0x0], $0xffff  }
0x61: {  	v13 =	vshll.u32 v13, $0x1;
	v24 =	vadd.s32 v26, v24;
	vm0 =	vle.f32 v23, v8  }
0x62: {  	v12 =	vshll.u32 v12, $0x1;
	v23 =	vsel vm0, $0x2, v2;
	vm0 =	vle.f32 v25, v16;
	v25 =	vld.idx.msk [tilespmem:v21+s3+$0x0], $0xffff  }
0x63: {  	v10 =	vadd.s32 v23, v10;
	v23 =	vsel vm0, $0x2, v2;
	vm0 =	vle.f32 v19, v15  }
0x64: {  	v17 =	vadd.s32 v23, v17;
	v19 =	vsel vm0, $0x2, v2;
	vm0 =	vle.f32 v22, v14;
	v22 =	vld.idx.msk [tilespmem:v20+s3+$0x0], $0xffff  }
0x65: {  	v13 =	vadd.s32 v19, v13;
	v19 =	vsel vm0, $0x2, v2;
	vm0 =	vle.f32 v27, v11  }
0x66: {  	v18 =	vshll.u32 v18, $0x1;
	v12 =	vadd.s32 v19, v12;
	v19 =	vld.idx.msk [tilespmem:v24+s3+$0x0], $0xffff;
	v23 =	vsel vm0, $0x2, v2  }
0x67: {  	v21 =	vshll.u32 v21, $0x1;
	vm0 =	vle.f32 v25, v9;
	v18 =	vadd.s32 v23, v18  }
0x68: {  	v20 =	vshll.u32 v20, $0x1;
	v24 =	vshll.u32 v24, $0x1;
	v23 =	vld.idx.msk [tilespmem:v10+s3+$0x0], $0xffff;
	v26 =	vsel vm0, $0x2, v2  }
0x69: {  	v27 =	vshll.u32 v12, $0x1;
	v25 =	vld.idx.msk [tilespmem:v17+s3+$0x0], $0xffff;
	vm0 =	vle.f32 v22, v6;
	v21 =	vadd.s32 v26, v21  }
0x6a: {  	v10 =	vshll.u32 v10, $0x1;
	v26 =	vshll.u32 v13, $0x1;
	v22 =	vld.idx.msk [tilespmem:v13+s3+$0x0], $0xffff;
	v13 =	vsel vm0, $0x2, v2  }
0x6b: {  	v17 =	vshll.u32 v17, $0x1;
	v12 =	vld.idx.msk [tilespmem:v12+s3+$0x0], $0xffff;
	vm0 =	vle.f32 v19, v7;
	v20 =	vadd.s32 v13, v20  }
0x6c: {  	v19 =	vshll.u32 v21, $0x1;
	v13 =	vsel vm0, $0x2, v2;
	v29 =	vshll.u32 v20, $0x1;
	v28 =	vld.idx.msk [tilespmem:v18+s3+$0x0], $0xffff  }
0x6d: {  	vm0 =	vle.f32 v23, v8;
	v23 =	vadd.s32 v13, v24;
	v18 =	vshll.u32 v18, $0x1  }
0x6e: {  	s0 =	simm.s32 $0x4A0;
	v13 =	vsel vm0, $0x2, v2;
	v24 =	vshll.u32 v23, $0x1;
	vm0 =	vle.f32 v25, v16;
	v21 =	vld.idx.msk [tilespmem:v21+s3+$0x0], $0xffff  }
0x6f: {  	v25 =	vadd.s32 v13, v10;
	v10 =	vsel vm0, $0x2, v2;
	vm0 =	vle.f32 v22, v15;
	v13 =	vld [tilespmem:s0+$0x10]  }
0x70: {  	vm1 =	vle.f32 v12, v14;
	v17 =	vadd.s32 v10, v17;
	v12 =	vsel vm0, $0x2, v2  }
0x71: {  	v10 =	vld [tilespmem:s0+$0xFFFFFFF0];
	v22 =	vsel vm1, $0x2, v2;
	v26 =	vadd.s32 v12, v26;
	vm0 =	vle.f32 v28, v11  }
0x72: {  	v12 =	vld [tilespmem:s0+$0xFFFFFFE0];
	v22 =	vadd.s32 v22, v27;
	v28 =	vshll.u32 v17, $0x1;
	v27 =	vsel vm0, $0x2, v2  }
0x73: {  	v30 =	vshll.u32 v26, $0x1;
	vm0 =	vle.f32 v21, v9;
	v31 =	vadd.s32 v27, v18  }
0x74: {  	v11 =	vld [tilespmem:s0+$0x0];
	v18 =	vshll.u32 v22, $0x1;
	vm1 =	vle.f32 v3, v13;
	vm2 =	vle.f32 v4, v13  }
0x75: {  	v27 =	vld.idx.msk [tilespmem:v25+s3+$0x0], $0xffff;
	v25 =	vshll.u32 v25, $0x1;
	v21 =	vsel vm1, $0x4, v0;
	v32 =	vsel vm2, $0x1, v1  }
0x76: {  	vm1 =	vle.f32 v5, v13;
	vm2 =	vle.f32 v3, v10;
	vm14 =	vle.f32 v4, v10  }
0x77: {  	v21 =	vadd.s32 v32, v21;
	v41 =	vsel vm1, $0x1, v1;
	vm1 =	vle.f32 v3, v12  }
0x78: {  	vm3 =	vle.f32 v4, v12;
	v35 =	vsel vm14, $0x1, v1;
	v21 =	vadd.s32 v41, v21  }
0x79: {  	vm15 =	vle.f32 v3, v11;
	vm6 =	vle.f32 v4, v11;
	v42 =	vsel vm1, $0x4, v0  }
0x7a: {  	v20 =	vld.idx.msk [tilespmem:v20+s3+$0x0], $0xffff;
	v33 =	vsel vm3, $0x1, v1;
	vm3 =	vle.f32 v5, v11;
	vm1 =	vle.f32 v27, v8  }
0x7b: {  	v36 =	vsel vm15, $0x4, v0;
	v43 =	vsel vm6, $0x1, v1;
	v34 =	vsel vm1, $0x2, v2  }
0x7c: {  	v23 =	vld.idx.msk [tilespmem:v23+s3+$0x0], $0xffff;
	v32 =	vadd.s32 v33, v42;
	v46 =	vsel vm3, $0x1, v1;
	v25 =	vadd.s32 v34, v25  }
0x7d: {  	v17 =	vld.idx.msk [tilespmem:v17+s3+$0x0], $0xffff;
	v27 =	vsel vm2, $0x4, v0;
	vm2 =	vle.f32 v5, v10;
	vm1 =	vle.f32 v5, v12  }
0x7e: {  	v27 =	vadd.s32 v35, v27;
	v45 =	vsel vm2, $0x1, v1;
	v44 =	vsel vm1, $0x1, v1;
	v37 =	vld.idx.msk [tilespmem:v21+s3+$0x0], $0xffff  }
0x7f: {  	vm1 =	vle.f32 v20, v6;
	v20 =	vld.idx.msk [tilespmem:v26+s3+$0x0], $0xffff;
	v26 =	vsel vm0, $0x2, v2;
	v32 =	vadd.s32 v44, v32  }
0x80: {  	v34 =	vadd.s32 v43, v36;
	v27 =	vadd.s32 v45, v27;
	v19 =	vadd.s32 v26, v19  }
0x81: {  	vm3 =	vle.f32 v23, v7;
	v48 =	vshll.u32 v27, $0x1;
	v33 =	vadd.s32 v46, v34;
	v49 =	vld.idx.msk [tilespmem:v25+s3+$0x0], $0xffff  }
0x82: {  	v21 =	vshll.u32 v21, $0x1;
	v50 =	vsel vm1, $0x2, v2;
	vm1 =	vle.f32 v17, v16  }
0x83: {  	v22 =	vld.idx.msk [tilespmem:v22+s3+$0x0], $0xffff;
	v47 =	vshll.u32 v32, $0x1;
	v38 =	vshll.u32 v33, $0x1;
	vm2 =	vle.f32 v37, v13  }
0x84: {  	v26 =	vadd.s32 v50, v29;
	v51 =	vshll.u32 v19, $0x1;
	v29 =	vld.idx.msk [tilespmem:v32+s3+$0x0], $0xffff;
	v23 =	vsel vm2, $0x2, v2  }
0x85: {  	v25 =	vshll.u32 v25, $0x1;
	v19 =	vld.idx.msk [tilespmem:v19+s3+$0x0], $0xffff;
	v21 =	vadd.s32 v23, v21;
	v23 =	vsel vm3, $0x2, v2  }
0x86: {  	v37 =	vshll.u32 v26, $0x1;
	v23 =	vadd.s32 v23, v24;
	vm0 =	vle.f32 v49, v8  }
0x87: {  	v24 =	vld.idx.msk [tilespmem:v27+s3+$0x0], $0xffff;
	v27 =	vshll.u32 v23, $0x1;
	v52 =	vsel vm0, $0x2, v2;
	vm0 =	vle.f32 v20, v15  }
0x88: {  	v17 =	vld.idx.msk [tilespmem:v33+s3+$0x0], $0xffff;
	v20 =	vadd.s32 v52, v25;
	v25 =	vsel vm1, $0x2, v2;
	vm1 =	vle.f32 v22, v14  }
0x89: {  	v22 =	vadd.s32 v25, v28;
	v25 =	vsel vm0, $0x2, v2;
	v28 =	vsel vm1, $0x2, v2  }
0x8a: {  	v53 =	vld.idx.msk [tilespmem:v21+s3+$0x0], $0xffff;
	vm0 =	vle.f32 v29, v12;
	v21 =	vshll.u32 v21, $0x1;
	vm1 =	vle.f32 v19, v9  }
0x8b: {  	v25 =	vadd.s32 v25, v30;
	v28 =	vadd.s32 v28, v18;
	v18 =	vsel vm0, $0x2, v2  }
0x8c: {  	vm0 =	vle.f32 v24, v10;
	v29 =	vshll.u32 v22, $0x1;
	v24 =	vld.idx.msk [tilespmem:v26+s3+$0x0], $0xffff;
	v26 =	vadd.s32 v18, v47  }
0x8d: {  	v23 =	vld.idx.msk [tilespmem:v23+s3+$0x0], $0xffff;
	v18 =	vsel vm0, $0x2, v2;
	vm0 =	vle.f32 v17, v11;
	v30 =	vshll.u32 v26, $0x1  }
0x8e: {  	v54 =	vadd.s32 v18, v48;
	v17 =	vsel vm0, $0x2, v2;
	v18 =	vshll.u32 v28, $0x1;
	v55 =	vld.idx.msk [tilespmem:v20+s3+$0x0], $0xffff  }
0x8f: {  	v36 =	vshll.u32 v54, $0x1;
	v38 =	vadd.s32 v17, v38;
	v22 =	vld.idx.msk [tilespmem:v22+s3+$0x0], $0xffff;
	vm0 =	vle.f32 v53, v13  }
0x90: {  	v17 =	vshll.u32 v25, $0x1;
	v39 =	vshll.u32 v38, $0x1;
	v25 =	vld.idx.msk [tilespmem:v25+s3+$0x0], $0xffff;
	v19 =	vsel vm0, $0x2, v2  }
0x91: {  	v56 =	vld.idx.msk [tilespmem:v28+s3+$0x0], $0xffff;
	vm0 =	vle.f32 v24, v6;
	v40 =	vadd.s32 v19, v21;
	v19 =	vsel vm1, $0x2, v2  }
0x92: {  	v21 =	vld.idx.msk [tilespmem:v26+s3+$0x0], $0xffff;
	v24 =	vadd.s32 v19, v51;
	v19 =	vsel vm0, $0x2, v2;
	vm0 =	vle.f32 v23, v7  }
0x93: {  	v23 =	vld.idx.msk [tilespmem:v54+s3+$0x0], $0xffff;
	v57 =	vadd.s32 v19, v37;
	v19 =	vsel vm0, $0x2, v2;
	vm0 =	vle.f32 v55, v8  }
0x94: {  	v58 =	vld.idx.msk [tilespmem:v38+s3+$0x0], $0xffff;
	v28 =	vshll.u32 v24, $0x1;
	v59 =	vadd.s32 v19, v27;
	v19 =	vshll.u32 v20, $0x1  }
0x95: {  	v20 =	vsel vm0, $0x2, v2;
	v27 =	vshll.u32 v57, $0x1;
	vm0 =	vle.f32 v22, v16  }
0x96: {  	v60 =	vld.idx.msk [tilespmem:v31+s3+$0x0], $0xffff;
	v19 =	vadd.s32 v20, v19;
	v26 =	vshll.u32 v59, $0x1;
	vm1 =	vle.f32 v25, v15  }
0x97: {  	v20 =	vsel vm0, $0x2, v2;
	vm0 =	vle.f32 v56, v14;
	v15 =	vld.idx.msk [tilespmem:v40+s3+$0x0], $0xffff;
	vm2 =	vle.f32 v21, v12  }
0x98: {  	v21 =	vsel vm1, $0x2, v2;
	v61 =	vld.idx.msk [tilespmem:v24+s3+$0x0], $0xffff;
	v14 =	vsel vm2, $0x2, v2;
	vm2 =	vle.f32 v23, v10  }
0x99: {  	v62 =	vld.idx.msk [tilespmem:v57+s3+$0x0], $0xffff;
	v63 =	vadd.s32 v14, v30;
	v14 =	vsel vm2, $0x2, v2;
	vm1 =	vle.f32 v58, v11  }
0x9a: {  	v23 =	vsel vm0, $0x2, v2;
	v30 =	vadd.s32 v14, v36;
	v14 =	vsel vm1, $0x2, v2;
	v16 =	vld.idx.msk [tilespmem:v59+s3+$0x0], $0xffff  }
0x9b: {  	v22 =	vshll.u32 v63, $0x1;
	v31 =	vadd.s32 v14, v39;
	v14 =	vadd.s32 v20, v29;
	v20 =	vld.idx.msk [tilespmem:v19+s3+$0x0], $0xffff  }
0x9c: {  	v24 =	vshll.u32 v30, $0x1;
	v25 =	vshll.u32 v31, $0x1;
	vm0 =	vle.f32 v15, v13  }
0x9d: {  	s29 =	simm.s32 $0x4420;
	v15 =	vshll.u32 v40, $0x1;
	v29 =	vsel vm0, $0x2, v2;
	vm0 =	vle.f32 v61, v9  }
0x9e: {  	s31 =	simm.s32 $0x80;
	s30 =	simm.s32 $0x4420;
	s0 =	simm.s32 $0x4E0;
	[tilespmem:s29+$0x10] =	vst v60;
	v32 =	vld.idx.msk [tilespmem:v63+s3+$0x0], $0xffff;
	v29 =	vadd.s32 v29, v15;
	v15 =	vsel vm0, $0x2, v2;
	vm0 =	vle.f32 v62, v6  }
.LBB2_2:
0x9f: {  	v33 =	vld [tilespmem:s0+$0x10];
	s31 =	sadd.s32 $0x40, s31;
	v28 =	vadd.s32 v15, v28;
	v15 =	vsel vm0, $0x2, v2;
	vm0 =	vle.f32 v16, v7  }
0xa0: {  	v16 =	vld [tilespmem:s0+$0xFFFFFFF0];
	p0 =	slt.u32 s31, $0xFC0;
	v27 =	vadd.s32 v15, v27;
	v15 =	vsel vm0, $0x2, v2;
	vm0 =	vle.f32 v20, v8;
	v8 =	vmovc v13  }
0xa1: {  	v13 =	vshll.u32 v19, $0x1;
	v20 =	vld [tilespmem:s0+$0x0];
	v26 =	vadd.s32 v15, v26;
	v19 =	vsel vm0, $0x2, v2  }
0xa2: {  	v34 =	vshll.u32 v28, $0x1;
	v35 =	vshll.u32 v27, $0x1;
	v15 =	vld [tilespmem:s0+$0xFFFFFFE0];
	v19 =	vadd.s32 v19, v13  }
0xa3: {  	v17 =	vadd.s32 v21, v17;
	v18 =	vadd.s32 v23, v18;
	v37 =	vshll.u32 v26, $0x1;
	v36 =	vld.idx.msk [tilespmem:v29+s3+$0x0], $0xffff  }
0xa4: {  	vm0 =	vle.f32 v32, v12;
	vm1 =	vle.f32 v3, v33;
	vm2 =	vle.f32 v4, v33;
	v21 =	vld.idx.msk [tilespmem:v30+s3+$0x0], $0xffff  }
0xa5: {  	v13 =	vmovc v33;
	v23 =	vsel vm1, $0x4, v0;
	v30 =	vsel vm2, $0x1, v1;
	vm1 =	vle.f32 v5, v33;
	v31 =	vld.idx.msk [tilespmem:v31+s3+$0x0], $0xffff  }
0xa6: {  	vm2 =	vle.f32 v3, v16;
	v23 =	vadd.s32 v30, v23;
	v30 =	vsel vm1, $0x1, v1;
	v28 =	vld.idx.msk [tilespmem:v28+s3+$0x0], $0xffff  }
0xa7: {  	vm1 =	vle.f32 v3, v15;
	vm3 =	vle.f32 v4, v15;
	v23 =	vadd.s32 v30, v23;
	v19 =	vld.idx.msk [tilespmem:v19+s3+$0x0], $0xffff  }
0xa8: {  	vm4 =	vle.f32 v4, v16;
	vm5 =	vle.f32 v3, v20;
	vm6 =	vle.f32 v4, v20;
	v27 =	vld.idx.msk [tilespmem:v27+s3+$0x0], $0xffff  }
0xa9: {  	v30 =	vsel vm1, $0x4, v0;
	v32 =	vsel vm3, $0x1, v1;
	vm1 =	vle.f32 v36, v8;
	v26 =	vld.idx.msk [tilespmem:v26+s3+$0x0], $0xffff  }
0xaa: {  	v29 =	vshll.u32 v29, $0x1;
	v33 =	vsel vm2, $0x4, v0;
	v36 =	vsel vm1, $0x2, v2;
	v14 =	vld.idx.msk [tilespmem:v14+s3+$0x0], $0xffff  }
0xab: {  	v38 =	vsel vm4, $0x1, v1;
	v39 =	vsel vm5, $0x4, v0;
	v29 =	vadd.s32 v36, v29;
	v17 =	vld.idx.msk [tilespmem:v17+s3+$0x0], $0xffff  }
0xac: {  	s29 =	sadd.s32 $0x40, s29;
	vm2 =	vle.f32 v5, v16;
	vm1 =	vle.f32 v5, v15;
	v36 =	vsel vm6, $0x1, v1;
	v40 =	vld.idx.msk [tilespmem:v23+s3+$0x0], $0xffff  }
0xad: {  	vm3 =	vle.f32 v5, v20;
	v30 =	vadd.s32 v32, v30;
	v32 =	vadd.s32 v38, v33;
	[tilespmem:s29+$0x10] =	vst v19  }
0xae: {  	v33 =	vsel vm2, $0x1, v1;
	v36 =	vadd.s32 v36, v39;
	v19 =	vsel vm1, $0x1, v1;
	v18 =	vld.idx.msk [tilespmem:v18+s3+$0x0], $0xffff  }
0xaf: {  	v19 =	vadd.s32 v19, v30;
	v30 =	vadd.s32 v33, v32;
	v32 =	vsel vm3, $0x1, v1  }
0xb0: {  	v33 =	vshll.u32 v19, $0x1;
	v38 =	vshll.u32 v30, $0x1;
	v32 =	vadd.s32 v32, v36;
	v36 =	vld.idx.msk [tilespmem:v29+s3+$0x0], $0xffff;
	[tilespmem:s30+$0xFFFFFFE0] =	vst v14  }
0xb1: {  	vm2 =	vle.f32 v31, v11;
	vm1 =	vle.f32 v21, v10;
	v14 =	vshll.u32 v32, $0x1;
	[tilespmem:s30+$0xFFFFFFF0] =	vst v17  }
0xb2: {  	v21 =	vsel vm1, $0x2, v2;
	vm3 =	vle.f32 v40, v13;
	v17 =	vsel vm0, $0x2, v2  }
0xb3: {  	v39 =	vsel vm2, $0x2, v2;
	v23 =	vshll.u32 v23, $0x1;
	v31 =	vsel vm3, $0x2, v2  }
0xb4: {  	v21 =	vadd.s32 v21, v24;
	v17 =	vadd.s32 v17, v22;
	v23 =	vadd.s32 v31, v23;
	v19 =	vld.idx.msk [tilespmem:v19+s3+$0x0], $0xffff  }
0xb5: {  	v25 =	vadd.s32 v39, v25;
	v24 =	vshll.u32 v17, $0x1;
	v22 =	vld.idx.msk [tilespmem:v30+s3+$0x0], $0xffff;
	v30 =	vshll.u32 v21, $0x1;
	[tilespmem:s30+$0x0] =	vst v18;
	s30 =	smov.u32 s29  }
0xb6: {  	vm1 =	vle.f32 v28, v9;
	v31 =	vshll.u32 v25, $0x1;
	vm0 =	vle.f32 v36, v8;
	v18 =	vld.idx.msk [tilespmem:v32+s3+$0x0], $0xffff  }
0xb7: {  	v28 =	vshll.u32 v29, $0x1;
	v29 =	vsel vm0, $0x2, v2;
	vm0 =	vle.f32 v27, v6  }
0xb8: {  	v27 =	vadd.s32 v29, v28;
	v28 =	vsel vm1, $0x2, v2;
	vm1 =	vle.f32 v26, v7  }
0xb9: {  	v29 =	vsel vm0, $0x2, v2;
	v28 =	vadd.s32 v28, v34;
	v32 =	vsel vm1, $0x2, v2;
	v26 =	vld.idx.msk [tilespmem:v23+s3+$0x0], $0xffff  }
0xba: {  	v29 =	vadd.s32 v29, v35;
	vm0 =	vle.f32 v19, v15;
	v32 =	vadd.s32 v32, v37;
	v19 =	vld.idx.msk [tilespmem:v17+s3+$0x0], $0xffff  }
0xbb: {  	v34 =	vshll.u32 v28, $0x1;
	v17 =	vsel vm0, $0x2, v2;
	vm0 =	vle.f32 v22, v16;
	v21 =	vld.idx.msk [tilespmem:v21+s3+$0x0], $0xffff  }
0xbc: {  	v22 =	vadd.s32 v17, v33;
	v17 =	vsel vm0, $0x2, v2;
	vm0 =	vle.f32 v18, v20;
	v25 =	vld.idx.msk [tilespmem:v25+s3+$0x0], $0xffff  }
0xbd: {  	v33 =	vshll.u32 v22, $0x1;
	v35 =	vadd.s32 v17, v38;
	v17 =	vsel vm0, $0x2, v2;
	v36 =	vld.idx.msk [tilespmem:v27+s3+$0x0], $0xffff  }
0xbe: {  	v37 =	vshll.u32 v35, $0x1;
	v14 =	vadd.s32 v17, v14;
	v17 =	vshll.u32 v29, $0x1;
	v38 =	vld.idx.msk [tilespmem:v28+s3+$0x0], $0xffff  }
0xbf: {  	v18 =	vshll.u32 v32, $0x1;
	v39 =	vshll.u32 v14, $0x1;
	vm0 =	vle.f32 v26, v13;
	v29 =	vld.idx.msk [tilespmem:v29+s3+$0x0], $0xffff  }
0xc0: {  	v23 =	vshll.u32 v23, $0x1;
	v26 =	vsel vm0, $0x2, v2;
	vm0 =	vle.f32 v19, v12;
	v32 =	vld.idx.msk [tilespmem:v32+s3+$0x0], $0xffff  }
0xc1: {  	v40 =	vadd.s32 v26, v23;
	v19 =	vsel vm0, $0x2, v2;
	vm0 =	vle.f32 v21, v10;
	v22 =	vld.idx.msk [tilespmem:v22+s3+$0x0], $0xffff  }
0xc2: {  	v23 =	vadd.s32 v19, v24;
	v19 =	vsel vm0, $0x2, v2;
	vm0 =	vle.f32 v25, v11;
	v21 =	vld.idx.msk [tilespmem:v35+s3+$0x0], $0xffff  }
0xc3: {  	v24 =	vadd.s32 v19, v30;
	v19 =	vsel vm0, $0x2, v2;
	vm0 =	vle.f32 v36, v8;
	v14 =	vld.idx.msk [tilespmem:v14+s3+$0x0], $0xffff  }
0xc4: {  	v25 =	vadd.s32 v19, v31;
	v19 =	vshll.u32 v27, $0x1;
	v26 =	vsel vm0, $0x2, v2  }
0xc5: {  	v28 =	vshll.u32 v23, $0x1;
	v27 =	vshll.u32 v24, $0x1;
	v19 =	vadd.s32 v26, v19  }
0xc6: {  	vm0 =	vle.f32 v38, v9;
	v26 =	vshll.u32 v25, $0x1;
	vm1 =	vle.f32 v29, v6;
	v6 =	vmovc v10;
	v35 =	vld.idx.msk [tilespmem:v40+s3+$0x0], $0xffff  }
0xc7: {  	v36 =	vsel vm0, $0x2, v2;
	v10 =	vmovc v16;
	vm0 =	vle.f32 v32, v7;
	vm2 =	vle.f32 v22, v15;
	v29 =	vld.idx.msk [tilespmem:v23+s3+$0x0], $0xffff  }
0xc8: {  	v7 =	vmovc v11;
	v11 =	vmovc v20;
	v22 =	vsel vm2, $0x2, v2;
	vm2 =	vle.f32 v21, v10;
	v21 =	vsel vm1, $0x2, v2;
	v38 =	vld.idx.msk [tilespmem:v24+s3+$0x0], $0xffff  }
0xc9: {  	v9 =	vmovc v12;
	v32 =	vadd.s32 v22, v33;
	v20 =	vsel vm2, $0x2, v2;
	vm1 =	vle.f32 v14, v11;
	v16 =	vld.idx.msk [tilespmem:v25+s3+$0x0], $0xffff  }
.Ltmp0:
0xca: {  	v12 =	vmovc v15;
	v22 =	vshll.u32 v32, $0x1;
	v30 =	vadd.s32 v20, v37;
	v14 =	vsel vm1, $0x2, v2;
	v20 =	vld.idx.msk [tilespmem:v19+s3+$0x0], $0xffff;
	(pc) =	sbr.rel @p0 .LBB2_2-.Ltmp0, $4  }
0xcb: {  	v23 =	vsel vm0, $0x2, v2;
	v24 =	vshll.u32 v30, $0x1;
	v31 =	vadd.s32 v14, v39  }
0xcc: {  	v14 =	vadd.s32 v36, v34;
	v25 =	vshll.u32 v31, $0x1;
	vm0 =	vle.f32 v35, v13  }
0xcd: {  	v15 =	vshll.u32 v40, $0x1;
	v33 =	vsel vm0, $0x2, v2;
	vm0 =	vle.f32 v29, v9  }
0xce: {  	s0 =	sadd.s32 $0x40, s0;
	v29 =	vadd.s32 v33, v15;
	v15 =	vsel vm0, $0x2, v2;
	vm0 =	vle.f32 v38, v6;
	v32 =	vld.idx.msk [tilespmem:v32+s3+$0x0], $0xffff  }
0xcf: {  	_ =	sdelay $0x3  }
0xd0: {  	v30 =	vld.idx.msk [tilespmem:v30+s3+$0x0], $0xffff  }
0xd1: {  	v31 =	vld.idx.msk [tilespmem:v31+s3+$0x0], $0xffff;
	_ =	sdelay $0x2  }
0xd2: {  	vm1 =	vle.f32 v32, v12  }
0xd3: {  	vm2 =	vle.f32 v30, v10;
	v30 =	vsel vm1, $0x2, v2  }
0xd4: {  	vm1 =	vle.f32 v31, v11;
	v31 =	vsel vm2, $0x2, v2;
	v22 =	vadd.s32 v30, v22  }
0xd5: {  	v30 =	vld.idx.msk [tilespmem:v29+s3+$0x0], $0xffff;
	v63 =	vsel vm1, $0x2, v2;
	v24 =	vadd.s32 v31, v24  }
0xd6: {  	v25 =	vadd.s32 v63, v25;
	_ =	sdelay $0x2  }
0xd7: {  	v31 =	vld.idx.msk [tilespmem:v22+s3+$0x0], $0xffff  }
0xd8: {  	vm1 =	vle.f32 v30, v13;
	v30 =	vld.idx.msk [tilespmem:v24+s3+$0x0], $0xffff  }
0xd9: {  	v29 =	vshll.u32 v29, $0x1;
	v36 =	vsel vm1, $0x2, v2;
	v33 =	vld.idx.msk [tilespmem:v25+s3+$0x0], $0xffff  }
0xda: {  	v29 =	vadd.s32 v36, v29;
	_ =	sdelay $0x1  }
0xdb: {  	v22 =	vshll.u32 v22, $0x1;
	vm1 =	vle.f32 v31, v12  }
0xdc: {  	v24 =	vshll.u32 v24, $0x1;
	v31 =	vsel vm1, $0x2, v2;
	vm1 =	vle.f32 v30, v10  }
0xdd: {  	v22 =	vadd.s32 v31, v22;
	v30 =	vsel vm1, $0x2, v2;
	vm1 =	vle.f32 v33, v11  }
0xde: {  	v25 =	vshll.u32 v25, $0x1;
	v31 =	vld.idx.msk [tilespmem:v29+s3+$0x0], $0xffff;
	v24 =	vadd.s32 v30, v24;
	v30 =	vsel vm1, $0x2, v2  }
0xdf: {  	v25 =	vadd.s32 v30, v25;
	_ =	sdelay $0x2  }
0xe0: {  	v30 =	vld.idx.msk [tilespmem:v22+s3+$0x0], $0xffff  }
0xe1: {  	v15 =	vadd.s32 v15, v28;
	v28 =	vsel vm0, $0x2, v2;
	vm0 =	vle.f32 v31, v13;
	v31 =	vld.idx.msk [tilespmem:v24+s3+$0x0], $0xffff  }
0xe2: {  	v27 =	vadd.s32 v28, v27;
	v28 =	vshll.u32 v29, $0x1;
	v29 =	vsel vm0, $0x2, v2;
	v37 =	vld.idx.msk [tilespmem:v25+s3+$0x0], $0xffff  }
0xe3: {  	vm0 =	vle.f32 v16, v7;
	v16 =	vadd.s32 v29, v28  }
0xe4: {  	v28 =	vsel vm0, $0x2, v2  }
0xe5: {  	v22 =	vshll.u32 v22, $0x1;
	v26 =	vadd.s32 v28, v26;
	vm0 =	vle.f32 v30, v12  }
0xe6: {  	v24 =	vshll.u32 v24, $0x1;
	v28 =	vld.idx.msk [tilespmem:v15+s3+$0x0], $0xffff;
	v29 =	vsel vm0, $0x2, v2;
	vm0 =	vle.f32 v31, v10  }
0xe7: {  	v30 =	vld.idx.msk [tilespmem:v27+s3+$0x0], $0xffff;
	v22 =	vadd.s32 v29, v22;
	v29 =	vsel vm0, $0x2, v2;
	vm0 =	vle.f32 v37, v11  }
0xe8: {  	v25 =	vshll.u32 v25, $0x1;
	v31 =	vld.idx.msk [tilespmem:v16+s3+$0x0], $0xffff;
	v24 =	vadd.s32 v29, v24;
	v29 =	vsel vm0, $0x2, v2  }
0xe9: {  	v25 =	vadd.s32 v29, v25  }
0xea: {  	v29 =	vld.idx.msk [tilespmem:v26+s3+$0x0], $0xffff;
	_ =	sdelay $0x1  }
0xeb: {  	v15 =	vshll.u32 v15, $0x1;
	vm0 =	vle.f32 v28, v9;
	vm1 =	vle.f32 v30, v6;
	v30 =	vld.idx.msk [tilespmem:v22+s3+$0x0], $0xffff  }
0xec: {  	v27 =	vshll.u32 v27, $0x1;
	v28 =	vsel vm0, $0x2, v2;
	vm0 =	vle.f32 v31, v13;
	v31 =	vld.idx.msk [tilespmem:v24+s3+$0x0], $0xffff  }
0xed: {  	v16 =	vshll.u32 v16, $0x1;
	v15 =	vadd.s32 v28, v15;
	v28 =	vsel vm1, $0x2, v2;
	v38 =	vld.idx.msk [tilespmem:v25+s3+$0x0], $0xffff  }
0xee: {  	v27 =	vadd.s32 v28, v27;
	v28 =	vsel vm0, $0x2, v2;
	vm0 =	vle.f32 v29, v7  }
0xef: {  	v26 =	vshll.u32 v26, $0x1;
	v16 =	vadd.s32 v28, v16;
	v28 =	vsel vm0, $0x2, v2  }
0xf0: {  	v22 =	vshll.u32 v22, $0x1;
	v26 =	vadd.s32 v28, v26;
	vm0 =	vle.f32 v30, v12  }
0xf1: {  	v24 =	vshll.u32 v24, $0x1;
	vm1 =	vle.f32 v31, v10;
	v29 =	vsel vm0, $0x2, v2  }
0xf2: {  	v28 =	vld.idx.msk [tilespmem:v15+s3+$0x0], $0xffff;
	vm0 =	vle.f32 v38, v11;
	v22 =	vadd.s32 v29, v22;
	v29 =	vsel vm1, $0x2, v2  }
0xf3: {  	v25 =	vshll.u32 v25, $0x1;
	v30 =	vld.idx.msk [tilespmem:v27+s3+$0x0], $0xffff;
	v32 =	vsel vm0, $0x2, v2;
	v24 =	vadd.s32 v29, v24  }
0xf4: {  	v31 =	vld.idx.msk [tilespmem:v16+s3+$0x0], $0xffff;
	vm0 =	vle.f32 v20, v8;
	v8 =	vadd.s32 v32, v25  }
0xf5: {  	v19 =	vshll.u32 v19, $0x1;
	v20 =	vsel vm0, $0x2, v2;
	v25 =	vld.idx.msk [tilespmem:v26+s3+$0x0], $0xffff  }
0xf6: {  	v17 =	vadd.s32 v21, v17;
	v18 =	vadd.s32 v23, v18;
	v19 =	vadd.s32 v20, v19  }
0xf7: {  	v15 =	vshll.u32 v15, $0x1;
	v21 =	vshll.u32 v26, $0x1;
	vm0 =	vle.f32 v28, v9;
	v23 =	vld.idx.msk [tilespmem:v22+s3+$0x0], $0xffff  }
0xf8: {  	v20 =	vshll.u32 v27, $0x1;
	vm1 =	vle.f32 v30, v6;
	v9 =	vsel vm0, $0x2, v2;
	v6 =	vld.idx.msk [tilespmem:v24+s3+$0x0], $0xffff  }
0xf9: {  	v9 =	vadd.s32 v9, v15;
	vm2 =	vle.f32 v31, v13;
	v13 =	vshll.u32 v16, $0x1;
	v26 =	vld.idx.msk [tilespmem:v8+s3+$0x0], $0xffff  }
0xfa: {  	v14 =	vld.idx.msk [tilespmem:v14+s3+$0x0], $0xffff;
	v16 =	vsel vm2, $0x2, v2;
	vm0 =	vle.f32 v25, v7;
	v7 =	vsel vm1, $0x2, v2  }
0xfb: {  	v13 =	vadd.s32 v16, v13;
	v16 =	vld.idx.msk [tilespmem:v19+s3+$0x0], $0xffff;
	v19 =	vsel vm0, $0x2, v2;
	v7 =	vadd.s32 v7, v20  }
0xfc: {  	v15 =	vadd.s32 v19, v21;
	v19 =	vshll.u32 v22, $0x1;
	vm0 =	vle.f32 v23, v12  }
0xfd: {  	v12 =	vld.idx.msk [tilespmem:v17+s3+$0x0], $0xffff;
	v17 =	vshll.u32 v24, $0x1;
	vm1 =	vle.f32 v6, v10;
	v6 =	vsel vm0, $0x2, v2  }
0xfe: {  	v9 =	vld.idx.msk [tilespmem:v9+s3+$0x0], $0xffff;
	vm0 =	vle.f32 v26, v11;
	v11 =	vsel vm1, $0x2, v2;
	v6 =	vadd.s32 v6, v19  }
0xff: {  	v8 =	vshll.u32 v8, $0x1;
	v10 =	vld.idx.msk [tilespmem:v18+s3+$0x0], $0xffff;
	v18 =	vsel vm0, $0x2, v2;
	v11 =	vadd.s32 v11, v17  }
0x100: {  	s0 =	sadd.s32 $0x40, s29;
	[tilespmem:s30+$0xFFFFFFE0] =	vst v14;
	v13 =	vld.idx.msk [tilespmem:v13+s3+$0x0], $0xffff;
	v8 =	vadd.s32 v18, v8  }
0x101: {  	[tilespmem:s0+$0x10] =	vst v16;
	v7 =	vld.idx.msk [tilespmem:v7+s3+$0x0], $0xffff  }
0x102: {  	[tilespmem:s30+$0xFFFFFFF0] =	vst v12;
	v12 =	vld.idx.msk [tilespmem:v15+s3+$0x0], $0xffff  }
0x103: {  	[tilespmem:s0+$0xFFFFFFE0] =	vst v9;
	v6 =	vld.idx.msk [tilespmem:v6+s3+$0x0], $0xffff  }
0x104: {  	s29 =	sadd.s32 $0x40, s0;
	[tilespmem:s30+$0x0] =	vst v10;
	v10 =	vld.idx.msk [tilespmem:v11+s3+$0x0], $0xffff  }
0x105: {  	[tilespmem:s29+$0x10] =	vst v13;
	v8 =	vld.idx.msk [tilespmem:v8+s3+$0x0], $0xffff  }
0x106: {  	[tilespmem:s0+$0xFFFFFFF0] =	vst v7  }
0x107: {  	[tilespmem:s0+$0x0] =	vst v12  }
0x108: {  	[tilespmem:s29+$0xFFFFFFE0] =	vst v6  }
0x109: {  	[tilespmem:s29+$0xFFFFFFF0] =	vst v10  }
0x10a: {  	[tilespmem:s29+$0x0] =	vst v8  }
0x10b: {  	[hbm4b:s8+s3] =	stream.linear.scatter [tilespmem:s19], [sflag:$0x5], $0x1000, $0x38;
	[tilespmem:$0x8400] =	vst v63  }
0x10c: {  	_ =	swait.ge [sflag:s20], $0x1000  }
0x10d: {  	[sflag:s20] =	ssyncset.done $0x0  }
0x10e: {  	s0 =	simm.s32 $0x1430;
	[sflag:s20] =	ssyncadd.s32 $0xFFFFF000  }
0x10f: {  	v11 =	vld [tilespmem:s0+$0x0];
	_ =	sdelay $0x4  }
0x110: {  	vm0 =	vle.f32 v3, v11;
	vm1 =	vle.f32 v4, v11  }
0x111: {  	v6 =	vsel vm0, $0x4, v0;
	v7 =	vsel vm1, $0x1, v1;
	vm0 =	vle.f32 v5, v11  }
0x112: {  	v6 =	vadd.s32 v7, v6;
	v7 =	vsel vm0, $0x1, v1  }
0x113: {  	v6 =	vadd.s32 v7, v6  }
0x114: {  	v15 =	vld [tilespmem:s0+$0xFFFFFFE0]  }
0x115: {  	v16 =	vld [tilespmem:s0+$0xFFFFFFD0]  }
0x116: {  	v14 =	vld [tilespmem:s0+$0xFFFFFFF0];
	_ =	sdelay $0x1  }
0x117: {  	v7 =	vld.idx.msk [tilespmem:v6+s3+$0x0], $0xffff;
	_ =	sdelay $0x2  }
0x118: {  	vm2 =	vle.f32 v4, v16;
	vm3 =	vle.f32 v4, v15;
	vm4 =	vle.f32 v3, v14  }
0x119: {  	vm5 =	vle.f32 v4, v14;
	vm1 =	vle.f32 v3, v16;
	v9 =	vsel vm2, $0x1, v1  }
0x11a: {  	v12 =	vsel vm3, $0x1, v1;
	v8 =	vsel vm1, $0x4, v0;
	vm1 =	vle.f32 v7, v11  }
0x11b: {  	v13 =	vsel vm4, $0x4, v0;
	v6 =	vshll.u32 v6, $0x1;
	v10 =	vsel vm1, $0x2, v2  }
0x11c: {  	vm0 =	vle.f32 v3, v15;
	v8 =	vadd.s32 v9, v8;
	v6 =	vadd.s32 v10, v6  }
0x11d: {  	v7 =	vsel vm0, $0x4, v0;
	vm0 =	vle.f32 v5, v16;
	vm1 =	vle.f32 v5, v15  }
0x11e: {  	v7 =	vadd.s32 v12, v7;
	v9 =	vsel vm0, $0x1, v1;
	vm0 =	vle.f32 v5, v14  }
0x11f: {  	v10 =	vsel vm5, $0x1, v1;
	v12 =	vsel vm1, $0x1, v1;
	v8 =	vadd.s32 v9, v8  }
0x120: {  	v9 =	vadd.s32 v10, v13;
	v7 =	vadd.s32 v12, v7;
	v10 =	vsel vm0, $0x1, v1  }
0x121: {  	v9 =	vadd.s32 v10, v9;
	v10 =	vld.idx.msk [tilespmem:v6+s3+$0x0], $0xffff;
	_ =	sdelay $0x2  }
0x122: {  	v12 =	vld.idx.msk [tilespmem:v8+s3+$0x0], $0xffff  }
0x123: {  	v13 =	vld.idx.msk [tilespmem:v7+s3+$0x0], $0xffff  }
0x124: {  	v17 =	vld.idx.msk [tilespmem:v9+s3+$0x0], $0xffff;
	vm0 =	vle.f32 v10, v11  }
0x125: {  	v6 =	vshll.u32 v6, $0x1;
	v10 =	vsel vm0, $0x2, v2  }
0x126: {  	v6 =	vadd.s32 v10, v6  }
0x127: {  	v8 =	vshll.u32 v8, $0x1;
	vm0 =	vle.f32 v12, v16  }
0x128: {  	v7 =	vshll.u32 v7, $0x1;
	v10 =	vsel vm0, $0x2, v2;
	vm0 =	vle.f32 v13, v15  }
0x129: {  	v10 =	vadd.s32 v10, v8;
	v8 =	vsel vm0, $0x2, v2;
	vm0 =	vle.f32 v17, v14  }
0x12a: {  	v9 =	vshll.u32 v9, $0x1;
	v7 =	vadd.s32 v8, v7;
	v8 =	vsel vm0, $0x2, v2  }
0x12b: {  	v9 =	vadd.s32 v8, v9;
	v8 =	vld.idx.msk [tilespmem:v6+s3+$0x0], $0xffff;
	_ =	sdelay $0x2  }
0x12c: {  	v12 =	vld.idx.msk [tilespmem:v10+s3+$0x0], $0xffff  }
0x12d: {  	v13 =	vld.idx.msk [tilespmem:v7+s3+$0x0], $0xffff  }
0x12e: {  	v17 =	vld.idx.msk [tilespmem:v9+s3+$0x0], $0xffff;
	vm0 =	vle.f32 v8, v11  }
0x12f: {  	s0 =	simm.s32 $0x1470;
	v6 =	vshll.u32 v6, $0x1;
	v18 =	vsel vm0, $0x2, v2  }
0x130: {  	v8 =	vld [tilespmem:s0+$0x0];
	v18 =	vadd.s32 v18, v6  }
0x131: {  	v19 =	vshll.u32 v7, $0x1;
	v10 =	vshll.u32 v10, $0x1;
	vm0 =	vle.f32 v12, v16  }
0x132: {  	v12 =	vshll.u32 v9, $0x1;
	v9 =	vld [tilespmem:s0+$0xFFFFFFD0];
	v7 =	vsel vm0, $0x2, v2;
	vm0 =	vle.f32 v13, v15  }
0x133: {  	v6 =	vld [tilespmem:s0+$0xFFFFFFE0];
	v10 =	vadd.s32 v7, v10;
	v13 =	vsel vm0, $0x2, v2;
	vm0 =	vle.f32 v17, v14  }
0x134: {  	v7 =	vld [tilespmem:s0+$0xFFFFFFF0];
	v17 =	vshll.u32 v10, $0x1;
	v23 =	vsel vm0, $0x2, v2;
	v13 =	vadd.s32 v13, v19  }
0x135: {  	vm1 =	vle.f32 v3, v8;
	vm2 =	vle.f32 v4, v8;
	v12 =	vadd.s32 v23, v12;
	v20 =	vld.idx.msk [tilespmem:v18+s3+$0x0], $0xffff  }
0x136: {  	v21 =	vsel vm1, $0x4, v0;
	v22 =	vsel vm2, $0x1, v1;
	vm1 =	vle.f32 v5, v8  }
0x137: {  	vm2 =	vle.f32 v4, v9;
	v21 =	vadd.s32 v22, v21;
	v22 =	vsel vm1, $0x1, v1  }
0x138: {  	vm0 =	vle.f32 v3, v6;
	vm1 =	vle.f32 v3, v9;
	v19 =	vadd.s32 v22, v21  }
0x139: {  	vm3 =	vle.f32 v4, v6;
	v18 =	vshll.u32 v18, $0x1;
	vm12 =	vle.f32 v3, v7  }
0x13a: {  	vm13 =	vle.f32 v4, v7;
	v21 =	vsel vm1, $0x4, v0;
	vm1 =	vle.f32 v20, v11  }
0x13b: {  	v22 =	vsel vm2, $0x1, v1;
	v24 =	vsel vm3, $0x1, v1;
	v23 =	vsel vm1, $0x2, v2  }
0x13c: {  	v10 =	vld.idx.msk [tilespmem:v10+s3+$0x0], $0xffff;
	v20 =	vsel vm0, $0x4, v0;
	vm0 =	vle.f32 v5, v9;
	v18 =	vadd.s32 v23, v18  }
0x13d: {  	v25 =	vsel vm12, $0x4, v0;
	v21 =	vadd.s32 v22, v21;
	v22 =	vsel vm0, $0x1, v1;
	v23 =	vld.idx.msk [tilespmem:v19+s3+$0x0], $0xffff  }
0x13e: {  	v26 =	vld.idx.msk [tilespmem:v13+s3+$0x0], $0xffff;
	v27 =	vsel vm13, $0x1, v1;
	vm0 =	vle.f32 v5, v6;
	v21 =	vadd.s32 v22, v21  }
0x13f: {  	v20 =	vadd.s32 v24, v20;
	vm1 =	vle.f32 v5, v7;
	v24 =	vsel vm0, $0x1, v1  }
0x140: {  	v25 =	vadd.s32 v27, v25;
	v22 =	vld.idx.msk [tilespmem:v12+s3+$0x0], $0xffff;
	v20 =	vadd.s32 v24, v20;
	v24 =	vsel vm1, $0x1, v1  }
0x141: {  	v24 =	vadd.s32 v24, v25;
	v25 =	vld.idx.msk [tilespmem:v18+s3+$0x0], $0xffff  }
0x142: {  	v13 =	vshll.u32 v13, $0x1;
	vm1 =	vle.f32 v10, v16;
	vm0 =	vle.f32 v23, v8  }
0x143: {  	v10 =	vshll.u32 v19, $0x1;
	v19 =	vsel vm0, $0x2, v2;
	vm0 =	vle.f32 v26, v15;
	v26 =	vld.idx.msk [tilespmem:v21+s3+$0x0], $0xffff  }
0x144: {  	v23 =	vsel vm1, $0x2, v2;
	v10 =	vadd.s32 v19, v10;
	v19 =	vsel vm0, $0x2, v2  }
0x145: {  	vm1 =	vle.f32 v22, v14;
	v17 =	vadd.s32 v23, v17;
	v13 =	vadd.s32 v19, v13;
	v19 =	vld.idx.msk [tilespmem:v20+s3+$0x0], $0xffff  }
0x146: {  	v12 =	vshll.u32 v12, $0x1;
	v22 =	vsel vm1, $0x2, v2;
	vm0 =	vle.f32 v25, v11  }
0x147: {  	v18 =	vshll.u32 v18, $0x1;
	v12 =	vadd.s32 v22, v12;
	v22 =	vld.idx.msk [tilespmem:v24+s3+$0x0], $0xffff;
	v23 =	vsel vm0, $0x2, v2  }
0x148: {  	vm0 =	vle.f32 v26, v9;
	v18 =	vadd.s32 v23, v18  }
0x149: {  	v21 =	vshll.u32 v21, $0x1;
	v23 =	vld.idx.msk [tilespmem:v10+s3+$0x0], $0xffff;
	v26 =	vsel vm0, $0x2, v2  }
0x14a: {  	v25 =	vld.idx.msk [tilespmem:v17+s3+$0x0], $0xffff;
	vm0 =	vle.f32 v19, v6;
	v21 =	vadd.s32 v26, v21  }
0x14b: {  	v20 =	vshll.u32 v20, $0x1;
	v19 =	vld.idx.msk [tilespmem:v13+s3+$0x0], $0xffff;
	v26 =	vsel vm0, $0x2, v2  }
0x14c: {  	v24 =	vshll.u32 v24, $0x1;
	vm0 =	vle.f32 v22, v7;
	v22 =	vld.idx.msk [tilespmem:v12+s3+$0x0], $0xffff;
	v20 =	vadd.s32 v26, v20  }
0x14d: {  	v17 =	vshll.u32 v17, $0x1;
	v10 =	vshll.u32 v10, $0x1;
	v26 =	vsel vm0, $0x2, v2;
	v27 =	vld.idx.msk [tilespmem:v18+s3+$0x0], $0xffff  }
0x14e: {  	v13 =	vshll.u32 v13, $0x1;
	v24 =	vadd.s32 v26, v24;
	vm0 =	vle.f32 v23, v8  }
0x14f: {  	v12 =	vshll.u32 v12, $0x1;
	v23 =	vsel vm0, $0x2, v2;
	vm0 =	vle.f32 v25, v16;
	v25 =	vld.idx.msk [tilespmem:v21+s3+$0x0], $0xffff  }
0x150: {  	v10 =	vadd.s32 v23, v10;
	v23 =	vsel vm0, $0x2, v2;
	vm0 =	vle.f32 v19, v15  }
0x151: {  	v17 =	vadd.s32 v23, v17;
	v19 =	vsel vm0, $0x2, v2;
	vm0 =	vle.f32 v22, v14;
	v22 =	vld.idx.msk [tilespmem:v20+s3+$0x0], $0xffff  }
0x152: {  	v13 =	vadd.s32 v19, v13;
	v19 =	vsel vm0, $0x2, v2;
	vm0 =	vle.f32 v27, v11  }
0x153: {  	v18 =	vshll.u32 v18, $0x1;
	v12 =	vadd.s32 v19, v12;
	v19 =	vld.idx.msk [tilespmem:v24+s3+$0x0], $0xffff;
	v23 =	vsel vm0, $0x2, v2  }
0x154: {  	v21 =	vshll.u32 v21, $0x1;
	vm0 =	vle.f32 v25, v9;
	v18 =	vadd.s32 v23, v18  }
0x155: {  	v20 =	vshll.u32 v20, $0x1;
	v24 =	vshll.u32 v24, $0x1;
	v23 =	vld.idx.msk [tilespmem:v10+s3+$0x0], $0xffff;
	v26 =	vsel vm0, $0x2, v2  }
0x156: {  	v27 =	vshll.u32 v12, $0x1;
	v25 =	vld.idx.msk [tilespmem:v17+s3+$0x0], $0xffff;
	vm0 =	vle.f32 v22, v6;
	v21 =	vadd.s32 v26, v21  }
0x157: {  	v10 =	vshll.u32 v10, $0x1;
	v26 =	vshll.u32 v13, $0x1;
	v22 =	vld.idx.msk [tilespmem:v13+s3+$0x0], $0xffff;
	v13 =	vsel vm0, $0x2, v2  }
0x158: {  	v17 =	vshll.u32 v17, $0x1;
	v12 =	vld.idx.msk [tilespmem:v12+s3+$0x0], $0xffff;
	vm0 =	vle.f32 v19, v7;
	v20 =	vadd.s32 v13, v20  }
0x159: {  	v19 =	vshll.u32 v21, $0x1;
	v13 =	vsel vm0, $0x2, v2;
	v29 =	vshll.u32 v20, $0x1;
	v28 =	vld.idx.msk [tilespmem:v18+s3+$0x0], $0xffff  }
0x15a: {  	vm0 =	vle.f32 v23, v8;
	v23 =	vadd.s32 v13, v24;
	v18 =	vshll.u32 v18, $0x1  }
0x15b: {  	s0 =	simm.s32 $0x14B0;
	v13 =	vsel vm0, $0x2, v2;
	v24 =	vshll.u32 v23, $0x1;
	vm0 =	vle.f32 v25, v16;
	v21 =	vld.idx.msk [tilespmem:v21+s3+$0x0], $0xffff  }
0x15c: {  	v25 =	vadd.s32 v13, v10;
	v10 =	vsel vm0, $0x2, v2;
	vm0 =	vle.f32 v22, v15;
	v13 =	vld [tilespmem:s0+$0x0]  }
0x15d: {  	vm1 =	vle.f32 v12, v14;
	v17 =	vadd.s32 v10, v17;
	v12 =	vsel vm0, $0x2, v2  }
0x15e: {  	v10 =	vld [tilespmem:s0+$0xFFFFFFE0];
	v22 =	vsel vm1, $0x2, v2;
	v26 =	vadd.s32 v12, v26;
	vm0 =	vle.f32 v28, v11  }
0x15f: {  	v12 =	vld [tilespmem:s0+$0xFFFFFFD0];
	v22 =	vadd.s32 v22, v27;
	v28 =	vshll.u32 v17, $0x1;
	v27 =	vsel vm0, $0x2, v2  }
0x160: {  	v30 =	vshll.u32 v26, $0x1;
	vm0 =	vle.f32 v21, v9;
	v31 =	vadd.s32 v27, v18  }
0x161: {  	v11 =	vld [tilespmem:s0+$0xFFFFFFF0];
	v18 =	vshll.u32 v22, $0x1;
	vm1 =	vle.f32 v3, v13;
	vm2 =	vle.f32 v4, v13  }
0x162: {  	v27 =	vld.idx.msk [tilespmem:v25+s3+$0x0], $0xffff;
	v25 =	vshll.u32 v25, $0x1;
	v21 =	vsel vm1, $0x4, v0;
	v39 =	vsel vm2, $0x1, v1  }
0x163: {  	vm1 =	vle.f32 v5, v13;
	vm2 =	vle.f32 v3, v10;
	vm14 =	vle.f32 v4, v10  }
0x164: {  	v21 =	vadd.s32 v39, v21;
	v40 =	vsel vm1, $0x1, v1;
	vm1 =	vle.f32 v3, v12  }
0x165: {  	vm3 =	vle.f32 v4, v12;
	v35 =	vsel vm14, $0x1, v1;
	v21 =	vadd.s32 v40, v21  }
0x166: {  	vm15 =	vle.f32 v3, v11;
	vm6 =	vle.f32 v4, v11;
	v41 =	vsel vm1, $0x4, v0  }
0x167: {  	v20 =	vld.idx.msk [tilespmem:v20+s3+$0x0], $0xffff;
	v42 =	vsel vm3, $0x1, v1;
	vm3 =	vle.f32 v5, v11;
	vm1 =	vle.f32 v27, v8  }
0x168: {  	v36 =	vsel vm15, $0x4, v0;
	v43 =	vsel vm6, $0x1, v1;
	v34 =	vsel vm1, $0x2, v2  }
0x169: {  	v23 =	vld.idx.msk [tilespmem:v23+s3+$0x0], $0xffff;
	v32 =	vadd.s32 v42, v41;
	v46 =	vsel vm3, $0x1, v1;
	v25 =	vadd.s32 v34, v25  }
0x16a: {  	v17 =	vld.idx.msk [tilespmem:v17+s3+$0x0], $0xffff;
	v27 =	vsel vm2, $0x4, v0;
	vm2 =	vle.f32 v5, v10;
	vm1 =	vle.f32 v5, v12  }
0x16b: {  	v27 =	vadd.s32 v35, v27;
	v45 =	vsel vm2, $0x1, v1;
	v44 =	vsel vm1, $0x1, v1;
	v37 =	vld.idx.msk [tilespmem:v21+s3+$0x0], $0xffff  }
0x16c: {  	vm1 =	vle.f32 v20, v6;
	v20 =	vld.idx.msk [tilespmem:v26+s3+$0x0], $0xffff;
	v26 =	vsel vm0, $0x2, v2;
	v32 =	vadd.s32 v44, v32  }
0x16d: {  	v34 =	vadd.s32 v43, v36;
	v27 =	vadd.s32 v45, v27;
	v19 =	vadd.s32 v26, v19  }
0x16e: {  	vm3 =	vle.f32 v23, v7;
	v48 =	vshll.u32 v27, $0x1;
	v33 =	vadd.s32 v46, v34;
	v49 =	vld.idx.msk [tilespmem:v25+s3+$0x0], $0xffff  }
0x16f: {  	v21 =	vshll.u32 v21, $0x1;
	v50 =	vsel vm1, $0x2, v2;
	vm1 =	vle.f32 v17, v16  }
0x170: {  	v22 =	vld.idx.msk [tilespmem:v22+s3+$0x0], $0xffff;
	v47 =	vshll.u32 v32, $0x1;
	v38 =	vshll.u32 v33, $0x1;
	vm2 =	vle.f32 v37, v13  }
0x171: {  	v26 =	vadd.s32 v50, v29;
	v51 =	vshll.u32 v19, $0x1;
	v29 =	vld.idx.msk [tilespmem:v32+s3+$0x0], $0xffff;
	v23 =	vsel vm2, $0x2, v2  }
0x172: {  	v25 =	vshll.u32 v25, $0x1;
	v19 =	vld.idx.msk [tilespmem:v19+s3+$0x0], $0xffff;
	v21 =	vadd.s32 v23, v21;
	v23 =	vsel vm3, $0x2, v2  }
0x173: {  	v37 =	vshll.u32 v26, $0x1;
	v23 =	vadd.s32 v23, v24;
	vm0 =	vle.f32 v49, v8  }
0x174: {  	v24 =	vld.idx.msk [tilespmem:v27+s3+$0x0], $0xffff;
	v27 =	vshll.u32 v23, $0x1;
	v52 =	vsel vm0, $0x2, v2;
	vm0 =	vle.f32 v20, v15  }
0x175: {  	v17 =	vld.idx.msk [tilespmem:v33+s3+$0x0], $0xffff;
	v20 =	vadd.s32 v52, v25;
	v25 =	vsel vm1, $0x2, v2;
	vm1 =	vle.f32 v22, v14  }
0x176: {  	v22 =	vadd.s32 v25, v28;
	v25 =	vsel vm0, $0x2, v2;
	v28 =	vsel vm1, $0x2, v2  }
0x177: {  	v53 =	vld.idx.msk [tilespmem:v21+s3+$0x0], $0xffff;
	vm0 =	vle.f32 v29, v12;
	v21 =	vshll.u32 v21, $0x1;
	vm1 =	vle.f32 v19, v9  }
0x178: {  	v25 =	vadd.s32 v25, v30;
	v28 =	vadd.s32 v28, v18;
	v18 =	vsel vm0, $0x2, v2  }
0x179: {  	vm0 =	vle.f32 v24, v10;
	v29 =	vshll.u32 v22, $0x1;
	v24 =	vld.idx.msk [tilespmem:v26+s3+$0x0], $0xffff;
	v26 =	vadd.s32 v18, v47  }
0x17a: {  	v23 =	vld.idx.msk [tilespmem:v23+s3+$0x0], $0xffff;
	v18 =	vsel vm0, $0x2, v2;
	vm0 =	vle.f32 v17, v11;
	v30 =	vshll.u32 v26, $0x1  }
0x17b: {  	v54 =	vadd.s32 v18, v48;
	v17 =	vsel vm0, $0x2, v2;
	v18 =	vshll.u32 v28, $0x1;
	v55 =	vld.idx.msk [tilespmem:v20+s3+$0x0], $0xffff  }
0x17c: {  	v36 =	vshll.u32 v54, $0x1;
	v38 =	vadd.s32 v17, v38;
	v22 =	vld.idx.msk [tilespmem:v22+s3+$0x0], $0xffff;
	vm0 =	vle.f32 v53, v13  }
0x17d: {  	v17 =	vshll.u32 v25, $0x1;
	v39 =	vshll.u32 v38, $0x1;
	v25 =	vld.idx.msk [tilespmem:v25+s3+$0x0], $0xffff;
	v19 =	vsel vm0, $0x2, v2  }
0x17e: {  	v56 =	vld.idx.msk [tilespmem:v28+s3+$0x0], $0xffff;
	vm0 =	vle.f32 v24, v6;
	v40 =	vadd.s32 v19, v21;
	v19 =	vsel vm1, $0x2, v2  }
0x17f: {  	v21 =	vld.idx.msk [tilespmem:v26+s3+$0x0], $0xffff;
	v24 =	vadd.s32 v19, v51;
	v19 =	vsel vm0, $0x2, v2;
	vm0 =	vle.f32 v23, v7  }
0x180: {  	v23 =	vld.idx.msk [tilespmem:v54+s3+$0x0], $0xffff;
	v57 =	vadd.s32 v19, v37;
	v19 =	vsel vm0, $0x2, v2;
	vm0 =	vle.f32 v55, v8  }
0x181: {  	v58 =	vld.idx.msk [tilespmem:v38+s3+$0x0], $0xffff;
	v28 =	vshll.u32 v24, $0x1;
	v59 =	vadd.s32 v19, v27;
	v19 =	vshll.u32 v20, $0x1  }
0x182: {  	v20 =	vsel vm0, $0x2, v2;
	v27 =	vshll.u32 v57, $0x1;
	vm0 =	vle.f32 v22, v16  }
0x183: {  	v60 =	vld.idx.msk [tilespmem:v31+s3+$0x0], $0xffff;
	v19 =	vadd.s32 v20, v19;
	v26 =	vshll.u32 v59, $0x1;
	vm1 =	vle.f32 v25, v15  }
0x184: {  	v20 =	vsel vm0, $0x2, v2;
	vm0 =	vle.f32 v56, v14;
	v15 =	vld.idx.msk [tilespmem:v40+s3+$0x0], $0xffff;
	vm2 =	vle.f32 v21, v12  }
0x185: {  	v21 =	vsel vm1, $0x2, v2;
	v61 =	vld.idx.msk [tilespmem:v24+s3+$0x0], $0xffff;
	v14 =	vsel vm2, $0x2, v2;
	vm2 =	vle.f32 v23, v10  }
0x186: {  	v62 =	vld.idx.msk [tilespmem:v57+s3+$0x0], $0xffff;
	v63 =	vadd.s32 v14, v30;
	v14 =	vsel vm2, $0x2, v2;
	vm1 =	vle.f32 v58, v11  }
0x187: {  	v23 =	vsel vm0, $0x2, v2;
	v30 =	vadd.s32 v14, v36;
	v14 =	vsel vm1, $0x2, v2;
	v16 =	vld.idx.msk [tilespmem:v59+s3+$0x0], $0xffff  }
0x188: {  	v22 =	vshll.u32 v63, $0x1;
	v31 =	vadd.s32 v14, v39;
	v14 =	vadd.s32 v20, v29;
	v20 =	vld.idx.msk [tilespmem:v19+s3+$0x0], $0xffff  }
0x189: {  	v24 =	vshll.u32 v30, $0x1;
	v25 =	vshll.u32 v31, $0x1;
	vm0 =	vle.f32 v15, v13  }
0x18a: {  	s29 =	simm.s32 $0x5430;
	v15 =	vshll.u32 v40, $0x1;
	v29 =	vsel vm0, $0x2, v2;
	vm0 =	vle.f32 v61, v9  }
0x18b: {  	s31 =	simm.s32 $0x1080;
	s30 =	simm.s32 $0x5430;
	s0 =	simm.s32 $0x14F0;
	[tilespmem:s29+$0x0] =	vst v60;
	v32 =	vld.idx.msk [tilespmem:v63+s3+$0x0], $0xffff;
	v29 =	vadd.s32 v29, v15;
	v15 =	vsel vm0, $0x2, v2;
	vm0 =	vle.f32 v62, v6  }
.LBB2_4:
0x18c: {  	v33 =	vld [tilespmem:s0+$0x0];
	s31 =	sadd.s32 $0x40, s31;
	v28 =	vadd.s32 v15, v28;
	v15 =	vsel vm0, $0x2, v2;
	vm0 =	vle.f32 v16, v7  }
0x18d: {  	v16 =	vld [tilespmem:s0+$0xFFFFFFE0];
	p0 =	slt.u32 s31, $0x1FC0;
	v27 =	vadd.s32 v15, v27;
	v15 =	vsel vm0, $0x2, v2;
	vm0 =	vle.f32 v20, v8;
	v8 =	vmovc v13  }
0x18e: {  	v13 =	vshll.u32 v19, $0x1;
	v20 =	vld [tilespmem:s0+$0xFFFFFFF0];
	v26 =	vadd.s32 v15, v26;
	v19 =	vsel vm0, $0x2, v2  }
0x18f: {  	v34 =	vshll.u32 v28, $0x1;
	v35 =	vshll.u32 v27, $0x1;
	v15 =	vld [tilespmem:s0+$0xFFFFFFD0];
	v19 =	vadd.s32 v19, v13  }
0x190: {  	v17 =	vadd.s32 v21, v17;
	v18 =	vadd.s32 v23, v18;
	v37 =	vshll.u32 v26, $0x1;
	v36 =	vld.idx.msk [tilespmem:v29+s3+$0x0], $0xffff  }
0x191: {  	vm0 =	vle.f32 v32, v12;
	vm1 =	vle.f32 v3, v33;
	vm2 =	vle.f32 v4, v33;
	v21 =	vld.idx.msk [tilespmem:v30+s3+$0x0], $0xffff  }
0x192: {  	v13 =	vmovc v33;
	v23 =	vsel vm1, $0x4, v0;
	v30 =	vsel vm2, $0x1, v1;
	vm1 =	vle.f32 v5, v33;
	v31 =	vld.idx.msk [tilespmem:v31+s3+$0x0], $0xffff  }
0x193: {  	vm2 =	vle.f32 v3, v16;
	v23 =	vadd.s32 v30, v23;
	v30 =	vsel vm1, $0x1, v1;
	v28 =	vld.idx.msk [tilespmem:v28+s3+$0x0], $0xffff  }
0x194: {  	vm1 =	vle.f32 v3, v15;
	vm3 =	vle.f32 v4, v15;
	v23 =	vadd.s32 v30, v23;
	v19 =	vld.idx.msk [tilespmem:v19+s3+$0x0], $0xffff  }
0x195: {  	vm4 =	vle.f32 v4, v16;
	vm5 =	vle.f32 v3, v20;
	vm6 =	vle.f32 v4, v20;
	v27 =	vld.idx.msk [tilespmem:v27+s3+$0x0], $0xffff  }
0x196: {  	v30 =	vsel vm1, $0x4, v0;
	v32 =	vsel vm3, $0x1, v1;
	vm1 =	vle.f32 v36, v8;
	v26 =	vld.idx.msk [tilespmem:v26+s3+$0x0], $0xffff  }
0x197: {  	v29 =	vshll.u32 v29, $0x1;
	v33 =	vsel vm2, $0x4, v0;
	v36 =	vsel vm1, $0x2, v2;
	v14 =	vld.idx.msk [tilespmem:v14+s3+$0x0], $0xffff  }
0x198: {  	v38 =	vsel vm4, $0x1, v1;
	v39 =	vsel vm5, $0x4, v0;
	v29 =	vadd.s32 v36, v29;
	v17 =	vld.idx.msk [tilespmem:v17+s3+$0x0], $0xffff  }
0x199: {  	s29 =	sadd.s32 $0x40, s29;
	vm2 =	vle.f32 v5, v16;
	vm1 =	vle.f32 v5, v15;
	v36 =	vsel vm6, $0x1, v1;
	v40 =	vld.idx.msk [tilespmem:v23+s3+$0x0], $0xffff  }
0x19a: {  	vm3 =	vle.f32 v5, v20;
	v30 =	vadd.s32 v32, v30;
	v32 =	vadd.s32 v38, v33;
	[tilespmem:s29+$0x0] =	vst v19  }
0x19b: {  	v33 =	vsel vm2, $0x1, v1;
	v36 =	vadd.s32 v36, v39;
	v19 =	vsel vm1, $0x1, v1;
	v18 =	vld.idx.msk [tilespmem:v18+s3+$0x0], $0xffff  }
0x19c: {  	v19 =	vadd.s32 v19, v30;
	v30 =	vadd.s32 v33, v32;
	v32 =	vsel vm3, $0x1, v1  }
0x19d: {  	v33 =	vshll.u32 v19, $0x1;
	v38 =	vshll.u32 v30, $0x1;
	v32 =	vadd.s32 v32, v36;
	v36 =	vld.idx.msk [tilespmem:v29+s3+$0x0], $0xffff;
	[tilespmem:s30+$0xFFFFFFD0] =	vst v14  }
0x19e: {  	vm2 =	vle.f32 v31, v11;
	vm1 =	vle.f32 v21, v10;
	v14 =	vshll.u32 v32, $0x1;
	[tilespmem:s30+$0xFFFFFFE0] =	vst v17  }
0x19f: {  	v21 =	vsel vm1, $0x2, v2;
	vm3 =	vle.f32 v40, v13;
	v17 =	vsel vm0, $0x2, v2  }
0x1a0: {  	v39 =	vsel vm2, $0x2, v2;
	v23 =	vshll.u32 v23, $0x1;
	v31 =	vsel vm3, $0x2, v2  }
0x1a1: {  	v21 =	vadd.s32 v21, v24;
	v17 =	vadd.s32 v17, v22;
	v23 =	vadd.s32 v31, v23;
	v19 =	vld.idx.msk [tilespmem:v19+s3+$0x0], $0xffff  }
0x1a2: {  	v25 =	vadd.s32 v39, v25;
	v24 =	vshll.u32 v17, $0x1;
	v22 =	vld.idx.msk [tilespmem:v30+s3+$0x0], $0xffff;
	v30 =	vshll.u32 v21, $0x1;
	[tilespmem:s30+$0xFFFFFFF0] =	vst v18;
	s30 =	smov.u32 s29  }
0x1a3: {  	vm1 =	vle.f32 v28, v9;
	v31 =	vshll.u32 v25, $0x1;
	vm0 =	vle.f32 v36, v8;
	v18 =	vld.idx.msk [tilespmem:v32+s3+$0x0], $0xffff  }
0x1a4: {  	v28 =	vshll.u32 v29, $0x1;
	v29 =	vsel vm0, $0x2, v2;
	vm0 =	vle.f32 v27, v6  }
0x1a5: {  	v27 =	vadd.s32 v29, v28;
	v28 =	vsel vm1, $0x2, v2;
	vm1 =	vle.f32 v26, v7  }
0x1a6: {  	v29 =	vsel vm0, $0x2, v2;
	v28 =	vadd.s32 v28, v34;
	v32 =	vsel vm1, $0x2, v2;
	v26 =	vld.idx.msk [tilespmem:v23+s3+$0x0], $0xffff  }
0x1a7: {  	v29 =	vadd.s32 v29, v35;
	vm0 =	vle.f32 v19, v15;
	v32 =	vadd.s32 v32, v37;
	v19 =	vld.idx.msk [tilespmem:v17+s3+$0x0], $0xffff  }
0x1a8: {  	v34 =	vshll.u32 v28, $0x1;
	v17 =	vsel vm0, $0x2, v2;
	vm0 =	vle.f32 v22, v16;
	v21 =	vld.idx.msk [tilespmem:v21+s3+$0x0], $0xffff  }
0x1a9: {  	v22 =	vadd.s32 v17, v33;
	v17 =	vsel vm0, $0x2, v2;
	vm0 =	vle.f32 v18, v20;
	v25 =	vld.idx.msk [tilespmem:v25+s3+$0x0], $0xffff  }
0x1aa: {  	v33 =	vshll.u32 v22, $0x1;
	v35 =	vadd.s32 v17, v38;
	v17 =	vsel vm0, $0x2, v2;
	v36 =	vld.idx.msk [tilespmem:v27+s3+$0x0], $0xffff  }
0x1ab: {  	v37 =	vshll.u32 v35, $0x1;
	v14 =	vadd.s32 v17, v14;
	v17 =	vshll.u32 v29, $0x1;
	v38 =	vld.idx.msk [tilespmem:v28+s3+$0x0], $0xffff  }
0x1ac: {  	v18 =	vshll.u32 v32, $0x1;
	v39 =	vshll.u32 v14, $0x1;
	vm0 =	vle.f32 v26, v13;
	v29 =	vld.idx.msk [tilespmem:v29+s3+$0x0], $0xffff  }
0x1ad: {  	v23 =	vshll.u32 v23, $0x1;
	v26 =	vsel vm0, $0x2, v2;
	vm0 =	vle.f32 v19, v12;
	v32 =	vld.idx.msk [tilespmem:v32+s3+$0x0], $0xffff  }
0x1ae: {  	v40 =	vadd.s32 v26, v23;
	v19 =	vsel vm0, $0x2, v2;
	vm0 =	vle.f32 v21, v10;
	v22 =	vld.idx.msk [tilespmem:v22+s3+$0x0], $0xffff  }
0x1af: {  	v23 =	vadd.s32 v19, v24;
	v19 =	vsel vm0, $0x2, v2;
	vm0 =	vle.f32 v25, v11;
	v21 =	vld.idx.msk [tilespmem:v35+s3+$0x0], $0xffff  }
0x1b0: {  	v24 =	vadd.s32 v19, v30;
	v19 =	vsel vm0, $0x2, v2;
	vm0 =	vle.f32 v36, v8;
	v14 =	vld.idx.msk [tilespmem:v14+s3+$0x0], $0xffff  }
0x1b1: {  	v25 =	vadd.s32 v19, v31;
	v19 =	vshll.u32 v27, $0x1;
	v26 =	vsel vm0, $0x2, v2  }
0x1b2: {  	v28 =	vshll.u32 v23, $0x1;
	v27 =	vshll.u32 v24, $0x1;
	v19 =	vadd.s32 v26, v19  }
0x1b3: {  	vm0 =	vle.f32 v38, v9;
	v26 =	vshll.u32 v25, $0x1;
	vm1 =	vle.f32 v29, v6;
	v6 =	vmovc v10;
	v35 =	vld.idx.msk [tilespmem:v40+s3+$0x0], $0xffff  }
0x1b4: {  	v36 =	vsel vm0, $0x2, v2;
	v10 =	vmovc v16;
	vm0 =	vle.f32 v32, v7;
	vm2 =	vle.f32 v22, v15;
	v29 =	vld.idx.msk [tilespmem:v23+s3+$0x0], $0xffff  }
0x1b5: {  	v7 =	vmovc v11;
	v11 =	vmovc v20;
	v22 =	vsel vm2, $0x2, v2;
	vm2 =	vle.f32 v21, v10;
	v21 =	vsel vm1, $0x2, v2;
	v38 =	vld.idx.msk [tilespmem:v24+s3+$0x0], $0xffff  }
0x1b6: {  	v9 =	vmovc v12;
	v32 =	vadd.s32 v22, v33;
	v20 =	vsel vm2, $0x2, v2;
	vm1 =	vle.f32 v14, v11;
	v16 =	vld.idx.msk [tilespmem:v25+s3+$0x0], $0xffff  }
.Ltmp1:
0x1b7: {  	v12 =	vmovc v15;
	v22 =	vshll.u32 v32, $0x1;
	v30 =	vadd.s32 v20, v37;
	v14 =	vsel vm1, $0x2, v2;
	v20 =	vld.idx.msk [tilespmem:v19+s3+$0x0], $0xffff;
	(pc) =	sbr.rel @p0 .LBB2_4-.Ltmp1, $4  }
0x1b8: {  	v23 =	vsel vm0, $0x2, v2;
	v24 =	vshll.u32 v30, $0x1;
	v31 =	vadd.s32 v14, v39  }
0x1b9: {  	v14 =	vadd.s32 v36, v34;
	v25 =	vshll.u32 v31, $0x1;
	vm0 =	vle.f32 v35, v13  }
0x1ba: {  	v15 =	vshll.u32 v40, $0x1;
	v33 =	vsel vm0, $0x2, v2;
	vm0 =	vle.f32 v29, v9  }
0x1bb: {  	s0 =	sadd.s32 $0x40, s0;
	v29 =	vadd.s32 v33, v15;
	v15 =	vsel vm0, $0x2, v2;
	vm0 =	vle.f32 v38, v6;
	v32 =	vld.idx.msk [tilespmem:v32+s3+$0x0], $0xffff  }
0x1bc: {  	_ =	sdelay $0x3  }
0x1bd: {  	v30 =	vld.idx.msk [tilespmem:v30+s3+$0x0], $0xffff  }
0x1be: {  	v31 =	vld.idx.msk [tilespmem:v31+s3+$0x0], $0xffff;
	_ =	sdelay $0x2  }
0x1bf: {  	vm1 =	vle.f32 v32, v12  }
0x1c0: {  	vm2 =	vle.f32 v30, v10;
	v30 =	vsel vm1, $0x2, v2  }
0x1c1: {  	vm1 =	vle.f32 v31, v11;
	v31 =	vsel vm2, $0x2, v2;
	v22 =	vadd.s32 v30, v22  }
0x1c2: {  	v30 =	vld.idx.msk [tilespmem:v29+s3+$0x0], $0xffff;
	v63 =	vsel vm1, $0x2, v2;
	v24 =	vadd.s32 v31, v24  }
0x1c3: {  	v25 =	vadd.s32 v63, v25;
	_ =	sdelay $0x2  }
0x1c4: {  	v31 =	vld.idx.msk [tilespmem:v22+s3+$0x0], $0xffff  }
0x1c5: {  	vm1 =	vle.f32 v30, v13;
	v30 =	vld.idx.msk [tilespmem:v24+s3+$0x0], $0xffff  }
0x1c6: {  	v29 =	vshll.u32 v29, $0x1;
	v36 =	vsel vm1, $0x2, v2;
	v33 =	vld.idx.msk [tilespmem:v25+s3+$0x0], $0xffff  }
0x1c7: {  	v29 =	vadd.s32 v36, v29;
	_ =	sdelay $0x1  }
0x1c8: {  	v22 =	vshll.u32 v22, $0x1;
	vm1 =	vle.f32 v31, v12  }
0x1c9: {  	v24 =	vshll.u32 v24, $0x1;
	v31 =	vsel vm1, $0x2, v2;
	vm1 =	vle.f32 v30, v10  }
0x1ca: {  	v22 =	vadd.s32 v31, v22;
	v30 =	vsel vm1, $0x2, v2;
	vm1 =	vle.f32 v33, v11  }
0x1cb: {  	v25 =	vshll.u32 v25, $0x1;
	v31 =	vld.idx.msk [tilespmem:v29+s3+$0x0], $0xffff;
	v24 =	vadd.s32 v30, v24;
	v30 =	vsel vm1, $0x2, v2  }
0x1cc: {  	v25 =	vadd.s32 v30, v25;
	_ =	sdelay $0x2  }
0x1cd: {  	v30 =	vld.idx.msk [tilespmem:v22+s3+$0x0], $0xffff  }
0x1ce: {  	v15 =	vadd.s32 v15, v28;
	v28 =	vsel vm0, $0x2, v2;
	vm0 =	vle.f32 v31, v13;
	v31 =	vld.idx.msk [tilespmem:v24+s3+$0x0], $0xffff  }
0x1cf: {  	v27 =	vadd.s32 v28, v27;
	v28 =	vshll.u32 v29, $0x1;
	v29 =	vsel vm0, $0x2, v2;
	v37 =	vld.idx.msk [tilespmem:v25+s3+$0x0], $0xffff  }
0x1d0: {  	vm0 =	vle.f32 v16, v7;
	v16 =	vadd.s32 v29, v28  }
0x1d1: {  	v28 =	vsel vm0, $0x2, v2  }
0x1d2: {  	v22 =	vshll.u32 v22, $0x1;
	v26 =	vadd.s32 v28, v26;
	vm0 =	vle.f32 v30, v12  }
0x1d3: {  	v24 =	vshll.u32 v24, $0x1;
	v28 =	vld.idx.msk [tilespmem:v15+s3+$0x0], $0xffff;
	v29 =	vsel vm0, $0x2, v2;
	vm0 =	vle.f32 v31, v10  }
0x1d4: {  	v30 =	vld.idx.msk [tilespmem:v27+s3+$0x0], $0xffff;
	v22 =	vadd.s32 v29, v22;
	v29 =	vsel vm0, $0x2, v2;
	vm0 =	vle.f32 v37, v11  }
0x1d5: {  	v25 =	vshll.u32 v25, $0x1;
	v31 =	vld.idx.msk [tilespmem:v16+s3+$0x0], $0xffff;
	v24 =	vadd.s32 v29, v24;
	v29 =	vsel vm0, $0x2, v2  }
0x1d6: {  	v25 =	vadd.s32 v29, v25  }
0x1d7: {  	v29 =	vld.idx.msk [tilespmem:v26+s3+$0x0], $0xffff;
	_ =	sdelay $0x1  }
0x1d8: {  	v15 =	vshll.u32 v15, $0x1;
	vm0 =	vle.f32 v28, v9;
	vm1 =	vle.f32 v30, v6;
	v30 =	vld.idx.msk [tilespmem:v22+s3+$0x0], $0xffff  }
0x1d9: {  	v27 =	vshll.u32 v27, $0x1;
	v28 =	vsel vm0, $0x2, v2;
	vm0 =	vle.f32 v31, v13;
	v31 =	vld.idx.msk [tilespmem:v24+s3+$0x0], $0xffff  }
0x1da: {  	v16 =	vshll.u32 v16, $0x1;
	v15 =	vadd.s32 v28, v15;
	v28 =	vsel vm1, $0x2, v2;
	v38 =	vld.idx.msk [tilespmem:v25+s3+$0x0], $0xffff  }
0x1db: {  	v27 =	vadd.s32 v28, v27;
	v28 =	vsel vm0, $0x2, v2;
	vm0 =	vle.f32 v29, v7  }
0x1dc: {  	v26 =	vshll.u32 v26, $0x1;
	v16 =	vadd.s32 v28, v16;
	v28 =	vsel vm0, $0x2, v2  }
0x1dd: {  	v22 =	vshll.u32 v22, $0x1;
	v26 =	vadd.s32 v28, v26;
	vm0 =	vle.f32 v30, v12  }
0x1de: {  	v24 =	vshll.u32 v24, $0x1;
	vm1 =	vle.f32 v31, v10;
	v29 =	vsel vm0, $0x2, v2  }
0x1df: {  	v28 =	vld.idx.msk [tilespmem:v15+s3+$0x0], $0xffff;
	vm0 =	vle.f32 v38, v11;
	v22 =	vadd.s32 v29, v22;
	v29 =	vsel vm1, $0x2, v2  }
0x1e0: {  	v25 =	vshll.u32 v25, $0x1;
	v30 =	vld.idx.msk [tilespmem:v27+s3+$0x0], $0xffff;
	v32 =	vsel vm0, $0x2, v2;
	v24 =	vadd.s32 v29, v24  }
0x1e1: {  	v31 =	vld.idx.msk [tilespmem:v16+s3+$0x0], $0xffff;
	vm0 =	vle.f32 v20, v8;
	v8 =	vadd.s32 v32, v25  }
0x1e2: {  	v19 =	vshll.u32 v19, $0x1;
	v20 =	vsel vm0, $0x2, v2;
	v25 =	vld.idx.msk [tilespmem:v26+s3+$0x0], $0xffff  }
0x1e3: {  	v17 =	vadd.s32 v21, v17;
	v18 =	vadd.s32 v23, v18;
	v19 =	vadd.s32 v20, v19  }
0x1e4: {  	v15 =	vshll.u32 v15, $0x1;
	v21 =	vshll.u32 v26, $0x1;
	vm0 =	vle.f32 v28, v9;
	v23 =	vld.idx.msk [tilespmem:v22+s3+$0x0], $0xffff  }
0x1e5: {  	v20 =	vshll.u32 v27, $0x1;
	vm1 =	vle.f32 v30, v6;
	v9 =	vsel vm0, $0x2, v2;
	v6 =	vld.idx.msk [tilespmem:v24+s3+$0x0], $0xffff  }
0x1e6: {  	v9 =	vadd.s32 v9, v15;
	vm2 =	vle.f32 v31, v13;
	v13 =	vshll.u32 v16, $0x1;
	v26 =	vld.idx.msk [tilespmem:v8+s3+$0x0], $0xffff  }
0x1e7: {  	v14 =	vld.idx.msk [tilespmem:v14+s3+$0x0], $0xffff;
	v16 =	vsel vm2, $0x2, v2;
	vm0 =	vle.f32 v25, v7;
	v7 =	vsel vm1, $0x2, v2  }
0x1e8: {  	v13 =	vadd.s32 v16, v13;
	v16 =	vld.idx.msk [tilespmem:v19+s3+$0x0], $0xffff;
	v19 =	vsel vm0, $0x2, v2;
	v7 =	vadd.s32 v7, v20  }
0x1e9: {  	v15 =	vadd.s32 v19, v21;
	v19 =	vshll.u32 v22, $0x1;
	vm0 =	vle.f32 v23, v12  }
0x1ea: {  	v12 =	vld.idx.msk [tilespmem:v17+s3+$0x0], $0xffff;
	v17 =	vshll.u32 v24, $0x1;
	vm1 =	vle.f32 v6, v10;
	v6 =	vsel vm0, $0x2, v2  }
0x1eb: {  	v9 =	vld.idx.msk [tilespmem:v9+s3+$0x0], $0xffff;
	vm0 =	vle.f32 v26, v11;
	v11 =	vsel vm1, $0x2, v2;
	v6 =	vadd.s32 v6, v19  }
0x1ec: {  	v8 =	vshll.u32 v8, $0x1;
	v10 =	vld.idx.msk [tilespmem:v18+s3+$0x0], $0xffff;
	v18 =	vsel vm0, $0x2, v2;
	v11 =	vadd.s32 v11, v17  }
0x1ed: {  	s0 =	sadd.s32 $0x40, s29;
	[tilespmem:s30+$0xFFFFFFD0] =	vst v14;
	v13 =	vld.idx.msk [tilespmem:v13+s3+$0x0], $0xffff;
	v8 =	vadd.s32 v18, v8  }
0x1ee: {  	[tilespmem:s0+$0x0] =	vst v16;
	v7 =	vld.idx.msk [tilespmem:v7+s3+$0x0], $0xffff  }
0x1ef: {  	[tilespmem:s30+$0xFFFFFFE0] =	vst v12;
	v12 =	vld.idx.msk [tilespmem:v15+s3+$0x0], $0xffff  }
0x1f0: {  	[tilespmem:s0+$0xFFFFFFD0] =	vst v9;
	v6 =	vld.idx.msk [tilespmem:v6+s3+$0x0], $0xffff  }
0x1f1: {  	s29 =	sadd.s32 $0x40, s0;
	[tilespmem:s30+$0xFFFFFFF0] =	vst v10;
	v10 =	vld.idx.msk [tilespmem:v11+s3+$0x0], $0xffff  }
0x1f2: {  	[tilespmem:s29+$0x0] =	vst v13;
	v8 =	vld.idx.msk [tilespmem:v8+s3+$0x0], $0xffff  }
0x1f3: {  	[tilespmem:s0+$0xFFFFFFE0] =	vst v7  }
0x1f4: {  	[tilespmem:s0+$0xFFFFFFF0] =	vst v12  }
0x1f5: {  	[tilespmem:s29+$0xFFFFFFD0] =	vst v6  }
0x1f6: {  	[tilespmem:s29+$0xFFFFFFE0] =	vst v10  }
0x1f7: {  	[tilespmem:s29+$0xFFFFFFF0] =	vst v8  }
0x1f8: {  	[hbm4b:s9+s3] =	stream.linear.scatter [tilespmem:s21], [sflag:$0x5], $0x1000, $0x38;
	[tilespmem:$0x8400] =	vst v63  }
0x1f9: {  	_ =	swait.ge [sflag:s22], $0x1000  }
0x1fa: {  	[sflag:s22] =	ssyncset.done $0x0  }
0x1fb: {  	s0 =	simm.s32 $0x2430;
	[sflag:s22] =	ssyncadd.s32 $0xFFFFF000  }
0x1fc: {  	v11 =	vld [tilespmem:s0+$0x0];
	_ =	sdelay $0x4  }
0x1fd: {  	vm0 =	vle.f32 v3, v11;
	vm1 =	vle.f32 v4, v11  }
0x1fe: {  	v6 =	vsel vm0, $0x4, v0;
	v7 =	vsel vm1, $0x1, v1;
	vm0 =	vle.f32 v5, v11  }
0x1ff: {  	v6 =	vadd.s32 v7, v6;
	v7 =	vsel vm0, $0x1, v1  }
0x200: {  	v6 =	vadd.s32 v7, v6  }
0x201: {  	v15 =	vld [tilespmem:s0+$0xFFFFFFE0]  }
0x202: {  	v16 =	vld [tilespmem:s0+$0xFFFFFFD0]  }
0x203: {  	v14 =	vld [tilespmem:s0+$0xFFFFFFF0];
	_ =	sdelay $0x1  }
0x204: {  	v7 =	vld.idx.msk [tilespmem:v6+s3+$0x0], $0xffff;
	_ =	sdelay $0x2  }
0x205: {  	vm2 =	vle.f32 v4, v16;
	vm3 =	vle.f32 v4, v15;
	vm4 =	vle.f32 v3, v14  }
0x206: {  	vm5 =	vle.f32 v4, v14;
	vm1 =	vle.f32 v3, v16;
	v9 =	vsel vm2, $0x1, v1  }
0x207: {  	v12 =	vsel vm3, $0x1, v1;
	v8 =	vsel vm1, $0x4, v0;
	vm1 =	vle.f32 v7, v11  }
0x208: {  	v13 =	vsel vm4, $0x4, v0;
	v6 =	vshll.u32 v6, $0x1;
	v10 =	vsel vm1, $0x2, v2  }
0x209: {  	vm0 =	vle.f32 v3, v15;
	v8 =	vadd.s32 v9, v8;
	v6 =	vadd.s32 v10, v6  }
0x20a: {  	v7 =	vsel vm0, $0x4, v0;
	vm0 =	vle.f32 v5, v16;
	vm1 =	vle.f32 v5, v15  }
0x20b: {  	v7 =	vadd.s32 v12, v7;
	v9 =	vsel vm0, $0x1, v1;
	vm0 =	vle.f32 v5, v14  }
0x20c: {  	v10 =	vsel vm5, $0x1, v1;
	v12 =	vsel vm1, $0x1, v1;
	v8 =	vadd.s32 v9, v8  }
0x20d: {  	v9 =	vadd.s32 v10, v13;
	v7 =	vadd.s32 v12, v7;
	v10 =	vsel vm0, $0x1, v1  }
0x20e: {  	v9 =	vadd.s32 v10, v9;
	v10 =	vld.idx.msk [tilespmem:v6+s3+$0x0], $0xffff;
	_ =	sdelay $0x2  }
0x20f: {  	v12 =	vld.idx.msk [tilespmem:v8+s3+$0x0], $0xffff  }
0x210: {  	v13 =	vld.idx.msk [tilespmem:v7+s3+$0x0], $0xffff  }
0x211: {  	v17 =	vld.idx.msk [tilespmem:v9+s3+$0x0], $0xffff;
	vm0 =	vle.f32 v10, v11  }
0x212: {  	v6 =	vshll.u32 v6, $0x1;
	v10 =	vsel vm0, $0x2, v2  }
0x213: {  	v6 =	vadd.s32 v10, v6  }
0x214: {  	v8 =	vshll.u32 v8, $0x1;
	vm0 =	vle.f32 v12, v16  }
0x215: {  	v7 =	vshll.u32 v7, $0x1;
	v10 =	vsel vm0, $0x2, v2;
	vm0 =	vle.f32 v13, v15  }
0x216: {  	v10 =	vadd.s32 v10, v8;
	v8 =	vsel vm0, $0x2, v2;
	vm0 =	vle.f32 v17, v14  }
0x217: {  	v9 =	vshll.u32 v9, $0x1;
	v7 =	vadd.s32 v8, v7;
	v8 =	vsel vm0, $0x2, v2  }
0x218: {  	v9 =	vadd.s32 v8, v9;
	v8 =	vld.idx.msk [tilespmem:v6+s3+$0x0], $0xffff;
	_ =	sdelay $0x2  }
0x219: {  	v12 =	vld.idx.msk [tilespmem:v10+s3+$0x0], $0xffff  }
0x21a: {  	v13 =	vld.idx.msk [tilespmem:v7+s3+$0x0], $0xffff  }
0x21b: {  	v17 =	vld.idx.msk [tilespmem:v9+s3+$0x0], $0xffff;
	vm0 =	vle.f32 v8, v11  }
0x21c: {  	s0 =	simm.s32 $0x2470;
	v6 =	vshll.u32 v6, $0x1;
	v18 =	vsel vm0, $0x2, v2  }
0x21d: {  	v8 =	vld [tilespmem:s0+$0x0];
	v18 =	vadd.s32 v18, v6  }
0x21e: {  	v19 =	vshll.u32 v7, $0x1;
	v10 =	vshll.u32 v10, $0x1;
	vm0 =	vle.f32 v12, v16  }
0x21f: {  	v12 =	vshll.u32 v9, $0x1;
	v9 =	vld [tilespmem:s0+$0xFFFFFFD0];
	v7 =	vsel vm0, $0x2, v2;
	vm0 =	vle.f32 v13, v15  }
0x220: {  	v6 =	vld [tilespmem:s0+$0xFFFFFFE0];
	v10 =	vadd.s32 v7, v10;
	v13 =	vsel vm0, $0x2, v2;
	vm0 =	vle.f32 v17, v14  }
0x221: {  	v7 =	vld [tilespmem:s0+$0xFFFFFFF0];
	v17 =	vshll.u32 v10, $0x1;
	v23 =	vsel vm0, $0x2, v2;
	v13 =	vadd.s32 v13, v19  }
0x222: {  	vm1 =	vle.f32 v3, v8;
	vm2 =	vle.f32 v4, v8;
	v12 =	vadd.s32 v23, v12;
	v20 =	vld.idx.msk [tilespmem:v18+s3+$0x0], $0xffff  }
0x223: {  	v21 =	vsel vm1, $0x4, v0;
	v22 =	vsel vm2, $0x1, v1;
	vm1 =	vle.f32 v5, v8  }
0x224: {  	vm2 =	vle.f32 v4, v9;
	v21 =	vadd.s32 v22, v21;
	v22 =	vsel vm1, $0x1, v1  }
0x225: {  	vm0 =	vle.f32 v3, v6;
	vm1 =	vle.f32 v3, v9;
	v19 =	vadd.s32 v22, v21  }
0x226: {  	vm3 =	vle.f32 v4, v6;
	v18 =	vshll.u32 v18, $0x1;
	vm12 =	vle.f32 v3, v7  }
0x227: {  	vm13 =	vle.f32 v4, v7;
	v21 =	vsel vm1, $0x4, v0;
	vm1 =	vle.f32 v20, v11  }
0x228: {  	v22 =	vsel vm2, $0x1, v1;
	v24 =	vsel vm3, $0x1, v1;
	v23 =	vsel vm1, $0x2, v2  }
0x229: {  	v10 =	vld.idx.msk [tilespmem:v10+s3+$0x0], $0xffff;
	v20 =	vsel vm0, $0x4, v0;
	vm0 =	vle.f32 v5, v9;
	v18 =	vadd.s32 v23, v18  }
0x22a: {  	v25 =	vsel vm12, $0x4, v0;
	v21 =	vadd.s32 v22, v21;
	v22 =	vsel vm0, $0x1, v1;
	v23 =	vld.idx.msk [tilespmem:v19+s3+$0x0], $0xffff  }
0x22b: {  	v26 =	vld.idx.msk [tilespmem:v13+s3+$0x0], $0xffff;
	v27 =	vsel vm13, $0x1, v1;
	vm0 =	vle.f32 v5, v6;
	v21 =	vadd.s32 v22, v21  }
0x22c: {  	v20 =	vadd.s32 v24, v20;
	vm1 =	vle.f32 v5, v7;
	v24 =	vsel vm0, $0x1, v1  }
0x22d: {  	v25 =	vadd.s32 v27, v25;
	v22 =	vld.idx.msk [tilespmem:v12+s3+$0x0], $0xffff;
	v20 =	vadd.s32 v24, v20;
	v24 =	vsel vm1, $0x1, v1  }
0x22e: {  	v24 =	vadd.s32 v24, v25;
	v25 =	vld.idx.msk [tilespmem:v18+s3+$0x0], $0xffff  }
0x22f: {  	v13 =	vshll.u32 v13, $0x1;
	vm1 =	vle.f32 v10, v16;
	vm0 =	vle.f32 v23, v8  }
0x230: {  	v10 =	vshll.u32 v19, $0x1;
	v19 =	vsel vm0, $0x2, v2;
	vm0 =	vle.f32 v26, v15;
	v26 =	vld.idx.msk [tilespmem:v21+s3+$0x0], $0xffff  }
0x231: {  	v23 =	vsel vm1, $0x2, v2;
	v10 =	vadd.s32 v19, v10;
	v19 =	vsel vm0, $0x2, v2  }
0x232: {  	vm1 =	vle.f32 v22, v14;
	v17 =	vadd.s32 v23, v17;
	v13 =	vadd.s32 v19, v13;
	v19 =	vld.idx.msk [tilespmem:v20+s3+$0x0], $0xffff  }
0x233: {  	v12 =	vshll.u32 v12, $0x1;
	v22 =	vsel vm1, $0x2, v2;
	vm0 =	vle.f32 v25, v11  }
0x234: {  	v18 =	vshll.u32 v18, $0x1;
	v12 =	vadd.s32 v22, v12;
	v22 =	vld.idx.msk [tilespmem:v24+s3+$0x0], $0xffff;
	v23 =	vsel vm0, $0x2, v2  }
0x235: {  	vm0 =	vle.f32 v26, v9;
	v18 =	vadd.s32 v23, v18  }
0x236: {  	v21 =	vshll.u32 v21, $0x1;
	v23 =	vld.idx.msk [tilespmem:v10+s3+$0x0], $0xffff;
	v26 =	vsel vm0, $0x2, v2  }
0x237: {  	v25 =	vld.idx.msk [tilespmem:v17+s3+$0x0], $0xffff;
	vm0 =	vle.f32 v19, v6;
	v21 =	vadd.s32 v26, v21  }
0x238: {  	v20 =	vshll.u32 v20, $0x1;
	v19 =	vld.idx.msk [tilespmem:v13+s3+$0x0], $0xffff;
	v26 =	vsel vm0, $0x2, v2  }
0x239: {  	v24 =	vshll.u32 v24, $0x1;
	vm0 =	vle.f32 v22, v7;
	v22 =	vld.idx.msk [tilespmem:v12+s3+$0x0], $0xffff;
	v20 =	vadd.s32 v26, v20  }
0x23a: {  	v17 =	vshll.u32 v17, $0x1;
	v10 =	vshll.u32 v10, $0x1;
	v26 =	vsel vm0, $0x2, v2;
	v27 =	vld.idx.msk [tilespmem:v18+s3+$0x0], $0xffff  }
0x23b: {  	v13 =	vshll.u32 v13, $0x1;
	v24 =	vadd.s32 v26, v24;
	vm0 =	vle.f32 v23, v8  }
0x23c: {  	v12 =	vshll.u32 v12, $0x1;
	v23 =	vsel vm0, $0x2, v2;
	vm0 =	vle.f32 v25, v16;
	v25 =	vld.idx.msk [tilespmem:v21+s3+$0x0], $0xffff  }
0x23d: {  	v10 =	vadd.s32 v23, v10;
	v23 =	vsel vm0, $0x2, v2;
	vm0 =	vle.f32 v19, v15  }
0x23e: {  	v17 =	vadd.s32 v23, v17;
	v19 =	vsel vm0, $0x2, v2;
	vm0 =	vle.f32 v22, v14;
	v22 =	vld.idx.msk [tilespmem:v20+s3+$0x0], $0xffff  }
0x23f: {  	v13 =	vadd.s32 v19, v13;
	v19 =	vsel vm0, $0x2, v2;
	vm0 =	vle.f32 v27, v11  }
0x240: {  	v18 =	vshll.u32 v18, $0x1;
	v12 =	vadd.s32 v19, v12;
	v19 =	vld.idx.msk [tilespmem:v24+s3+$0x0], $0xffff;
	v23 =	vsel vm0, $0x2, v2  }
0x241: {  	v21 =	vshll.u32 v21, $0x1;
	vm0 =	vle.f32 v25, v9;
	v18 =	vadd.s32 v23, v18  }
0x242: {  	v20 =	vshll.u32 v20, $0x1;
	v24 =	vshll.u32 v24, $0x1;
	v23 =	vld.idx.msk [tilespmem:v10+s3+$0x0], $0xffff;
	v26 =	vsel vm0, $0x2, v2  }
0x243: {  	v27 =	vshll.u32 v12, $0x1;
	v25 =	vld.idx.msk [tilespmem:v17+s3+$0x0], $0xffff;
	vm0 =	vle.f32 v22, v6;
	v21 =	vadd.s32 v26, v21  }
0x244: {  	v10 =	vshll.u32 v10, $0x1;
	v26 =	vshll.u32 v13, $0x1;
	v22 =	vld.idx.msk [tilespmem:v13+s3+$0x0], $0xffff;
	v13 =	vsel vm0, $0x2, v2  }
0x245: {  	v17 =	vshll.u32 v17, $0x1;
	v12 =	vld.idx.msk [tilespmem:v12+s3+$0x0], $0xffff;
	vm0 =	vle.f32 v19, v7;
	v20 =	vadd.s32 v13, v20  }
0x246: {  	v19 =	vshll.u32 v21, $0x1;
	v13 =	vsel vm0, $0x2, v2;
	v29 =	vshll.u32 v20, $0x1;
	v28 =	vld.idx.msk [tilespmem:v18+s3+$0x0], $0xffff  }
0x247: {  	vm0 =	vle.f32 v23, v8;
	v23 =	vadd.s32 v13, v24;
	v18 =	vshll.u32 v18, $0x1  }
0x248: {  	s0 =	simm.s32 $0x24B0;
	v13 =	vsel vm0, $0x2, v2;
	v24 =	vshll.u32 v23, $0x1;
	vm0 =	vle.f32 v25, v16;
	v21 =	vld.idx.msk [tilespmem:v21+s3+$0x0], $0xffff  }
0x249: {  	v25 =	vadd.s32 v13, v10;
	v10 =	vsel vm0, $0x2, v2;
	vm0 =	vle.f32 v22, v15;
	v13 =	vld [tilespmem:s0+$0x0]  }
0x24a: {  	vm1 =	vle.f32 v12, v14;
	v17 =	vadd.s32 v10, v17;
	v12 =	vsel vm0, $0x2, v2  }
0x24b: {  	v10 =	vld [tilespmem:s0+$0xFFFFFFE0];
	v22 =	vsel vm1, $0x2, v2;
	v26 =	vadd.s32 v12, v26;
	vm0 =	vle.f32 v28, v11  }
0x24c: {  	v12 =	vld [tilespmem:s0+$0xFFFFFFD0];
	v22 =	vadd.s32 v22, v27;
	v28 =	vshll.u32 v17, $0x1;
	v27 =	vsel vm0, $0x2, v2  }
0x24d: {  	v30 =	vshll.u32 v26, $0x1;
	vm0 =	vle.f32 v21, v9;
	v31 =	vadd.s32 v27, v18  }
0x24e: {  	v11 =	vld [tilespmem:s0+$0xFFFFFFF0];
	v18 =	vshll.u32 v22, $0x1;
	vm1 =	vle.f32 v3, v13;
	vm2 =	vle.f32 v4, v13  }
0x24f: {  	v27 =	vld.idx.msk [tilespmem:v25+s3+$0x0], $0xffff;
	v25 =	vshll.u32 v25, $0x1;
	v21 =	vsel vm1, $0x4, v0;
	v39 =	vsel vm2, $0x1, v1  }
0x250: {  	vm1 =	vle.f32 v5, v13;
	vm2 =	vle.f32 v3, v10;
	vm14 =	vle.f32 v4, v10  }
0x251: {  	v21 =	vadd.s32 v39, v21;
	v40 =	vsel vm1, $0x1, v1;
	vm1 =	vle.f32 v3, v12  }
0x252: {  	vm3 =	vle.f32 v4, v12;
	v35 =	vsel vm14, $0x1, v1;
	v21 =	vadd.s32 v40, v21  }
0x253: {  	vm15 =	vle.f32 v3, v11;
	vm6 =	vle.f32 v4, v11;
	v41 =	vsel vm1, $0x4, v0  }
0x254: {  	v20 =	vld.idx.msk [tilespmem:v20+s3+$0x0], $0xffff;
	v42 =	vsel vm3, $0x1, v1;
	vm3 =	vle.f32 v5, v11;
	vm1 =	vle.f32 v27, v8  }
0x255: {  	v36 =	vsel vm15, $0x4, v0;
	v43 =	vsel vm6, $0x1, v1;
	v34 =	vsel vm1, $0x2, v2  }
0x256: {  	v23 =	vld.idx.msk [tilespmem:v23+s3+$0x0], $0xffff;
	v32 =	vadd.s32 v42, v41;
	v46 =	vsel vm3, $0x1, v1;
	v25 =	vadd.s32 v34, v25  }
0x257: {  	v17 =	vld.idx.msk [tilespmem:v17+s3+$0x0], $0xffff;
	v27 =	vsel vm2, $0x4, v0;
	vm2 =	vle.f32 v5, v10;
	vm1 =	vle.f32 v5, v12  }
0x258: {  	v27 =	vadd.s32 v35, v27;
	v45 =	vsel vm2, $0x1, v1;
	v44 =	vsel vm1, $0x1, v1;
	v37 =	vld.idx.msk [tilespmem:v21+s3+$0x0], $0xffff  }
0x259: {  	vm1 =	vle.f32 v20, v6;
	v20 =	vld.idx.msk [tilespmem:v26+s3+$0x0], $0xffff;
	v26 =	vsel vm0, $0x2, v2;
	v32 =	vadd.s32 v44, v32  }
0x25a: {  	v34 =	vadd.s32 v43, v36;
	v27 =	vadd.s32 v45, v27;
	v19 =	vadd.s32 v26, v19  }
0x25b: {  	vm3 =	vle.f32 v23, v7;
	v48 =	vshll.u32 v27, $0x1;
	v33 =	vadd.s32 v46, v34;
	v49 =	vld.idx.msk [tilespmem:v25+s3+$0x0], $0xffff  }
0x25c: {  	v21 =	vshll.u32 v21, $0x1;
	v50 =	vsel vm1, $0x2, v2;
	vm1 =	vle.f32 v17, v16  }
0x25d: {  	v22 =	vld.idx.msk [tilespmem:v22+s3+$0x0], $0xffff;
	v47 =	vshll.u32 v32, $0x1;
	v38 =	vshll.u32 v33, $0x1;
	vm2 =	vle.f32 v37, v13  }
0x25e: {  	v26 =	vadd.s32 v50, v29;
	v51 =	vshll.u32 v19, $0x1;
	v29 =	vld.idx.msk [tilespmem:v32+s3+$0x0], $0xffff;
	v23 =	vsel vm2, $0x2, v2  }
0x25f: {  	v25 =	vshll.u32 v25, $0x1;
	v19 =	vld.idx.msk [tilespmem:v19+s3+$0x0], $0xffff;
	v21 =	vadd.s32 v23, v21;
	v23 =	vsel vm3, $0x2, v2  }
0x260: {  	v37 =	vshll.u32 v26, $0x1;
	v23 =	vadd.s32 v23, v24;
	vm0 =	vle.f32 v49, v8  }
0x261: {  	v24 =	vld.idx.msk [tilespmem:v27+s3+$0x0], $0xffff;
	v27 =	vshll.u32 v23, $0x1;
	v52 =	vsel vm0, $0x2, v2;
	vm0 =	vle.f32 v20, v15  }
0x262: {  	v17 =	vld.idx.msk [tilespmem:v33+s3+$0x0], $0xffff;
	v20 =	vadd.s32 v52, v25;
	v25 =	vsel vm1, $0x2, v2;
	vm1 =	vle.f32 v22, v14  }
0x263: {  	v22 =	vadd.s32 v25, v28;
	v25 =	vsel vm0, $0x2, v2;
	v28 =	vsel vm1, $0x2, v2  }
0x264: {  	v53 =	vld.idx.msk [tilespmem:v21+s3+$0x0], $0xffff;
	vm0 =	vle.f32 v29, v12;
	v21 =	vshll.u32 v21, $0x1;
	vm1 =	vle.f32 v19, v9  }
0x265: {  	v25 =	vadd.s32 v25, v30;
	v28 =	vadd.s32 v28, v18;
	v18 =	vsel vm0, $0x2, v2  }
0x266: {  	vm0 =	vle.f32 v24, v10;
	v29 =	vshll.u32 v22, $0x1;
	v24 =	vld.idx.msk [tilespmem:v26+s3+$0x0], $0xffff;
	v26 =	vadd.s32 v18, v47  }
0x267: {  	v23 =	vld.idx.msk [tilespmem:v23+s3+$0x0], $0xffff;
	v18 =	vsel vm0, $0x2, v2;
	vm0 =	vle.f32 v17, v11;
	v30 =	vshll.u32 v26, $0x1  }
0x268: {  	v54 =	vadd.s32 v18, v48;
	v17 =	vsel vm0, $0x2, v2;
	v18 =	vshll.u32 v28, $0x1;
	v55 =	vld.idx.msk [tilespmem:v20+s3+$0x0], $0xffff  }
0x269: {  	v36 =	vshll.u32 v54, $0x1;
	v38 =	vadd.s32 v17, v38;
	v22 =	vld.idx.msk [tilespmem:v22+s3+$0x0], $0xffff;
	vm0 =	vle.f32 v53, v13  }
0x26a: {  	v17 =	vshll.u32 v25, $0x1;
	v39 =	vshll.u32 v38, $0x1;
	v25 =	vld.idx.msk [tilespmem:v25+s3+$0x0], $0xffff;
	v19 =	vsel vm0, $0x2, v2  }
0x26b: {  	v56 =	vld.idx.msk [tilespmem:v28+s3+$0x0], $0xffff;
	vm0 =	vle.f32 v24, v6;
	v40 =	vadd.s32 v19, v21;
	v19 =	vsel vm1, $0x2, v2  }
0x26c: {  	v21 =	vld.idx.msk [tilespmem:v26+s3+$0x0], $0xffff;
	v24 =	vadd.s32 v19, v51;
	v19 =	vsel vm0, $0x2, v2;
	vm0 =	vle.f32 v23, v7  }
0x26d: {  	v23 =	vld.idx.msk [tilespmem:v54+s3+$0x0], $0xffff;
	v57 =	vadd.s32 v19, v37;
	v19 =	vsel vm0, $0x2, v2;
	vm0 =	vle.f32 v55, v8  }
0x26e: {  	v58 =	vld.idx.msk [tilespmem:v38+s3+$0x0], $0xffff;
	v28 =	vshll.u32 v24, $0x1;
	v59 =	vadd.s32 v19, v27;
	v19 =	vshll.u32 v20, $0x1  }
0x26f: {  	v20 =	vsel vm0, $0x2, v2;
	v27 =	vshll.u32 v57, $0x1;
	vm0 =	vle.f32 v22, v16  }
0x270: {  	v60 =	vld.idx.msk [tilespmem:v31+s3+$0x0], $0xffff;
	v19 =	vadd.s32 v20, v19;
	v26 =	vshll.u32 v59, $0x1;
	vm1 =	vle.f32 v25, v15  }
0x271: {  	v20 =	vsel vm0, $0x2, v2;
	vm0 =	vle.f32 v56, v14;
	v15 =	vld.idx.msk [tilespmem:v40+s3+$0x0], $0xffff;
	vm2 =	vle.f32 v21, v12  }
0x272: {  	v21 =	vsel vm1, $0x2, v2;
	v61 =	vld.idx.msk [tilespmem:v24+s3+$0x0], $0xffff;
	v14 =	vsel vm2, $0x2, v2;
	vm2 =	vle.f32 v23, v10  }
0x273: {  	v62 =	vld.idx.msk [tilespmem:v57+s3+$0x0], $0xffff;
	v63 =	vadd.s32 v14, v30;
	v14 =	vsel vm2, $0x2, v2;
	vm1 =	vle.f32 v58, v11  }
0x274: {  	v23 =	vsel vm0, $0x2, v2;
	v30 =	vadd.s32 v14, v36;
	v14 =	vsel vm1, $0x2, v2;
	v16 =	vld.idx.msk [tilespmem:v59+s3+$0x0], $0xffff  }
0x275: {  	v22 =	vshll.u32 v63, $0x1;
	v31 =	vadd.s32 v14, v39;
	v14 =	vadd.s32 v20, v29;
	v20 =	vld.idx.msk [tilespmem:v19+s3+$0x0], $0xffff  }
0x276: {  	v24 =	vshll.u32 v30, $0x1;
	v25 =	vshll.u32 v31, $0x1;
	vm0 =	vle.f32 v15, v13  }
0x277: {  	s29 =	simm.s32 $0x6430;
	v15 =	vshll.u32 v40, $0x1;
	v29 =	vsel vm0, $0x2, v2;
	vm0 =	vle.f32 v61, v9  }
0x278: {  	s31 =	simm.s32 $0x2080;
	s30 =	simm.s32 $0x6430;
	s0 =	simm.s32 $0x24F0;
	[tilespmem:s29+$0x0] =	vst v60;
	v32 =	vld.idx.msk [tilespmem:v63+s3+$0x0], $0xffff;
	v29 =	vadd.s32 v29, v15;
	v15 =	vsel vm0, $0x2, v2;
	vm0 =	vle.f32 v62, v6  }
.LBB2_6:
0x279: {  	v33 =	vld [tilespmem:s0+$0x0];
	s31 =	sadd.s32 $0x40, s31;
	v28 =	vadd.s32 v15, v28;
	v15 =	vsel vm0, $0x2, v2;
	vm0 =	vle.f32 v16, v7  }
0x27a: {  	v16 =	vld [tilespmem:s0+$0xFFFFFFE0];
	p0 =	slt.u32 s31, $0x2FC0;
	v27 =	vadd.s32 v15, v27;
	v15 =	vsel vm0, $0x2, v2;
	vm0 =	vle.f32 v20, v8;
	v8 =	vmovc v13  }
0x27b: {  	v13 =	vshll.u32 v19, $0x1;
	v20 =	vld [tilespmem:s0+$0xFFFFFFF0];
	v26 =	vadd.s32 v15, v26;
	v19 =	vsel vm0, $0x2, v2  }
0x27c: {  	v34 =	vshll.u32 v28, $0x1;
	v35 =	vshll.u32 v27, $0x1;
	v15 =	vld [tilespmem:s0+$0xFFFFFFD0];
	v19 =	vadd.s32 v19, v13  }
0x27d: {  	v17 =	vadd.s32 v21, v17;
	v18 =	vadd.s32 v23, v18;
	v37 =	vshll.u32 v26, $0x1;
	v36 =	vld.idx.msk [tilespmem:v29+s3+$0x0], $0xffff  }
0x27e: {  	vm0 =	vle.f32 v32, v12;
	vm1 =	vle.f32 v3, v33;
	vm2 =	vle.f32 v4, v33;
	v21 =	vld.idx.msk [tilespmem:v30+s3+$0x0], $0xffff  }
0x27f: {  	v13 =	vmovc v33;
	v23 =	vsel vm1, $0x4, v0;
	v30 =	vsel vm2, $0x1, v1;
	vm1 =	vle.f32 v5, v33;
	v31 =	vld.idx.msk [tilespmem:v31+s3+$0x0], $0xffff  }
0x280: {  	vm2 =	vle.f32 v3, v16;
	v23 =	vadd.s32 v30, v23;
	v30 =	vsel vm1, $0x1, v1;
	v28 =	vld.idx.msk [tilespmem:v28+s3+$0x0], $0xffff  }
0x281: {  	vm1 =	vle.f32 v3, v15;
	vm3 =	vle.f32 v4, v15;
	v23 =	vadd.s32 v30, v23;
	v19 =	vld.idx.msk [tilespmem:v19+s3+$0x0], $0xffff  }
0x282: {  	vm4 =	vle.f32 v4, v16;
	vm5 =	vle.f32 v3, v20;
	vm6 =	vle.f32 v4, v20;
	v27 =	vld.idx.msk [tilespmem:v27+s3+$0x0], $0xffff  }
0x283: {  	v30 =	vsel vm1, $0x4, v0;
	v32 =	vsel vm3, $0x1, v1;
	vm1 =	vle.f32 v36, v8;
	v26 =	vld.idx.msk [tilespmem:v26+s3+$0x0], $0xffff  }
0x284: {  	v29 =	vshll.u32 v29, $0x1;
	v33 =	vsel vm2, $0x4, v0;
	v36 =	vsel vm1, $0x2, v2;
	v14 =	vld.idx.msk [tilespmem:v14+s3+$0x0], $0xffff  }
0x285: {  	v38 =	vsel vm4, $0x1, v1;
	v39 =	vsel vm5, $0x4, v0;
	v29 =	vadd.s32 v36, v29;
	v17 =	vld.idx.msk [tilespmem:v17+s3+$0x0], $0xffff  }
0x286: {  	s29 =	sadd.s32 $0x40, s29;
	vm2 =	vle.f32 v5, v16;
	vm1 =	vle.f32 v5, v15;
	v36 =	vsel vm6, $0x1, v1;
	v40 =	vld.idx.msk [tilespmem:v23+s3+$0x0], $0xffff  }
0x287: {  	vm3 =	vle.f32 v5, v20;
	v30 =	vadd.s32 v32, v30;
	v32 =	vadd.s32 v38, v33;
	[tilespmem:s29+$0x0] =	vst v19  }
0x288: {  	v33 =	vsel vm2, $0x1, v1;
	v36 =	vadd.s32 v36, v39;
	v19 =	vsel vm1, $0x1, v1;
	v18 =	vld.idx.msk [tilespmem:v18+s3+$0x0], $0xffff  }
0x289: {  	v19 =	vadd.s32 v19, v30;
	v30 =	vadd.s32 v33, v32;
	v32 =	vsel vm3, $0x1, v1  }
0x28a: {  	v33 =	vshll.u32 v19, $0x1;
	v38 =	vshll.u32 v30, $0x1;
	v32 =	vadd.s32 v32, v36;
	v36 =	vld.idx.msk [tilespmem:v29+s3+$0x0], $0xffff;
	[tilespmem:s30+$0xFFFFFFD0] =	vst v14  }
0x28b: {  	vm2 =	vle.f32 v31, v11;
	vm1 =	vle.f32 v21, v10;
	v14 =	vshll.u32 v32, $0x1;
	[tilespmem:s30+$0xFFFFFFE0] =	vst v17  }
0x28c: {  	v21 =	vsel vm1, $0x2, v2;
	vm3 =	vle.f32 v40, v13;
	v17 =	vsel vm0, $0x2, v2  }
0x28d: {  	v39 =	vsel vm2, $0x2, v2;
	v23 =	vshll.u32 v23, $0x1;
	v31 =	vsel vm3, $0x2, v2  }
0x28e: {  	v21 =	vadd.s32 v21, v24;
	v17 =	vadd.s32 v17, v22;
	v23 =	vadd.s32 v31, v23;
	v19 =	vld.idx.msk [tilespmem:v19+s3+$0x0], $0xffff  }
0x28f: {  	v25 =	vadd.s32 v39, v25;
	v24 =	vshll.u32 v17, $0x1;
	v22 =	vld.idx.msk [tilespmem:v30+s3+$0x0], $0xffff;
	v30 =	vshll.u32 v21, $0x1;
	[tilespmem:s30+$0xFFFFFFF0] =	vst v18;
	s30 =	smov.u32 s29  }
0x290: {  	vm1 =	vle.f32 v28, v9;
	v31 =	vshll.u32 v25, $0x1;
	vm0 =	vle.f32 v36, v8;
	v18 =	vld.idx.msk [tilespmem:v32+s3+$0x0], $0xffff  }
0x291: {  	v28 =	vshll.u32 v29, $0x1;
	v29 =	vsel vm0, $0x2, v2;
	vm0 =	vle.f32 v27, v6  }
0x292: {  	v27 =	vadd.s32 v29, v28;
	v28 =	vsel vm1, $0x2, v2;
	vm1 =	vle.f32 v26, v7  }
0x293: {  	v29 =	vsel vm0, $0x2, v2;
	v28 =	vadd.s32 v28, v34;
	v32 =	vsel vm1, $0x2, v2;
	v26 =	vld.idx.msk [tilespmem:v23+s3+$0x0], $0xffff  }
0x294: {  	v29 =	vadd.s32 v29, v35;
	vm0 =	vle.f32 v19, v15;
	v32 =	vadd.s32 v32, v37;
	v19 =	vld.idx.msk [tilespmem:v17+s3+$0x0], $0xffff  }
0x295: {  	v34 =	vshll.u32 v28, $0x1;
	v17 =	vsel vm0, $0x2, v2;
	vm0 =	vle.f32 v22, v16;
	v21 =	vld.idx.msk [tilespmem:v21+s3+$0x0], $0xffff  }
0x296: {  	v22 =	vadd.s32 v17, v33;
	v17 =	vsel vm0, $0x2, v2;
	vm0 =	vle.f32 v18, v20;
	v25 =	vld.idx.msk [tilespmem:v25+s3+$0x0], $0xffff  }
0x297: {  	v33 =	vshll.u32 v22, $0x1;
	v35 =	vadd.s32 v17, v38;
	v17 =	vsel vm0, $0x2, v2;
	v36 =	vld.idx.msk [tilespmem:v27+s3+$0x0], $0xffff  }
0x298: {  	v37 =	vshll.u32 v35, $0x1;
	v14 =	vadd.s32 v17, v14;
	v17 =	vshll.u32 v29, $0x1;
	v38 =	vld.idx.msk [tilespmem:v28+s3+$0x0], $0xffff  }
0x299: {  	v18 =	vshll.u32 v32, $0x1;
	v39 =	vshll.u32 v14, $0x1;
	vm0 =	vle.f32 v26, v13;
	v29 =	vld.idx.msk [tilespmem:v29+s3+$0x0], $0xffff  }
0x29a: {  	v23 =	vshll.u32 v23, $0x1;
	v26 =	vsel vm0, $0x2, v2;
	vm0 =	vle.f32 v19, v12;
	v32 =	vld.idx.msk [tilespmem:v32+s3+$0x0], $0xffff  }
0x29b: {  	v40 =	vadd.s32 v26, v23;
	v19 =	vsel vm0, $0x2, v2;
	vm0 =	vle.f32 v21, v10;
	v22 =	vld.idx.msk [tilespmem:v22+s3+$0x0], $0xffff  }
0x29c: {  	v23 =	vadd.s32 v19, v24;
	v19 =	vsel vm0, $0x2, v2;
	vm0 =	vle.f32 v25, v11;
	v21 =	vld.idx.msk [tilespmem:v35+s3+$0x0], $0xffff  }
0x29d: {  	v24 =	vadd.s32 v19, v30;
	v19 =	vsel vm0, $0x2, v2;
	vm0 =	vle.f32 v36, v8;
	v14 =	vld.idx.msk [tilespmem:v14+s3+$0x0], $0xffff  }
0x29e: {  	v25 =	vadd.s32 v19, v31;
	v19 =	vshll.u32 v27, $0x1;
	v26 =	vsel vm0, $0x2, v2  }
0x29f: {  	v28 =	vshll.u32 v23, $0x1;
	v27 =	vshll.u32 v24, $0x1;
	v19 =	vadd.s32 v26, v19  }
0x2a0: {  	vm0 =	vle.f32 v38, v9;
	v26 =	vshll.u32 v25, $0x1;
	vm1 =	vle.f32 v29, v6;
	v6 =	vmovc v10;
	v35 =	vld.idx.msk [tilespmem:v40+s3+$0x0], $0xffff  }
0x2a1: {  	v36 =	vsel vm0, $0x2, v2;
	v10 =	vmovc v16;
	vm0 =	vle.f32 v32, v7;
	vm2 =	vle.f32 v22, v15;
	v29 =	vld.idx.msk [tilespmem:v23+s3+$0x0], $0xffff  }
0x2a2: {  	v7 =	vmovc v11;
	v11 =	vmovc v20;
	v22 =	vsel vm2, $0x2, v2;
	vm2 =	vle.f32 v21, v10;
	v21 =	vsel vm1, $0x2, v2;
	v38 =	vld.idx.msk [tilespmem:v24+s3+$0x0], $0xffff  }
0x2a3: {  	v9 =	vmovc v12;
	v32 =	vadd.s32 v22, v33;
	v20 =	vsel vm2, $0x2, v2;
	vm1 =	vle.f32 v14, v11;
	v16 =	vld.idx.msk [tilespmem:v25+s3+$0x0], $0xffff  }
.Ltmp2:
0x2a4: {  	v12 =	vmovc v15;
	v22 =	vshll.u32 v32, $0x1;
	v30 =	vadd.s32 v20, v37;
	v14 =	vsel vm1, $0x2, v2;
	v20 =	vld.idx.msk [tilespmem:v19+s3+$0x0], $0xffff;
	(pc) =	sbr.rel @p0 .LBB2_6-.Ltmp2, $4  }
0x2a5: {  	v23 =	vsel vm0, $0x2, v2;
	v24 =	vshll.u32 v30, $0x1;
	v31 =	vadd.s32 v14, v39  }
0x2a6: {  	v14 =	vadd.s32 v36, v34;
	v25 =	vshll.u32 v31, $0x1;
	vm0 =	vle.f32 v35, v13  }
0x2a7: {  	v15 =	vshll.u32 v40, $0x1;
	v33 =	vsel vm0, $0x2, v2;
	vm0 =	vle.f32 v29, v9  }
0x2a8: {  	s0 =	sadd.s32 $0x40, s0;
	v29 =	vadd.s32 v33, v15;
	v15 =	vsel vm0, $0x2, v2;
	vm0 =	vle.f32 v38, v6;
	v32 =	vld.idx.msk [tilespmem:v32+s3+$0x0], $0xffff  }
0x2a9: {  	_ =	sdelay $0x3  }
0x2aa: {  	v30 =	vld.idx.msk [tilespmem:v30+s3+$0x0], $0xffff  }
0x2ab: {  	v31 =	vld.idx.msk [tilespmem:v31+s3+$0x0], $0xffff;
	_ =	sdelay $0x2  }
0x2ac: {  	vm1 =	vle.f32 v32, v12  }
0x2ad: {  	vm2 =	vle.f32 v30, v10;
	v30 =	vsel vm1, $0x2, v2  }
0x2ae: {  	vm1 =	vle.f32 v31, v11;
	v31 =	vsel vm2, $0x2, v2;
	v22 =	vadd.s32 v30, v22  }
0x2af: {  	v30 =	vld.idx.msk [tilespmem:v29+s3+$0x0], $0xffff;
	v63 =	vsel vm1, $0x2, v2;
	v24 =	vadd.s32 v31, v24  }
0x2b0: {  	v25 =	vadd.s32 v63, v25;
	_ =	sdelay $0x2  }
0x2b1: {  	v31 =	vld.idx.msk [tilespmem:v22+s3+$0x0], $0xffff  }
0x2b2: {  	vm1 =	vle.f32 v30, v13;
	v30 =	vld.idx.msk [tilespmem:v24+s3+$0x0], $0xffff  }
0x2b3: {  	v29 =	vshll.u32 v29, $0x1;
	v36 =	vsel vm1, $0x2, v2;
	v33 =	vld.idx.msk [tilespmem:v25+s3+$0x0], $0xffff  }
0x2b4: {  	v29 =	vadd.s32 v36, v29;
	_ =	sdelay $0x1  }
0x2b5: {  	v22 =	vshll.u32 v22, $0x1;
	vm1 =	vle.f32 v31, v12  }
0x2b6: {  	v24 =	vshll.u32 v24, $0x1;
	v31 =	vsel vm1, $0x2, v2;
	vm1 =	vle.f32 v30, v10  }
0x2b7: {  	v22 =	vadd.s32 v31, v22;
	v30 =	vsel vm1, $0x2, v2;
	vm1 =	vle.f32 v33, v11  }
0x2b8: {  	v25 =	vshll.u32 v25, $0x1;
	v31 =	vld.idx.msk [tilespmem:v29+s3+$0x0], $0xffff;
	v24 =	vadd.s32 v30, v24;
	v30 =	vsel vm1, $0x2, v2  }
0x2b9: {  	v25 =	vadd.s32 v30, v25;
	_ =	sdelay $0x2  }
0x2ba: {  	v30 =	vld.idx.msk [tilespmem:v22+s3+$0x0], $0xffff  }
0x2bb: {  	v15 =	vadd.s32 v15, v28;
	v28 =	vsel vm0, $0x2, v2;
	vm0 =	vle.f32 v31, v13;
	v31 =	vld.idx.msk [tilespmem:v24+s3+$0x0], $0xffff  }
0x2bc: {  	v27 =	vadd.s32 v28, v27;
	v28 =	vshll.u32 v29, $0x1;
	v29 =	vsel vm0, $0x2, v2;
	v37 =	vld.idx.msk [tilespmem:v25+s3+$0x0], $0xffff  }
0x2bd: {  	vm0 =	vle.f32 v16, v7;
	v16 =	vadd.s32 v29, v28  }
0x2be: {  	v28 =	vsel vm0, $0x2, v2  }
0x2bf: {  	v22 =	vshll.u32 v22, $0x1;
	v26 =	vadd.s32 v28, v26;
	vm0 =	vle.f32 v30, v12  }
0x2c0: {  	v24 =	vshll.u32 v24, $0x1;
	v28 =	vld.idx.msk [tilespmem:v15+s3+$0x0], $0xffff;
	v29 =	vsel vm0, $0x2, v2;
	vm0 =	vle.f32 v31, v10  }
0x2c1: {  	v30 =	vld.idx.msk [tilespmem:v27+s3+$0x0], $0xffff;
	v22 =	vadd.s32 v29, v22;
	v29 =	vsel vm0, $0x2, v2;
	vm0 =	vle.f32 v37, v11  }
0x2c2: {  	v25 =	vshll.u32 v25, $0x1;
	v31 =	vld.idx.msk [tilespmem:v16+s3+$0x0], $0xffff;
	v24 =	vadd.s32 v29, v24;
	v29 =	vsel vm0, $0x2, v2  }
0x2c3: {  	v25 =	vadd.s32 v29, v25  }
0x2c4: {  	v29 =	vld.idx.msk [tilespmem:v26+s3+$0x0], $0xffff;
	_ =	sdelay $0x1  }
0x2c5: {  	v15 =	vshll.u32 v15, $0x1;
	vm0 =	vle.f32 v28, v9;
	vm1 =	vle.f32 v30, v6;
	v30 =	vld.idx.msk [tilespmem:v22+s3+$0x0], $0xffff  }
0x2c6: {  	v27 =	vshll.u32 v27, $0x1;
	v28 =	vsel vm0, $0x2, v2;
	vm0 =	vle.f32 v31, v13;
	v31 =	vld.idx.msk [tilespmem:v24+s3+$0x0], $0xffff  }
0x2c7: {  	v16 =	vshll.u32 v16, $0x1;
	v15 =	vadd.s32 v28, v15;
	v28 =	vsel vm1, $0x2, v2;
	v38 =	vld.idx.msk [tilespmem:v25+s3+$0x0], $0xffff  }
0x2c8: {  	v27 =	vadd.s32 v28, v27;
	v28 =	vsel vm0, $0x2, v2;
	vm0 =	vle.f32 v29, v7  }
0x2c9: {  	v26 =	vshll.u32 v26, $0x1;
	v16 =	vadd.s32 v28, v16;
	v28 =	vsel vm0, $0x2, v2  }
0x2ca: {  	v22 =	vshll.u32 v22, $0x1;
	v26 =	vadd.s32 v28, v26;
	vm0 =	vle.f32 v30, v12  }
0x2cb: {  	v24 =	vshll.u32 v24, $0x1;
	vm1 =	vle.f32 v31, v10;
	v29 =	vsel vm0, $0x2, v2  }
0x2cc: {  	v28 =	vld.idx.msk [tilespmem:v15+s3+$0x0], $0xffff;
	vm0 =	vle.f32 v38, v11;
	v22 =	vadd.s32 v29, v22;
	v29 =	vsel vm1, $0x2, v2  }
0x2cd: {  	v25 =	vshll.u32 v25, $0x1;
	v30 =	vld.idx.msk [tilespmem:v27+s3+$0x0], $0xffff;
	v32 =	vsel vm0, $0x2, v2;
	v24 =	vadd.s32 v29, v24  }
0x2ce: {  	v31 =	vld.idx.msk [tilespmem:v16+s3+$0x0], $0xffff;
	vm0 =	vle.f32 v20, v8;
	v8 =	vadd.s32 v32, v25  }
0x2cf: {  	v19 =	vshll.u32 v19, $0x1;
	v20 =	vsel vm0, $0x2, v2;
	v25 =	vld.idx.msk [tilespmem:v26+s3+$0x0], $0xffff  }
0x2d0: {  	v17 =	vadd.s32 v21, v17;
	v18 =	vadd.s32 v23, v18;
	v19 =	vadd.s32 v20, v19  }
0x2d1: {  	v15 =	vshll.u32 v15, $0x1;
	v21 =	vshll.u32 v26, $0x1;
	vm0 =	vle.f32 v28, v9;
	v23 =	vld.idx.msk [tilespmem:v22+s3+$0x0], $0xffff  }
0x2d2: {  	v20 =	vshll.u32 v27, $0x1;
	vm1 =	vle.f32 v30, v6;
	v9 =	vsel vm0, $0x2, v2;
	v6 =	vld.idx.msk [tilespmem:v24+s3+$0x0], $0xffff  }
0x2d3: {  	v9 =	vadd.s32 v9, v15;
	vm2 =	vle.f32 v31, v13;
	v13 =	vshll.u32 v16, $0x1;
	v26 =	vld.idx.msk [tilespmem:v8+s3+$0x0], $0xffff  }
0x2d4: {  	v14 =	vld.idx.msk [tilespmem:v14+s3+$0x0], $0xffff;
	v16 =	vsel vm2, $0x2, v2;
	vm0 =	vle.f32 v25, v7;
	v7 =	vsel vm1, $0x2, v2  }
0x2d5: {  	v13 =	vadd.s32 v16, v13;
	v16 =	vld.idx.msk [tilespmem:v19+s3+$0x0], $0xffff;
	v19 =	vsel vm0, $0x2, v2;
	v7 =	vadd.s32 v7, v20  }
0x2d6: {  	v15 =	vadd.s32 v19, v21;
	v19 =	vshll.u32 v22, $0x1;
	vm0 =	vle.f32 v23, v12  }
0x2d7: {  	v12 =	vld.idx.msk [tilespmem:v17+s3+$0x0], $0xffff;
	v17 =	vshll.u32 v24, $0x1;
	vm1 =	vle.f32 v6, v10;
	v6 =	vsel vm0, $0x2, v2  }
0x2d8: {  	v9 =	vld.idx.msk [tilespmem:v9+s3+$0x0], $0xffff;
	vm0 =	vle.f32 v26, v11;
	v11 =	vsel vm1, $0x2, v2;
	v6 =	vadd.s32 v6, v19  }
0x2d9: {  	v8 =	vshll.u32 v8, $0x1;
	v10 =	vld.idx.msk [tilespmem:v18+s3+$0x0], $0xffff;
	v18 =	vsel vm0, $0x2, v2;
	v11 =	vadd.s32 v11, v17  }
0x2da: {  	s0 =	sadd.s32 $0x40, s29;
	[tilespmem:s30+$0xFFFFFFD0] =	vst v14;
	v13 =	vld.idx.msk [tilespmem:v13+s3+$0x0], $0xffff;
	v8 =	vadd.s32 v18, v8  }
0x2db: {  	[tilespmem:s0+$0x0] =	vst v16;
	v7 =	vld.idx.msk [tilespmem:v7+s3+$0x0], $0xffff  }
0x2dc: {  	[tilespmem:s30+$0xFFFFFFE0] =	vst v12;
	v12 =	vld.idx.msk [tilespmem:v15+s3+$0x0], $0xffff  }
0x2dd: {  	[tilespmem:s0+$0xFFFFFFD0] =	vst v9;
	v6 =	vld.idx.msk [tilespmem:v6+s3+$0x0], $0xffff  }
0x2de: {  	s29 =	sadd.s32 $0x40, s0;
	[tilespmem:s30+$0xFFFFFFF0] =	vst v10;
	v10 =	vld.idx.msk [tilespmem:v11+s3+$0x0], $0xffff  }
0x2df: {  	[tilespmem:s29+$0x0] =	vst v13;
	v8 =	vld.idx.msk [tilespmem:v8+s3+$0x0], $0xffff  }
0x2e0: {  	[tilespmem:s0+$0xFFFFFFE0] =	vst v7  }
0x2e1: {  	[tilespmem:s0+$0xFFFFFFF0] =	vst v12  }
0x2e2: {  	[tilespmem:s29+$0xFFFFFFD0] =	vst v6  }
0x2e3: {  	[tilespmem:s29+$0xFFFFFFE0] =	vst v10  }
0x2e4: {  	[tilespmem:s29+$0xFFFFFFF0] =	vst v8  }
0x2e5: {  	[hbm4b:s10+s3] =	stream.linear.scatter [tilespmem:s23], [sflag:$0x5], $0x1000, $0x38;
	[tilespmem:$0x8400] =	vst v63  }
0x2e6: {  	_ =	swait.ge [sflag:s24], $0x1000  }
0x2e7: {  	[sflag:s24] =	ssyncset.done $0x0  }
0x2e8: {  	s0 =	simm.s32 $0x3430;
	[sflag:s24] =	ssyncadd.s32 $0xFFFFF000  }
0x2e9: {  	v11 =	vld [tilespmem:s0+$0x0];
	_ =	sdelay $0x4  }
0x2ea: {  	vm0 =	vle.f32 v3, v11;
	vm1 =	vle.f32 v4, v11  }
0x2eb: {  	v6 =	vsel vm0, $0x4, v0;
	v7 =	vsel vm1, $0x1, v1;
	vm0 =	vle.f32 v5, v11  }
0x2ec: {  	v6 =	vadd.s32 v7, v6;
	v7 =	vsel vm0, $0x1, v1  }
0x2ed: {  	v6 =	vadd.s32 v7, v6  }
0x2ee: {  	v15 =	vld [tilespmem:s0+$0xFFFFFFE0]  }
0x2ef: {  	v16 =	vld [tilespmem:s0+$0xFFFFFFD0]  }
0x2f0: {  	v14 =	vld [tilespmem:s0+$0xFFFFFFF0];
	_ =	sdelay $0x1  }
0x2f1: {  	v7 =	vld.idx.msk [tilespmem:v6+s3+$0x0], $0xffff;
	_ =	sdelay $0x2  }
0x2f2: {  	vm2 =	vle.f32 v4, v16;
	vm3 =	vle.f32 v4, v15;
	vm4 =	vle.f32 v3, v14  }
0x2f3: {  	vm5 =	vle.f32 v4, v14;
	vm1 =	vle.f32 v3, v16;
	v9 =	vsel vm2, $0x1, v1  }
0x2f4: {  	v12 =	vsel vm3, $0x1, v1;
	v8 =	vsel vm1, $0x4, v0;
	vm1 =	vle.f32 v7, v11  }
0x2f5: {  	v13 =	vsel vm4, $0x4, v0;
	v6 =	vshll.u32 v6, $0x1;
	v10 =	vsel vm1, $0x2, v2  }
0x2f6: {  	vm0 =	vle.f32 v3, v15;
	v8 =	vadd.s32 v9, v8;
	v6 =	vadd.s32 v10, v6  }
0x2f7: {  	v7 =	vsel vm0, $0x4, v0;
	vm0 =	vle.f32 v5, v16;
	vm1 =	vle.f32 v5, v15  }
0x2f8: {  	v7 =	vadd.s32 v12, v7;
	v9 =	vsel vm0, $0x1, v1;
	vm0 =	vle.f32 v5, v14  }
0x2f9: {  	v10 =	vsel vm5, $0x1, v1;
	v12 =	vsel vm1, $0x1, v1;
	v8 =	vadd.s32 v9, v8  }
0x2fa: {  	v9 =	vadd.s32 v10, v13;
	v7 =	vadd.s32 v12, v7;
	v10 =	vsel vm0, $0x1, v1  }
0x2fb: {  	v9 =	vadd.s32 v10, v9;
	v10 =	vld.idx.msk [tilespmem:v6+s3+$0x0], $0xffff;
	_ =	sdelay $0x2  }
0x2fc: {  	v12 =	vld.idx.msk [tilespmem:v8+s3+$0x0], $0xffff  }
0x2fd: {  	v13 =	vld.idx.msk [tilespmem:v7+s3+$0x0], $0xffff  }
0x2fe: {  	v17 =	vld.idx.msk [tilespmem:v9+s3+$0x0], $0xffff;
	vm0 =	vle.f32 v10, v11  }
0x2ff: {  	v6 =	vshll.u32 v6, $0x1;
	v10 =	vsel vm0, $0x2, v2  }
0x300: {  	v6 =	vadd.s32 v10, v6  }
0x301: {  	v8 =	vshll.u32 v8, $0x1;
	vm0 =	vle.f32 v12, v16  }
0x302: {  	v7 =	vshll.u32 v7, $0x1;
	v10 =	vsel vm0, $0x2, v2;
	vm0 =	vle.f32 v13, v15  }
0x303: {  	v10 =	vadd.s32 v10, v8;
	v8 =	vsel vm0, $0x2, v2;
	vm0 =	vle.f32 v17, v14  }
0x304: {  	v9 =	vshll.u32 v9, $0x1;
	v7 =	vadd.s32 v8, v7;
	v8 =	vsel vm0, $0x2, v2  }
0x305: {  	v9 =	vadd.s32 v8, v9;
	v8 =	vld.idx.msk [tilespmem:v6+s3+$0x0], $0xffff;
	_ =	sdelay $0x2  }
0x306: {  	v12 =	vld.idx.msk [tilespmem:v10+s3+$0x0], $0xffff  }
0x307: {  	v13 =	vld.idx.msk [tilespmem:v7+s3+$0x0], $0xffff  }
0x308: {  	v17 =	vld.idx.msk [tilespmem:v9+s3+$0x0], $0xffff;
	vm0 =	vle.f32 v8, v11  }
0x309: {  	s0 =	simm.s32 $0x3470;
	v6 =	vshll.u32 v6, $0x1;
	v18 =	vsel vm0, $0x2, v2  }
0x30a: {  	v8 =	vld [tilespmem:s0+$0x0];
	v18 =	vadd.s32 v18, v6  }
0x30b: {  	v19 =	vshll.u32 v7, $0x1;
	v10 =	vshll.u32 v10, $0x1;
	vm0 =	vle.f32 v12, v16  }
0x30c: {  	v12 =	vshll.u32 v9, $0x1;
	v9 =	vld [tilespmem:s0+$0xFFFFFFD0];
	v7 =	vsel vm0, $0x2, v2;
	vm0 =	vle.f32 v13, v15  }
0x30d: {  	v6 =	vld [tilespmem:s0+$0xFFFFFFE0];
	v10 =	vadd.s32 v7, v10;
	v13 =	vsel vm0, $0x2, v2;
	vm0 =	vle.f32 v17, v14  }
0x30e: {  	v7 =	vld [tilespmem:s0+$0xFFFFFFF0];
	v17 =	vshll.u32 v10, $0x1;
	v23 =	vsel vm0, $0x2, v2;
	v13 =	vadd.s32 v13, v19  }
0x30f: {  	vm1 =	vle.f32 v3, v8;
	vm2 =	vle.f32 v4, v8;
	v12 =	vadd.s32 v23, v12;
	v20 =	vld.idx.msk [tilespmem:v18+s3+$0x0], $0xffff  }
0x310: {  	v21 =	vsel vm1, $0x4, v0;
	v22 =	vsel vm2, $0x1, v1;
	vm1 =	vle.f32 v5, v8  }
0x311: {  	vm2 =	vle.f32 v4, v9;
	v21 =	vadd.s32 v22, v21;
	v22 =	vsel vm1, $0x1, v1  }
0x312: {  	vm0 =	vle.f32 v3, v6;
	vm1 =	vle.f32 v3, v9;
	v19 =	vadd.s32 v22, v21  }
0x313: {  	vm3 =	vle.f32 v4, v6;
	v18 =	vshll.u32 v18, $0x1;
	vm12 =	vle.f32 v3, v7  }
0x314: {  	vm13 =	vle.f32 v4, v7;
	v21 =	vsel vm1, $0x4, v0;
	vm1 =	vle.f32 v20, v11  }
0x315: {  	v22 =	vsel vm2, $0x1, v1;
	v24 =	vsel vm3, $0x1, v1;
	v23 =	vsel vm1, $0x2, v2  }
0x316: {  	v10 =	vld.idx.msk [tilespmem:v10+s3+$0x0], $0xffff;
	v20 =	vsel vm0, $0x4, v0;
	vm0 =	vle.f32 v5, v9;
	v18 =	vadd.s32 v23, v18  }
0x317: {  	v25 =	vsel vm12, $0x4, v0;
	v21 =	vadd.s32 v22, v21;
	v22 =	vsel vm0, $0x1, v1;
	v23 =	vld.idx.msk [tilespmem:v19+s3+$0x0], $0xffff  }
0x318: {  	v26 =	vld.idx.msk [tilespmem:v13+s3+$0x0], $0xffff;
	v27 =	vsel vm13, $0x1, v1;
	vm0 =	vle.f32 v5, v6;
	v21 =	vadd.s32 v22, v21  }
0x319: {  	v20 =	vadd.s32 v24, v20;
	vm1 =	vle.f32 v5, v7;
	v24 =	vsel vm0, $0x1, v1  }
0x31a: {  	v25 =	vadd.s32 v27, v25;
	v22 =	vld.idx.msk [tilespmem:v12+s3+$0x0], $0xffff;
	v20 =	vadd.s32 v24, v20;
	v24 =	vsel vm1, $0x1, v1  }
0x31b: {  	v24 =	vadd.s32 v24, v25;
	v25 =	vld.idx.msk [tilespmem:v18+s3+$0x0], $0xffff  }
0x31c: {  	v13 =	vshll.u32 v13, $0x1;
	vm1 =	vle.f32 v10, v16;
	vm0 =	vle.f32 v23, v8  }
0x31d: {  	v10 =	vshll.u32 v19, $0x1;
	v19 =	vsel vm0, $0x2, v2;
	vm0 =	vle.f32 v26, v15;
	v26 =	vld.idx.msk [tilespmem:v21+s3+$0x0], $0xffff  }
0x31e: {  	v23 =	vsel vm1, $0x2, v2;
	v10 =	vadd.s32 v19, v10;
	v19 =	vsel vm0, $0x2, v2  }
0x31f: {  	vm1 =	vle.f32 v22, v14;
	v17 =	vadd.s32 v23, v17;
	v13 =	vadd.s32 v19, v13;
	v19 =	vld.idx.msk [tilespmem:v20+s3+$0x0], $0xffff  }
0x320: {  	v12 =	vshll.u32 v12, $0x1;
	v22 =	vsel vm1, $0x2, v2;
	vm0 =	vle.f32 v25, v11  }
0x321: {  	v18 =	vshll.u32 v18, $0x1;
	v12 =	vadd.s32 v22, v12;
	v22 =	vld.idx.msk [tilespmem:v24+s3+$0x0], $0xffff;
	v23 =	vsel vm0, $0x2, v2  }
0x322: {  	vm0 =	vle.f32 v26, v9;
	v18 =	vadd.s32 v23, v18  }
0x323: {  	v21 =	vshll.u32 v21, $0x1;
	v23 =	vld.idx.msk [tilespmem:v10+s3+$0x0], $0xffff;
	v26 =	vsel vm0, $0x2, v2  }
0x324: {  	v25 =	vld.idx.msk [tilespmem:v17+s3+$0x0], $0xffff;
	vm0 =	vle.f32 v19, v6;
	v21 =	vadd.s32 v26, v21  }
0x325: {  	v20 =	vshll.u32 v20, $0x1;
	v19 =	vld.idx.msk [tilespmem:v13+s3+$0x0], $0xffff;
	v26 =	vsel vm0, $0x2, v2  }
0x326: {  	v24 =	vshll.u32 v24, $0x1;
	vm0 =	vle.f32 v22, v7;
	v22 =	vld.idx.msk [tilespmem:v12+s3+$0x0], $0xffff;
	v20 =	vadd.s32 v26, v20  }
0x327: {  	v17 =	vshll.u32 v17, $0x1;
	v10 =	vshll.u32 v10, $0x1;
	v26 =	vsel vm0, $0x2, v2;
	v27 =	vld.idx.msk [tilespmem:v18+s3+$0x0], $0xffff  }
0x328: {  	v13 =	vshll.u32 v13, $0x1;
	v24 =	vadd.s32 v26, v24;
	vm0 =	vle.f32 v23, v8  }
0x329: {  	v12 =	vshll.u32 v12, $0x1;
	v23 =	vsel vm0, $0x2, v2;
	vm0 =	vle.f32 v25, v16;
	v25 =	vld.idx.msk [tilespmem:v21+s3+$0x0], $0xffff  }
0x32a: {  	v10 =	vadd.s32 v23, v10;
	v23 =	vsel vm0, $0x2, v2;
	vm0 =	vle.f32 v19, v15  }
0x32b: {  	v17 =	vadd.s32 v23, v17;
	v19 =	vsel vm0, $0x2, v2;
	vm0 =	vle.f32 v22, v14;
	v22 =	vld.idx.msk [tilespmem:v20+s3+$0x0], $0xffff  }
0x32c: {  	v13 =	vadd.s32 v19, v13;
	v19 =	vsel vm0, $0x2, v2;
	vm0 =	vle.f32 v27, v11  }
0x32d: {  	v18 =	vshll.u32 v18, $0x1;
	v12 =	vadd.s32 v19, v12;
	v19 =	vld.idx.msk [tilespmem:v24+s3+$0x0], $0xffff;
	v23 =	vsel vm0, $0x2, v2  }
0x32e: {  	v21 =	vshll.u32 v21, $0x1;
	vm0 =	vle.f32 v25, v9;
	v18 =	vadd.s32 v23, v18  }
0x32f: {  	v20 =	vshll.u32 v20, $0x1;
	v24 =	vshll.u32 v24, $0x1;
	v23 =	vld.idx.msk [tilespmem:v10+s3+$0x0], $0xffff;
	v26 =	vsel vm0, $0x2, v2  }
0x330: {  	v27 =	vshll.u32 v12, $0x1;
	v25 =	vld.idx.msk [tilespmem:v17+s3+$0x0], $0xffff;
	vm0 =	vle.f32 v22, v6;
	v21 =	vadd.s32 v26, v21  }
0x331: {  	v10 =	vshll.u32 v10, $0x1;
	v26 =	vshll.u32 v13, $0x1;
	v22 =	vld.idx.msk [tilespmem:v13+s3+$0x0], $0xffff;
	v13 =	vsel vm0, $0x2, v2  }
0x332: {  	v17 =	vshll.u32 v17, $0x1;
	v12 =	vld.idx.msk [tilespmem:v12+s3+$0x0], $0xffff;
	vm0 =	vle.f32 v19, v7;
	v20 =	vadd.s32 v13, v20  }
0x333: {  	v19 =	vshll.u32 v21, $0x1;
	v13 =	vsel vm0, $0x2, v2;
	v29 =	vshll.u32 v20, $0x1;
	v28 =	vld.idx.msk [tilespmem:v18+s3+$0x0], $0xffff  }
0x334: {  	vm0 =	vle.f32 v23, v8;
	v23 =	vadd.s32 v13, v24;
	v18 =	vshll.u32 v18, $0x1  }
0x335: {  	s0 =	simm.s32 $0x34B0;
	v13 =	vsel vm0, $0x2, v2;
	v24 =	vshll.u32 v23, $0x1;
	vm0 =	vle.f32 v25, v16;
	v21 =	vld.idx.msk [tilespmem:v21+s3+$0x0], $0xffff  }
0x336: {  	v25 =	vadd.s32 v13, v10;
	v10 =	vsel vm0, $0x2, v2;
	vm0 =	vle.f32 v22, v15;
	v13 =	vld [tilespmem:s0+$0x0]  }
0x337: {  	vm1 =	vle.f32 v12, v14;
	v17 =	vadd.s32 v10, v17;
	v12 =	vsel vm0, $0x2, v2  }
0x338: {  	v10 =	vld [tilespmem:s0+$0xFFFFFFE0];
	v22 =	vsel vm1, $0x2, v2;
	v26 =	vadd.s32 v12, v26;
	vm0 =	vle.f32 v28, v11  }
0x339: {  	v12 =	vld [tilespmem:s0+$0xFFFFFFD0];
	v22 =	vadd.s32 v22, v27;
	v28 =	vshll.u32 v17, $0x1;
	v27 =	vsel vm0, $0x2, v2  }
0x33a: {  	v30 =	vshll.u32 v26, $0x1;
	vm0 =	vle.f32 v21, v9;
	v31 =	vadd.s32 v27, v18  }
0x33b: {  	v11 =	vld [tilespmem:s0+$0xFFFFFFF0];
	v18 =	vshll.u32 v22, $0x1;
	vm1 =	vle.f32 v3, v13;
	vm2 =	vle.f32 v4, v13  }
0x33c: {  	v27 =	vld.idx.msk [tilespmem:v25+s3+$0x0], $0xffff;
	v25 =	vshll.u32 v25, $0x1;
	v21 =	vsel vm1, $0x4, v0;
	v39 =	vsel vm2, $0x1, v1  }
0x33d: {  	vm1 =	vle.f32 v5, v13;
	vm2 =	vle.f32 v3, v10;
	vm14 =	vle.f32 v4, v10  }
0x33e: {  	v21 =	vadd.s32 v39, v21;
	v40 =	vsel vm1, $0x1, v1;
	vm1 =	vle.f32 v3, v12  }
0x33f: {  	vm3 =	vle.f32 v4, v12;
	v35 =	vsel vm14, $0x1, v1;
	v21 =	vadd.s32 v40, v21  }
0x340: {  	vm15 =	vle.f32 v3, v11;
	vm6 =	vle.f32 v4, v11;
	v41 =	vsel vm1, $0x4, v0  }
0x341: {  	v20 =	vld.idx.msk [tilespmem:v20+s3+$0x0], $0xffff;
	v42 =	vsel vm3, $0x1, v1;
	vm3 =	vle.f32 v5, v11;
	vm1 =	vle.f32 v27, v8  }
0x342: {  	v36 =	vsel vm15, $0x4, v0;
	v43 =	vsel vm6, $0x1, v1;
	v34 =	vsel vm1, $0x2, v2  }
0x343: {  	v23 =	vld.idx.msk [tilespmem:v23+s3+$0x0], $0xffff;
	v32 =	vadd.s32 v42, v41;
	v46 =	vsel vm3, $0x1, v1;
	v25 =	vadd.s32 v34, v25  }
0x344: {  	v17 =	vld.idx.msk [tilespmem:v17+s3+$0x0], $0xffff;
	v27 =	vsel vm2, $0x4, v0;
	vm2 =	vle.f32 v5, v10;
	vm1 =	vle.f32 v5, v12  }
0x345: {  	v27 =	vadd.s32 v35, v27;
	v45 =	vsel vm2, $0x1, v1;
	v44 =	vsel vm1, $0x1, v1;
	v37 =	vld.idx.msk [tilespmem:v21+s3+$0x0], $0xffff  }
0x346: {  	vm1 =	vle.f32 v20, v6;
	v20 =	vld.idx.msk [tilespmem:v26+s3+$0x0], $0xffff;
	v26 =	vsel vm0, $0x2, v2;
	v32 =	vadd.s32 v44, v32  }
0x347: {  	v34 =	vadd.s32 v43, v36;
	v27 =	vadd.s32 v45, v27;
	v19 =	vadd.s32 v26, v19  }
0x348: {  	vm3 =	vle.f32 v23, v7;
	v48 =	vshll.u32 v27, $0x1;
	v33 =	vadd.s32 v46, v34;
	v49 =	vld.idx.msk [tilespmem:v25+s3+$0x0], $0xffff  }
0x349: {  	v21 =	vshll.u32 v21, $0x1;
	v50 =	vsel vm1, $0x2, v2;
	vm1 =	vle.f32 v17, v16  }
0x34a: {  	v22 =	vld.idx.msk [tilespmem:v22+s3+$0x0], $0xffff;
	v47 =	vshll.u32 v32, $0x1;
	v38 =	vshll.u32 v33, $0x1;
	vm2 =	vle.f32 v37, v13  }
0x34b: {  	v26 =	vadd.s32 v50, v29;
	v51 =	vshll.u32 v19, $0x1;
	v29 =	vld.idx.msk [tilespmem:v32+s3+$0x0], $0xffff;
	v23 =	vsel vm2, $0x2, v2  }
0x34c: {  	v25 =	vshll.u32 v25, $0x1;
	v19 =	vld.idx.msk [tilespmem:v19+s3+$0x0], $0xffff;
	v21 =	vadd.s32 v23, v21;
	v23 =	vsel vm3, $0x2, v2  }
0x34d: {  	v37 =	vshll.u32 v26, $0x1;
	v23 =	vadd.s32 v23, v24;
	vm0 =	vle.f32 v49, v8  }
0x34e: {  	v24 =	vld.idx.msk [tilespmem:v27+s3+$0x0], $0xffff;
	v27 =	vshll.u32 v23, $0x1;
	v52 =	vsel vm0, $0x2, v2;
	vm0 =	vle.f32 v20, v15  }
0x34f: {  	v17 =	vld.idx.msk [tilespmem:v33+s3+$0x0], $0xffff;
	v20 =	vadd.s32 v52, v25;
	v25 =	vsel vm1, $0x2, v2;
	vm1 =	vle.f32 v22, v14  }
0x350: {  	v22 =	vadd.s32 v25, v28;
	v25 =	vsel vm0, $0x2, v2;
	v28 =	vsel vm1, $0x2, v2  }
0x351: {  	v53 =	vld.idx.msk [tilespmem:v21+s3+$0x0], $0xffff;
	vm0 =	vle.f32 v29, v12;
	v21 =	vshll.u32 v21, $0x1;
	vm1 =	vle.f32 v19, v9  }
0x352: {  	v25 =	vadd.s32 v25, v30;
	v28 =	vadd.s32 v28, v18;
	v18 =	vsel vm0, $0x2, v2  }
0x353: {  	vm0 =	vle.f32 v24, v10;
	v29 =	vshll.u32 v22, $0x1;
	v24 =	vld.idx.msk [tilespmem:v26+s3+$0x0], $0xffff;
	v26 =	vadd.s32 v18, v47  }
0x354: {  	v23 =	vld.idx.msk [tilespmem:v23+s3+$0x0], $0xffff;
	v18 =	vsel vm0, $0x2, v2;
	vm0 =	vle.f32 v17, v11;
	v30 =	vshll.u32 v26, $0x1  }
0x355: {  	v54 =	vadd.s32 v18, v48;
	v17 =	vsel vm0, $0x2, v2;
	v18 =	vshll.u32 v28, $0x1;
	v55 =	vld.idx.msk [tilespmem:v20+s3+$0x0], $0xffff  }
0x356: {  	v36 =	vshll.u32 v54, $0x1;
	v38 =	vadd.s32 v17, v38;
	v22 =	vld.idx.msk [tilespmem:v22+s3+$0x0], $0xffff;
	vm0 =	vle.f32 v53, v13  }
0x357: {  	v17 =	vshll.u32 v25, $0x1;
	v39 =	vshll.u32 v38, $0x1;
	v25 =	vld.idx.msk [tilespmem:v25+s3+$0x0], $0xffff;
	v19 =	vsel vm0, $0x2, v2  }
0x358: {  	v56 =	vld.idx.msk [tilespmem:v28+s3+$0x0], $0xffff;
	vm0 =	vle.f32 v24, v6;
	v40 =	vadd.s32 v19, v21;
	v19 =	vsel vm1, $0x2, v2  }
0x359: {  	v21 =	vld.idx.msk [tilespmem:v26+s3+$0x0], $0xffff;
	v24 =	vadd.s32 v19, v51;
	v19 =	vsel vm0, $0x2, v2;
	vm0 =	vle.f32 v23, v7  }
0x35a: {  	v23 =	vld.idx.msk [tilespmem:v54+s3+$0x0], $0xffff;
	v57 =	vadd.s32 v19, v37;
	v19 =	vsel vm0, $0x2, v2;
	vm0 =	vle.f32 v55, v8  }
0x35b: {  	v58 =	vld.idx.msk [tilespmem:v38+s3+$0x0], $0xffff;
	v28 =	vshll.u32 v24, $0x1;
	v59 =	vadd.s32 v19, v27;
	v19 =	vshll.u32 v20, $0x1  }
0x35c: {  	v20 =	vsel vm0, $0x2, v2;
	v27 =	vshll.u32 v57, $0x1;
	vm0 =	vle.f32 v22, v16  }
0x35d: {  	v60 =	vld.idx.msk [tilespmem:v31+s3+$0x0], $0xffff;
	v19 =	vadd.s32 v20, v19;
	v26 =	vshll.u32 v59, $0x1;
	vm1 =	vle.f32 v25, v15  }
0x35e: {  	v20 =	vsel vm0, $0x2, v2;
	vm0 =	vle.f32 v56, v14;
	v15 =	vld.idx.msk [tilespmem:v40+s3+$0x0], $0xffff;
	vm2 =	vle.f32 v21, v12  }
0x35f: {  	v21 =	vsel vm1, $0x2, v2;
	v61 =	vld.idx.msk [tilespmem:v24+s3+$0x0], $0xffff;
	v14 =	vsel vm2, $0x2, v2;
	vm2 =	vle.f32 v23, v10  }
0x360: {  	v62 =	vld.idx.msk [tilespmem:v57+s3+$0x0], $0xffff;
	v63 =	vadd.s32 v14, v30;
	v14 =	vsel vm2, $0x2, v2;
	vm1 =	vle.f32 v58, v11  }
0x361: {  	v23 =	vsel vm0, $0x2, v2;
	v30 =	vadd.s32 v14, v36;
	v14 =	vsel vm1, $0x2, v2;
	v16 =	vld.idx.msk [tilespmem:v59+s3+$0x0], $0xffff  }
0x362: {  	v22 =	vshll.u32 v63, $0x1;
	v31 =	vadd.s32 v14, v39;
	v14 =	vadd.s32 v20, v29;
	v20 =	vld.idx.msk [tilespmem:v19+s3+$0x0], $0xffff  }
0x363: {  	v24 =	vshll.u32 v30, $0x1;
	v25 =	vshll.u32 v31, $0x1;
	vm0 =	vle.f32 v15, v13  }
0x364: {  	s29 =	simm.s32 $0x7430;
	v15 =	vshll.u32 v40, $0x1;
	v29 =	vsel vm0, $0x2, v2;
	vm0 =	vle.f32 v61, v9  }
0x365: {  	s31 =	simm.s32 $0x3080;
	s30 =	simm.s32 $0x7430;
	s0 =	simm.s32 $0x34F0;
	[tilespmem:s29+$0x0] =	vst v60;
	v32 =	vld.idx.msk [tilespmem:v63+s3+$0x0], $0xffff;
	v29 =	vadd.s32 v29, v15;
	v15 =	vsel vm0, $0x2, v2;
	vm0 =	vle.f32 v62, v6  }
.LBB2_8:
0x366: {  	v33 =	vld [tilespmem:s0+$0x0];
	s31 =	sadd.s32 $0x40, s31;
	v28 =	vadd.s32 v15, v28;
	v15 =	vsel vm0, $0x2, v2;
	vm0 =	vle.f32 v16, v7  }
0x367: {  	v16 =	vld [tilespmem:s0+$0xFFFFFFE0];
	p0 =	slt.u32 s31, $0x3FC0;
	v27 =	vadd.s32 v15, v27;
	v15 =	vsel vm0, $0x2, v2;
	vm0 =	vle.f32 v20, v8;
	v8 =	vmovc v13  }
0x368: {  	v13 =	vshll.u32 v19, $0x1;
	v20 =	vld [tilespmem:s0+$0xFFFFFFF0];
	v26 =	vadd.s32 v15, v26;
	v19 =	vsel vm0, $0x2, v2  }
0x369: {  	v34 =	vshll.u32 v28, $0x1;
	v35 =	vshll.u32 v27, $0x1;
	v15 =	vld [tilespmem:s0+$0xFFFFFFD0];
	v19 =	vadd.s32 v19, v13  }
0x36a: {  	v17 =	vadd.s32 v21, v17;
	v18 =	vadd.s32 v23, v18;
	v37 =	vshll.u32 v26, $0x1;
	v36 =	vld.idx.msk [tilespmem:v29+s3+$0x0], $0xffff  }
0x36b: {  	vm0 =	vle.f32 v32, v12;
	vm1 =	vle.f32 v3, v33;
	vm2 =	vle.f32 v4, v33;
	v21 =	vld.idx.msk [tilespmem:v30+s3+$0x0], $0xffff  }
0x36c: {  	v13 =	vmovc v33;
	v23 =	vsel vm1, $0x4, v0;
	v30 =	vsel vm2, $0x1, v1;
	vm1 =	vle.f32 v5, v33;
	v31 =	vld.idx.msk [tilespmem:v31+s3+$0x0], $0xffff  }
0x36d: {  	vm2 =	vle.f32 v3, v16;
	v23 =	vadd.s32 v30, v23;
	v30 =	vsel vm1, $0x1, v1;
	v28 =	vld.idx.msk [tilespmem:v28+s3+$0x0], $0xffff  }
0x36e: {  	vm1 =	vle.f32 v3, v15;
	vm3 =	vle.f32 v4, v15;
	v23 =	vadd.s32 v30, v23;
	v19 =	vld.idx.msk [tilespmem:v19+s3+$0x0], $0xffff  }
0x36f: {  	vm4 =	vle.f32 v4, v16;
	vm5 =	vle.f32 v3, v20;
	vm6 =	vle.f32 v4, v20;
	v27 =	vld.idx.msk [tilespmem:v27+s3+$0x0], $0xffff  }
0x370: {  	v30 =	vsel vm1, $0x4, v0;
	v32 =	vsel vm3, $0x1, v1;
	vm1 =	vle.f32 v36, v8;
	v26 =	vld.idx.msk [tilespmem:v26+s3+$0x0], $0xffff  }
0x371: {  	v29 =	vshll.u32 v29, $0x1;
	v33 =	vsel vm2, $0x4, v0;
	v36 =	vsel vm1, $0x2, v2;
	v14 =	vld.idx.msk [tilespmem:v14+s3+$0x0], $0xffff  }
0x372: {  	v38 =	vsel vm4, $0x1, v1;
	v39 =	vsel vm5, $0x4, v0;
	v29 =	vadd.s32 v36, v29;
	v17 =	vld.idx.msk [tilespmem:v17+s3+$0x0], $0xffff  }
0x373: {  	s29 =	sadd.s32 $0x40, s29;
	vm2 =	vle.f32 v5, v16;
	vm1 =	vle.f32 v5, v15;
	v36 =	vsel vm6, $0x1, v1;
	v40 =	vld.idx.msk [tilespmem:v23+s3+$0x0], $0xffff  }
0x374: {  	vm3 =	vle.f32 v5, v20;
	v30 =	vadd.s32 v32, v30;
	v32 =	vadd.s32 v38, v33;
	[tilespmem:s29+$0x0] =	vst v19  }
0x375: {  	v33 =	vsel vm2, $0x1, v1;
	v36 =	vadd.s32 v36, v39;
	v19 =	vsel vm1, $0x1, v1;
	v18 =	vld.idx.msk [tilespmem:v18+s3+$0x0], $0xffff  }
0x376: {  	v19 =	vadd.s32 v19, v30;
	v30 =	vadd.s32 v33, v32;
	v32 =	vsel vm3, $0x1, v1  }
0x377: {  	v33 =	vshll.u32 v19, $0x1;
	v38 =	vshll.u32 v30, $0x1;
	v32 =	vadd.s32 v32, v36;
	v36 =	vld.idx.msk [tilespmem:v29+s3+$0x0], $0xffff;
	[tilespmem:s30+$0xFFFFFFD0] =	vst v14  }
0x378: {  	vm2 =	vle.f32 v31, v11;
	vm1 =	vle.f32 v21, v10;
	v14 =	vshll.u32 v32, $0x1;
	[tilespmem:s30+$0xFFFFFFE0] =	vst v17  }
0x379: {  	v21 =	vsel vm1, $0x2, v2;
	vm3 =	vle.f32 v40, v13;
	v17 =	vsel vm0, $0x2, v2  }
0x37a: {  	v39 =	vsel vm2, $0x2, v2;
	v23 =	vshll.u32 v23, $0x1;
	v31 =	vsel vm3, $0x2, v2  }
0x37b: {  	v21 =	vadd.s32 v21, v24;
	v17 =	vadd.s32 v17, v22;
	v23 =	vadd.s32 v31, v23;
	v19 =	vld.idx.msk [tilespmem:v19+s3+$0x0], $0xffff  }
0x37c: {  	v25 =	vadd.s32 v39, v25;
	v24 =	vshll.u32 v17, $0x1;
	v22 =	vld.idx.msk [tilespmem:v30+s3+$0x0], $0xffff;
	v30 =	vshll.u32 v21, $0x1;
	[tilespmem:s30+$0xFFFFFFF0] =	vst v18;
	s30 =	smov.u32 s29  }
0x37d: {  	vm1 =	vle.f32 v28, v9;
	v31 =	vshll.u32 v25, $0x1;
	vm0 =	vle.f32 v36, v8;
	v18 =	vld.idx.msk [tilespmem:v32+s3+$0x0], $0xffff  }
0x37e: {  	v28 =	vshll.u32 v29, $0x1;
	v29 =	vsel vm0, $0x2, v2;
	vm0 =	vle.f32 v27, v6  }
0x37f: {  	v27 =	vadd.s32 v29, v28;
	v28 =	vsel vm1, $0x2, v2;
	vm1 =	vle.f32 v26, v7  }
0x380: {  	v29 =	vsel vm0, $0x2, v2;
	v28 =	vadd.s32 v28, v34;
	v32 =	vsel vm1, $0x2, v2;
	v26 =	vld.idx.msk [tilespmem:v23+s3+$0x0], $0xffff  }
0x381: {  	v29 =	vadd.s32 v29, v35;
	vm0 =	vle.f32 v19, v15;
	v32 =	vadd.s32 v32, v37;
	v19 =	vld.idx.msk [tilespmem:v17+s3+$0x0], $0xffff  }
0x382: {  	v34 =	vshll.u32 v28, $0x1;
	v17 =	vsel vm0, $0x2, v2;
	vm0 =	vle.f32 v22, v16;
	v21 =	vld.idx.msk [tilespmem:v21+s3+$0x0], $0xffff  }
0x383: {  	v22 =	vadd.s32 v17, v33;
	v17 =	vsel vm0, $0x2, v2;
	vm0 =	vle.f32 v18, v20;
	v25 =	vld.idx.msk [tilespmem:v25+s3+$0x0], $0xffff  }
0x384: {  	v33 =	vshll.u32 v22, $0x1;
	v35 =	vadd.s32 v17, v38;
	v17 =	vsel vm0, $0x2, v2;
	v36 =	vld.idx.msk [tilespmem:v27+s3+$0x0], $0xffff  }
0x385: {  	v37 =	vshll.u32 v35, $0x1;
	v14 =	vadd.s32 v17, v14;
	v17 =	vshll.u32 v29, $0x1;
	v38 =	vld.idx.msk [tilespmem:v28+s3+$0x0], $0xffff  }
0x386: {  	v18 =	vshll.u32 v32, $0x1;
	v39 =	vshll.u32 v14, $0x1;
	vm0 =	vle.f32 v26, v13;
	v29 =	vld.idx.msk [tilespmem:v29+s3+$0x0], $0xffff  }
0x387: {  	v23 =	vshll.u32 v23, $0x1;
	v26 =	vsel vm0, $0x2, v2;
	vm0 =	vle.f32 v19, v12;
	v32 =	vld.idx.msk [tilespmem:v32+s3+$0x0], $0xffff  }
0x388: {  	v40 =	vadd.s32 v26, v23;
	v19 =	vsel vm0, $0x2, v2;
	vm0 =	vle.f32 v21, v10;
	v22 =	vld.idx.msk [tilespmem:v22+s3+$0x0], $0xffff  }
0x389: {  	v23 =	vadd.s32 v19, v24;
	v19 =	vsel vm0, $0x2, v2;
	vm0 =	vle.f32 v25, v11;
	v21 =	vld.idx.msk [tilespmem:v35+s3+$0x0], $0xffff  }
0x38a: {  	v24 =	vadd.s32 v19, v30;
	v19 =	vsel vm0, $0x2, v2;
	vm0 =	vle.f32 v36, v8;
	v14 =	vld.idx.msk [tilespmem:v14+s3+$0x0], $0xffff  }
0x38b: {  	v25 =	vadd.s32 v19, v31;
	v19 =	vshll.u32 v27, $0x1;
	v26 =	vsel vm0, $0x2, v2  }
0x38c: {  	v28 =	vshll.u32 v23, $0x1;
	v27 =	vshll.u32 v24, $0x1;
	v19 =	vadd.s32 v26, v19  }
0x38d: {  	vm0 =	vle.f32 v38, v9;
	v26 =	vshll.u32 v25, $0x1;
	vm1 =	vle.f32 v29, v6;
	v6 =	vmovc v10;
	v35 =	vld.idx.msk [tilespmem:v40+s3+$0x0], $0xffff  }
0x38e: {  	v36 =	vsel vm0, $0x2, v2;
	v10 =	vmovc v16;
	vm0 =	vle.f32 v32, v7;
	vm2 =	vle.f32 v22, v15;
	v29 =	vld.idx.msk [tilespmem:v23+s3+$0x0], $0xffff  }
0x38f: {  	v7 =	vmovc v11;
	v11 =	vmovc v20;
	v22 =	vsel vm2, $0x2, v2;
	vm2 =	vle.f32 v21, v10;
	v21 =	vsel vm1, $0x2, v2;
	v38 =	vld.idx.msk [tilespmem:v24+s3+$0x0], $0xffff  }
0x390: {  	v9 =	vmovc v12;
	v32 =	vadd.s32 v22, v33;
	v20 =	vsel vm2, $0x2, v2;
	vm1 =	vle.f32 v14, v11;
	v16 =	vld.idx.msk [tilespmem:v25+s3+$0x0], $0xffff  }
.Ltmp3:
0x391: {  	v12 =	vmovc v15;
	v22 =	vshll.u32 v32, $0x1;
	v30 =	vadd.s32 v20, v37;
	v14 =	vsel vm1, $0x2, v2;
	v20 =	vld.idx.msk [tilespmem:v19+s3+$0x0], $0xffff;
	(pc) =	sbr.rel @p0 .LBB2_8-.Ltmp3, $4  }
0x392: {  	v23 =	vsel vm0, $0x2, v2;
	v24 =	vshll.u32 v30, $0x1;
	v31 =	vadd.s32 v14, v39  }
0x393: {  	v14 =	vadd.s32 v36, v34;
	v25 =	vshll.u32 v31, $0x1;
	vm0 =	vle.f32 v35, v13  }
0x394: {  	v15 =	vshll.u32 v40, $0x1;
	v33 =	vsel vm0, $0x2, v2;
	vm0 =	vle.f32 v29, v9  }
0x395: {  	s0 =	sadd.s32 $0x40, s0;
	v29 =	vadd.s32 v33, v15;
	v15 =	vsel vm0, $0x2, v2;
	vm0 =	vle.f32 v38, v6;
	v32 =	vld.idx.msk [tilespmem:v32+s3+$0x0], $0xffff  }
0x396: {  	_ =	sdelay $0x3  }
0x397: {  	v3 =	vld.idx.msk [tilespmem:v30+s3+$0x0], $0xffff  }
0x398: {  	v4 =	vld.idx.msk [tilespmem:v31+s3+$0x0], $0xffff;
	_ =	sdelay $0x2  }
0x399: {  	vm1 =	vle.f32 v32, v12  }
0x39a: {  	vm2 =	vle.f32 v3, v10;
	v3 =	vsel vm1, $0x2, v2  }
0x39b: {  	vm15 =	vle.f32 v4, v11;
	v39 =	vsel vm2, $0x2, v2;
	v3 =	vadd.s32 v3, v22  }
0x39c: {  	v40 =	vsel vm15, $0x2, v2;
	v4 =	vadd.s32 v39, v24  }
0x39d: {  	v5 =	vld.idx.msk [tilespmem:v29+s3+$0x0], $0xffff;
	v22 =	vadd.s32 v40, v25;
	_ =	sdelay $0x2  }
0x39e: {  	v41 =	vld.idx.msk [tilespmem:v3+s3+$0x0], $0xffff  }
0x39f: {  	v42 =	vld.idx.msk [tilespmem:v4+s3+$0x0], $0xffff  }
0x3a0: {  	vm4 =	vle.f32 v5, v13;
	v45 =	vld.idx.msk [tilespmem:v22+s3+$0x0], $0xffff  }
0x3a1: {  	v43 =	vshll.u32 v29, $0x1;
	v44 =	vsel vm4, $0x2, v2  }
0x3a2: {  	v25 =	vadd.s32 v44, v43  }
0x3a3: {  	v3 =	vshll.u32 v3, $0x1;
	vm5 =	vle.f32 v41, v12  }
0x3a4: {  	v4 =	vshll.u32 v4, $0x1;
	v24 =	vsel vm5, $0x2, v2;
	vm6 =	vle.f32 v42, v10  }
0x3a5: {  	vm7 =	vle.f32 v45, v11;
	v3 =	vadd.s32 v24, v3;
	v5 =	vsel vm6, $0x2, v2  }
0x3a6: {  	v22 =	vshll.u32 v22, $0x1;
	v47 =	vsel vm7, $0x2, v2;
	v4 =	vadd.s32 v5, v4  }
0x3a7: {  	v46 =	vld.idx.msk [tilespmem:v25+s3+$0x0], $0xffff;
	v5 =	vadd.s32 v47, v22;
	_ =	sdelay $0x2  }
0x3a8: {  	v48 =	vld.idx.msk [tilespmem:v3+s3+$0x0], $0xffff  }
0x3a9: {  	v15 =	vadd.s32 v15, v28;
	v49 =	vsel vm0, $0x2, v2;
	v50 =	vld.idx.msk [tilespmem:v4+s3+$0x0], $0xffff  }
0x3aa: {  	v27 =	vadd.s32 v49, v27;
	vm8 =	vle.f32 v46, v13;
	v52 =	vld.idx.msk [tilespmem:v5+s3+$0x0], $0xffff  }
0x3ab: {  	vm9 =	vle.f32 v16, v7;
	v25 =	vshll.u32 v25, $0x1;
	v51 =	vsel vm8, $0x2, v2  }
0x3ac: {  	v54 =	vsel vm9, $0x2, v2;
	v53 =	vadd.s32 v51, v25  }
0x3ad: {  	v25 =	vadd.s32 v54, v26;
	v3 =	vshll.u32 v3, $0x1;
	vm10 =	vle.f32 v48, v12  }
0x3ae: {  	v55 =	vld.idx.msk [tilespmem:v15+s3+$0x0], $0xffff;
	v4 =	vshll.u32 v4, $0x1;
	v56 =	vsel vm10, $0x2, v2;
	vm11 =	vle.f32 v50, v10  }
0x3af: {  	v57 =	vld.idx.msk [tilespmem:v27+s3+$0x0], $0xffff;
	vm12 =	vle.f32 v52, v11;
	v3 =	vadd.s32 v56, v3;
	v58 =	vsel vm11, $0x2, v2  }
0x3b0: {  	v5 =	vshll.u32 v5, $0x1;
	v59 =	vsel vm12, $0x2, v2;
	v4 =	vadd.s32 v58, v4  }
0x3b1: {  	v28 =	vld.idx.msk [tilespmem:v53+s3+$0x0], $0xffff;
	v5 =	vadd.s32 v59, v5  }
0x3b2: {  	v60 =	vld.idx.msk [tilespmem:v25+s3+$0x0], $0xffff  }
0x3b3: {  	vm13 =	vle.f32 v55, v9  }
0x3b4: {  	v15 =	vshll.u32 v15, $0x1;
	vm14 =	vle.f32 v57, v6;
	v62 =	vsel vm13, $0x2, v2;
	v63 =	vld.idx.msk [tilespmem:v3+s3+$0x0], $0xffff  }
0x3b5: {  	v61 =	vshll.u32 v27, $0x1;
	v15 =	vadd.s32 v62, v15;
	v32 =	vsel vm14, $0x2, v2;
	v33 =	vld.idx.msk [tilespmem:v4+s3+$0x0], $0xffff  }
0x3b6: {  	v22 =	vadd.s32 v32, v61;
	vm15 =	vle.f32 v28, v13;
	v35 =	vld.idx.msk [tilespmem:v5+s3+$0x0], $0xffff  }
0x3b7: {  	v16 =	vshll.u32 v53, $0x1;
	vm4 =	vle.f32 v60, v7;
	v34 =	vsel vm15, $0x2, v2  }
0x3b8: {  	v36 =	vshll.u32 v25, $0x1;
	v37 =	vsel vm4, $0x2, v2;
	v16 =	vadd.s32 v34, v16  }
0x3b9: {  	v24 =	vadd.s32 v37, v36;
	v3 =	vshll.u32 v3, $0x1;
	vm5 =	vle.f32 v63, v12  }
0x3ba: {  	v38 =	vld.idx.msk [tilespmem:v15+s3+$0x0], $0xffff;
	v4 =	vshll.u32 v4, $0x1;
	vm6 =	vle.f32 v33, v10;
	v39 =	vsel vm5, $0x2, v2  }
0x3bb: {  	vm7 =	vle.f32 v35, v11;
	v3 =	vadd.s32 v39, v3;
	v41 =	vsel vm6, $0x2, v2  }
0x3bc: {  	v40 =	vld.idx.msk [tilespmem:v22+s3+$0x0], $0xffff;
	v5 =	vshll.u32 v5, $0x1;
	v29 =	vsel vm7, $0x2, v2;
	v4 =	vadd.s32 v41, v4  }
0x3bd: {  	v42 =	vld.idx.msk [tilespmem:v16+s3+$0x0], $0xffff;
	v5 =	vadd.s32 v29, v5  }
0x3be: {  	v17 =	vadd.s32 v21, v17;
	v18 =	vadd.s32 v23, v18;
	vm8 =	vle.f32 v20, v8;
	v45 =	vld.idx.msk [tilespmem:v24+s3+$0x0], $0xffff  }
0x3bf: {  	v43 =	vshll.u32 v19, $0x1;
	v44 =	vsel vm8, $0x2, v2;
	vm9 =	vle.f32 v38, v9  }
0x3c0: {  	v15 =	vshll.u32 v15, $0x1;
	v8 =	vadd.s32 v44, v43;
	v9 =	vsel vm9, $0x2, v2;
	v48 =	vld.idx.msk [tilespmem:v3+s3+$0x0], $0xffff  }
0x3c1: {  	v46 =	vshll.u32 v22, $0x1;
	v9 =	vadd.s32 v9, v15;
	vm10 =	vle.f32 v40, v6;
	v49 =	vld.idx.msk [tilespmem:v4+s3+$0x0], $0xffff  }
0x3c2: {  	v53 =	vsel vm10, $0x2, v2;
	v47 =	vshll.u32 v24, $0x1;
	vm11 =	vle.f32 v42, v13;
	v52 =	vld.idx.msk [tilespmem:v5+s3+$0x0], $0xffff  }
0x3c3: {  	v50 =	vshll.u32 v16, $0x1;
	vm12 =	vle.f32 v45, v7;
	v51 =	vsel vm11, $0x2, v2  }
0x3c4: {  	v14 =	vld.idx.msk [tilespmem:v14+s3+$0x0], $0xffff;
	v7 =	vadd.s32 v53, v46;
	v54 =	vsel vm12, $0x2, v2;
	v13 =	vadd.s32 v51, v50  }
0x3c5: {  	v8 =	vld.idx.msk [tilespmem:v8+s3+$0x0], $0xffff;
	v55 =	vadd.s32 v54, v47;
	v3 =	vshll.u32 v3, $0x1;
	vm13 =	vle.f32 v48, v12  }
0x3c6: {  	v62 =	vld.idx.msk [tilespmem:v9+s3+$0x0], $0xffff;
	v4 =	vshll.u32 v4, $0x1;
	vm14 =	vle.f32 v49, v10;
	v57 =	vsel vm13, $0x2, v2  }
0x3c7: {  	v56 =	vld.idx.msk [tilespmem:v17+s3+$0x0], $0xffff;
	vm15 =	vle.f32 v52, v11;
	v59 =	vsel vm14, $0x2, v2;
	v3 =	vadd.s32 v57, v3  }
0x3c8: {  	v58 =	vld.idx.msk [tilespmem:v18+s3+$0x0], $0xffff;
	v5 =	vshll.u32 v5, $0x1;
	v61 =	vsel vm15, $0x2, v2;
	v4 =	vadd.s32 v59, v4  }
0x3c9: {  	s0 =	sadd.s32 $0x40, s29;
	[tilespmem:s30+$0xFFFFFFD0] =	vst v14;
	v7 =	vld.idx.msk [tilespmem:v7+s3+$0x0], $0xffff;
	v5 =	vadd.s32 v61, v5  }
0x3ca: {  	[tilespmem:s0+$0x0] =	vst v8;
	v60 =	vld.idx.msk [tilespmem:v13+s3+$0x0], $0xffff  }
0x3cb: {  	[tilespmem:s0+$0xFFFFFFD0] =	vst v62;
	v63 =	vld.idx.msk [tilespmem:v55+s3+$0x0], $0xffff  }
0x3cc: {  	[tilespmem:s30+$0xFFFFFFE0] =	vst v56;
	v3 =	vld.idx.msk [tilespmem:v3+s3+$0x0], $0xffff  }
0x3cd: {  	[tilespmem:s30+$0xFFFFFFF0] =	vst v58;
	v4 =	vld.idx.msk [tilespmem:v4+s3+$0x0], $0xffff  }
0x3ce: {  	s29 =	sadd.s32 $0x40, s0;
	[tilespmem:s0+$0xFFFFFFE0] =	vst v7;
	v5 =	vld.idx.msk [tilespmem:v5+s3+$0x0], $0xffff  }
0x3cf: {  	[tilespmem:s29+$0x0] =	vst v60  }
0x3d0: {  	[tilespmem:s0+$0xFFFFFFF0] =	vst v63  }
0x3d1: {  	[tilespmem:s29+$0xFFFFFFD0] =	vst v3  }
0x3d2: {  	[tilespmem:s29+$0xFFFFFFE0] =	vst v4  }
0x3d3: {  	[tilespmem:s29+$0xFFFFFFF0] =	vst v5  }
0x3d4: {  	[hbm4b:s11+s3] =	stream.linear.scatter [tilespmem:s25], [sflag:$0x5], $0x1000, $0x38;
	[tilespmem:$0x8400] =	vst v63  }
0x3d5: {  	_ =	swait.ge [sflag:s26], $0x1000  }
0x3d6: {  	[sflag:s26] =	ssyncset.done $0x0  }
0x3d7: {  	[sflag:s26] =	ssyncadd.s32 $0xFFFFF000  }
0x3d8: {  	_ =	swait.ge [sflag:s26], $0x1000  }
0x3d9: {  	[sflag:s26] =	ssyncset.done $0x0  }
0x3da: {  	s28 =	sadd.s32 $0x1, s28;
	[sflag:s26] =	ssyncadd.s32 $0xFFFFF000  }
0x3db: {  	p0 =	sne.s32 s28, s12;
	_ =	swait.ge [sflag:s26], $0x1000  }
.Ltmp4:
0x3dc: {  	[sflag:s26] =	ssyncset.done $0x0;
	(pc) =	sbr.rel @p0 .LBB2_1-.Ltmp4, $4  }
0x3dd: {  	[sflag:s26] =	ssyncadd.s32 $0xFFFFF000  }
0x3de: {  	_ =	swait.ge [sflag:s26], $0x1000  }
0x3df: {  	[sflag:s26] =	ssyncset.done $0x0  }
0x3e0: {  	[sflag:s26] =	ssyncadd.s32 $0xFFFFF000  }
0x3e1: {  	_ =	sfence.sel $0x180000  }
0x3e2: {  	[bflag:$0x0] =	sbarrier.arrive $0xFFFF  }
0x3e3: {  	_ =	strace $0x90000047  }
0x3e4: {  	[bflag:$0x2] =	sbarrier.arrive $0xFFFF  }
0x3e5: {  	p0 =	sne.s32 s2, $0x0;
	s0 =	rddreg [dreg:$0x3]  }
0x3e6: {  	s0 =	sadd.s32 @!p0 $0x100000, s0  }
0x3e7: {  	[sflag:s0] =	ssyncadd.tile.s32 @!p0 $0x1;
	_ =	shalt  }
.Lfunc_end2:
_tile_overlayer_lowered:
.L_overlay_start_2:
0x3e8: {  	(tag) =	ssettag $0x2  }
0x3e9: {  	s0 =	rddreg [dreg:$0x0];
	s2 =	stileid.u32  }
0x3ea: {  	s1 =	rddreg [dreg:$0x1];
	p0 =	sne.s32 s2, $0x0  }
0x3eb: {  	s3 =	rddreg [dreg:$0x2];
	[bflag:$0x3] =	sbarrier.arrive $0xFFFF;
	s2 =	simm.s32 @!p0 $0x1C06  }
0x3ec: {  	[timem:s3], [sflag:s2] =	dma.local @!p0 [hbm:s0], s1  }
0x3ed: {  	s0 =	simm.s32 @!p0 $0x6  }
0x3ee: {  	_ =	swait.ge @!p0 [sflag:s0], s1  }
0x3ef: {  	s1 =	ssub.s32 @!p0 $0x0, s1;
	[sflag:s0] =	ssyncset.done @!p0 $0x0  }
0x3f0: {  	[sflag:s0] =	ssyncadd.s32 @!p0 s1  }
0x3f1: {  	[bflag:$0x3] =	sbarrier.arrive $0xFFFF  }
0x3f2: {  	_ =	shalt  }

</sc_bundles>
